<compile_context>
chip_gen: v7x
topology: tpu7x:2x2x1
jax: 0.10.2.dev20260603
libtpu: 0.0.44.dev20260713+nightly
codegen_flags: <defaults>
</compile_context>

<pallas_src>
import functools

import jax
import jax.numpy as jnp
from jax import lax
from jax.experimental import pallas as pl
from jax.experimental.pallas import tpu as pltpu
from jax.experimental.pallas import tpu_sc as plsc

L = 16
NC, NS = 2, 16
NW = NC * NS
NSLOT = 4


def kernel(objs, vectors, lengths):
    B, = objs.shape
    N, P, D = vectors.shape
    row = P * D
    vec2d = vectors.reshape(N, row)

    bpw = B // NW
    C = 32
    nch = bpw // C
    LCH = 128

    mesh = plsc.VectorSubcoreMesh(core_axis_name="c", subcore_axis_name="s",
                                  num_cores=NC, num_subcores=NS)

    @functools.partial(
        pl.kernel,
        out_type=jax.ShapeDtypeStruct((B, D), jnp.float32),
        mesh=mesh,
        compiler_params=pltpu.CompilerParams(use_tc_tiling_on_sc=True),
        scratch_types=[
            pltpu.VMEM((bpw,), jnp.int32),
            pltpu.VMEM((bpw,), jnp.int32),
            pltpu.VMEM((bpw + L,), jnp.float32),
            [pltpu.VMEM((C, row), jnp.float32) for _ in range(NSLOT)],
            [pltpu.VMEM((C, D), jnp.float32) for _ in range(NSLOT)],
            pltpu.SemaphoreType.DMA,
            [pltpu.SemaphoreType.DMA for _ in range(NSLOT)],
            [pltpu.SemaphoreType.DMA for _ in range(NSLOT)],
        ],
    )
    def sc_kernel(objs_hbm, vec_hbm, len_hbm, out_hbm,
                  idx_v, lens_v, recip_v, bufs, obufs,
                  lsem, sems, osems):
        wid = lax.axis_index("s") * NC + lax.axis_index("c")
        base = wid * bpw

        pltpu.sync_copy(objs_hbm.at[pl.ds(base, bpw)], idx_v)

        lens_handles = [
            pltpu.async_copy(len_hbm.at[idx_v.at[pl.ds(k * LCH, LCH)]],
                             lens_v.at[pl.ds(k * LCH, LCH)], lsem)
            for k in range(bpw // LCH)
        ]

        def fire(c, b):
            pltpu.async_copy(
                vec_hbm.at[idx_v.at[pl.ds(c * C, C)]], bufs[b], sems[b])

        for b in range(NSLOT):
            fire(b, b)

        for h in lens_handles:
            h.wait()
        for g in range(bpw // L):
            lv = lens_v[pl.ds(g * L, L)]
            recip_v[pl.ds(g * L, L)] = 1.0 / (lv.astype(jnp.float32) + 1e-5)

        zero_idx = jnp.zeros((L, 1), jnp.int32)
        bcast_dnums = lax.GatherDimensionNumbers(
            offset_dims=(), collapsed_slice_dims=(0,), start_index_map=(0,))

        def bcast0(v):
            return lax.gather(v, zero_idx, bcast_dnums, (1,),
                              mode=lax.GatherScatterMode.PROMISE_IN_BOUNDS)

        def out_wait(b):
            pltpu.make_async_copy(
                obufs[b], out_hbm.at[pl.ds(base, C)], osems[b]).wait()

        def body(i, _):
            for b in range(NSLOT):
                c = NSLOT * i + b

                @pl.when(c >= NSLOT)
                def _drain(b=b):
                    out_wait(b)

                pltpu.make_async_copy(
                    vec_hbm.at[idx_v.at[pl.ds(0, C)]], bufs[b], sems[b]).wait()

                def obj_body(k, _, b=b, c=c):
                    rcp = bcast0(recip_v[pl.ds(c * C + k, L)])
                    for db in range(D // L):
                        acc = bufs[b][k, pl.ds(db * L, L)]
                        for p in range(1, P):
                            acc = acc + bufs[b][k, pl.ds(p * D + db * L, L)]
                        obufs[b][k, pl.ds(db * L, L)] = acc * rcp
                    return 0

                lax.fori_loop(0, C, obj_body, 0)

                @pl.when(c + NSLOT < nch)
                def _fire(c=c, b=b):
                    fire(c + NSLOT, b)

                pltpu.async_copy(
                    obufs[b], out_hbm.at[pl.ds(base + c * C, C)], osems[b])
            return 0

        lax.fori_loop(0, nch // NSLOT, body, 0)

        for b in range(NSLOT):
            out_wait(b)

    return sc_kernel(objs, vec2d, lengths)

# --- scband reference (transcript-rebuilt; emitter-appended) ---
"""Pipeline reference for scband-tfvector-rep-randomizer-pool-88923002896591 (READ-ONLY COPY).

The authoritative reference and input builder live on the scoring server;
editing this copy changes nothing except your own understanding.
"""

import jax, jax.numpy as jnp
import numpy as np

POOL_SIZE = 8
DIM = 64
N_POOLS = 100000
BATCH = 16384


def setup_inputs(seed: int = 0) -> dict:
    key = jax.random.key(seed)
    k1, k2, k3 = jax.random.split(key, 3)
    # forward arg per input_specs (int32 used to avoid requiring jax x64 mode)
    objs = jax.random.randint(k1, (BATCH,), 0, N_POOLS, dtype=jnp.int32)
    # module state (vectors / lengths Variables), materialized non-trivially so the
    # gather + masked-mean math is exercised (zeros would make the output all-zero)
    vectors = jax.random.normal(k2, (N_POOLS, POOL_SIZE, DIM), dtype=jnp.float32)
    lengths = jax.random.randint(k3, (N_POOLS,), 1, POOL_SIZE + 1, dtype=jnp.int32)
    return {"objs": objs, "vectors": vectors, "lengths": lengths}


def reference(objs, vectors, lengths):
    # Faithful translation of TFVectorRepRandomizerPool.query_avgs:
    #   vecs = tf.gather(self.vectors, objs, axis=0)
    #   lens = tf.gather(self.lengths, objs, axis=0)
    #   return tf.reduce_sum(vecs, axis=1) / (tf.cast(lens, float32) + 1e-05)[:, None]
    vecs = jnp.take(vectors, objs, axis=0)          # [B, pool_size, dim] gather
    lens = jnp.take(lengths, objs, axis=0)          # [B] gather
    denom = lens.astype(jnp.float32) + 1e-05
    return jnp.sum(vecs, axis=1) / denom[:, None]   # [B, dim]

if __name__ == "__main__":
    import jax
    _d = setup_inputs()
    print(jax.jit(kernel)(*tuple(_d.values())))

</pallas_src>

<mosaic_0001>
#map = affine_map<(d0, d1) -> (0)>
#map1 = affine_map<(d0, d1) -> (0, 0)>
module attributes {stable_mosaic.version = 14 : i64} {
  func.func @sc_kernel(%arg0: i32, %arg1: i32, %arg2: memref<16384xi32, #tpu.memory_space<hbm>>, %arg3: memref<100000x512xf32, #tpu.memory_space<hbm>>, %arg4: memref<100000xi32, #tpu.memory_space<hbm>>, %arg5: memref<16384x64xf32, #tpu.memory_space<hbm>>, %arg6: memref<512xi32, #tpu.memory_space<vmem>>, %arg7: memref<512xi32, #tpu.memory_space<vmem>>, %arg8: memref<528xf32, #tpu.memory_space<vmem>>, %arg9: memref<32x512xf32, #tpu.memory_space<vmem>>, %arg10: memref<32x512xf32, #tpu.memory_space<vmem>>, %arg11: memref<32x512xf32, #tpu.memory_space<vmem>>, %arg12: memref<32x512xf32, #tpu.memory_space<vmem>>, %arg13: memref<32x64xf32, #tpu.memory_space<vmem>>, %arg14: memref<32x64xf32, #tpu.memory_space<vmem>>, %arg15: memref<32x64xf32, #tpu.memory_space<vmem>>, %arg16: memref<32x64xf32, #tpu.memory_space<vmem>>, %arg17: memref<!tpu.dma_semaphore, #tpu.memory_space<semaphore_mem>>, %arg18: memref<!tpu.dma_semaphore, #tpu.memory_space<semaphore_mem>>, %arg19: memref<!tpu.dma_semaphore, #tpu.memory_space<semaphore_mem>>, %arg20: memref<!tpu.dma_semaphore, #tpu.memory_space<semaphore_mem>>, %arg21: memref<!tpu.dma_semaphore, #tpu.memory_space<semaphore_mem>>, %arg22: memref<!tpu.dma_semaphore, #tpu.memory_space<semaphore_mem>>, %arg23: memref<!tpu.dma_semaphore, #tpu.memory_space<semaphore_mem>>, %arg24: memref<!tpu.dma_semaphore, #tpu.memory_space<semaphore_mem>>, %arg25: memref<!tpu.dma_semaphore, #tpu.memory_space<semaphore_mem>>) attributes {dimension_semantics = [#tpu.dimension_semantics<core_parallel>, #tpu.dimension_semantics<subcore_parallel>], iteration_bounds = array<i64: 2, 16>, scalar_prefetch = 0 : i64, scratch_operands = 20 : i64, tpu.core_type = #tpu.core_type<sc_vector_subcore>, window_params = [{transform_indices = #map}, {transform_indices = #map1}, {transform_indices = #map}, {transform_indices = #map1}]} {
    %mul3A = arith.constant 2 : i32
    %mul3A_0 = arith.muli %arg1, %mul3A : i32
    %add3A = arith.addi %mul3A_0, %arg0 : i32
    %mul3A_1 = arith.constant 512 : i32
    %mul3A_2 = arith.muli %add3A, %mul3A_1 : i32
    "tpu.region"() ({
      %run_scoped3A = tpu.sem_alloc : memref<!tpu.dma_semaphore, #tpu.memory_space<semaphore_mem>>
      %dma_start3A_536 = tpu.memref_slice %arg2[%mul3A_2] : memref<16384xi32, #tpu.memory_space<hbm>> -> memref<512xi32, #tpu.memory_space<hbm>>
      %dma_start3A_537 = tpu.memref_slice %arg2[%mul3A_2] : memref<16384xi32, #tpu.memory_space<hbm>> -> memref<512xi32, #tpu.memory_space<hbm>>
      tpu.enqueue_dma source(%dma_start3A_537 : memref<512xi32, #tpu.memory_space<hbm>>) target(%arg6 : memref<512xi32, #tpu.memory_space<vmem>>) target_semaphore(%run_scoped3A : memref<!tpu.dma_semaphore, #tpu.memory_space<semaphore_mem>>)
      %dma_wait3A_538 = tpu.memref_slice %arg2[%mul3A_2] : memref<16384xi32, #tpu.memory_space<hbm>> -> memref<512xi32, #tpu.memory_space<hbm>>
      %dma_wait3A_539 = tpu.memref_slice %arg2[%mul3A_2] : memref<16384xi32, #tpu.memory_space<hbm>> -> memref<512xi32, #tpu.memory_space<hbm>>
      tpu.wait_dma2 semaphore(%run_scoped3A : memref<!tpu.dma_semaphore, #tpu.memory_space<semaphore_mem>>) src(%dma_wait3A_539 : memref<512xi32, #tpu.memory_space<hbm>>) dst(%arg6 : memref<512xi32, #tpu.memory_space<vmem>>)
      tpu.yield
    }) : () -> ()
    %dma_start3A = arith.constant 0 : i32
    %dma_start3A_3 = tpu.memref_slice %arg7[%dma_start3A] : memref<512xi32, #tpu.memory_space<vmem>> -> memref<128xi32, #tpu.memory_space<vmem>>
    %dma_start3A_4 = arith.constant 0 : i32
    %dma_start3A_5 = tpu.memref_slice %arg6[%dma_start3A_4] : memref<512xi32, #tpu.memory_space<vmem>> -> memref<128xi32, #tpu.memory_space<vmem>>
    %dma_start3A_6 = arith.constant 0 : i32
    %dma_start3A_7 = tpu.memref_slice %arg4[%dma_start3A_6] : memref<100000xi32, #tpu.memory_space<hbm>> -> memref<100000xi32, #tpu.memory_space<hbm>>
    tpu.enqueue_indirect_dma source(%dma_start3A_7 : memref<100000xi32, #tpu.memory_space<hbm>>) target(%dma_start3A_3 : memref<128xi32, #tpu.memory_space<vmem>>) offsets(%dma_start3A_5 : memref<128xi32, #tpu.memory_space<vmem>>) semaphore(%arg17 : memref<!tpu.dma_semaphore, #tpu.memory_space<semaphore_mem>>)
    %dma_start3A_8 = arith.constant 128 : i32
    %dma_start3A_9 = tpu.memref_slice %arg7[%dma_start3A_8] : memref<512xi32, #tpu.memory_space<vmem>> -> memref<128xi32, #tpu.memory_space<vmem>>
    %dma_start3A_10 = arith.constant 128 : i32
    %dma_start3A_11 = tpu.memref_slice %arg6[%dma_start3A_10] : memref<512xi32, #tpu.memory_space<vmem>> -> memref<128xi32, #tpu.memory_space<vmem>>
    %dma_start3A_12 = arith.constant 0 : i32
    %dma_start3A_13 = tpu.memref_slice %arg4[%dma_start3A_12] : memref<100000xi32, #tpu.memory_space<hbm>> -> memref<100000xi32, #tpu.memory_space<hbm>>
    tpu.enqueue_indirect_dma source(%dma_start3A_13 : memref<100000xi32, #tpu.memory_space<hbm>>) target(%dma_start3A_9 : memref<128xi32, #tpu.memory_space<vmem>>) offsets(%dma_start3A_11 : memref<128xi32, #tpu.memory_space<vmem>>) semaphore(%arg17 : memref<!tpu.dma_semaphore, #tpu.memory_space<semaphore_mem>>)
    %dma_start3A_14 = arith.constant 256 : i32
    %dma_start3A_15 = tpu.memref_slice %arg7[%dma_start3A_14] : memref<512xi32, #tpu.memory_space<vmem>> -> memref<128xi32, #tpu.memory_space<vmem>>
    %dma_start3A_16 = arith.constant 256 : i32
    %dma_start3A_17 = tpu.memref_slice %arg6[%dma_start3A_16] : memref<512xi32, #tpu.memory_space<vmem>> -> memref<128xi32, #tpu.memory_space<vmem>>
    %dma_start3A_18 = arith.constant 0 : i32
    %dma_start3A_19 = tpu.memref_slice %arg4[%dma_start3A_18] : memref<100000xi32, #tpu.memory_space<hbm>> -> memref<100000xi32, #tpu.memory_space<hbm>>
    tpu.enqueue_indirect_dma source(%dma_start3A_19 : memref<100000xi32, #tpu.memory_space<hbm>>) target(%dma_start3A_15 : memref<128xi32, #tpu.memory_space<vmem>>) offsets(%dma_start3A_17 : memref<128xi32, #tpu.memory_space<vmem>>) semaphore(%arg17 : memref<!tpu.dma_semaphore, #tpu.memory_space<semaphore_mem>>)
    %dma_start3A_20 = arith.constant 384 : i32
    %dma_start3A_21 = tpu.memref_slice %arg7[%dma_start3A_20] : memref<512xi32, #tpu.memory_space<vmem>> -> memref<128xi32, #tpu.memory_space<vmem>>
    %dma_start3A_22 = arith.constant 384 : i32
    %dma_start3A_23 = tpu.memref_slice %arg6[%dma_start3A_22] : memref<512xi32, #tpu.memory_space<vmem>> -> memref<128xi32, #tpu.memory_space<vmem>>
    %dma_start3A_24 = arith.constant 0 : i32
    %dma_start3A_25 = tpu.memref_slice %arg4[%dma_start3A_24] : memref<100000xi32, #tpu.memory_space<hbm>> -> memref<100000xi32, #tpu.memory_space<hbm>>
    tpu.enqueue_indirect_dma source(%dma_start3A_25 : memref<100000xi32, #tpu.memory_space<hbm>>) target(%dma_start3A_21 : memref<128xi32, #tpu.memory_space<vmem>>) offsets(%dma_start3A_23 : memref<128xi32, #tpu.memory_space<vmem>>) semaphore(%arg17 : memref<!tpu.dma_semaphore, #tpu.memory_space<semaphore_mem>>)
    %dma_start3A_26 = arith.constant 0 : i32
    %dma_start3A_27 = tpu.memref_slice %arg6[%dma_start3A_26] : memref<512xi32, #tpu.memory_space<vmem>> -> memref<32xi32, #tpu.memory_space<vmem>>
    %dma_start3A_28 = arith.constant 0 : i32
    %dma_start3A_29 = arith.constant 0 : i32
    %dma_start3A_30 = tpu.memref_slice %arg3[%dma_start3A_28, %dma_start3A_29] : memref<100000x512xf32, #tpu.memory_space<hbm>> -> memref<100000x512xf32, #tpu.memory_space<hbm>>
    tpu.enqueue_indirect_dma source(%dma_start3A_30 : memref<100000x512xf32, #tpu.memory_space<hbm>>) target(%arg9 : memref<32x512xf32, #tpu.memory_space<vmem>>) offsets(%dma_start3A_27 : memref<32xi32, #tpu.memory_space<vmem>>) semaphore(%arg18 : memref<!tpu.dma_semaphore, #tpu.memory_space<semaphore_mem>>)
    %dma_start3A_31 = arith.constant 32 : i32
    %dma_start3A_32 = tpu.memref_slice %arg6[%dma_start3A_31] : memref<512xi32, #tpu.memory_space<vmem>> -> memref<32xi32, #tpu.memory_space<vmem>>
    %dma_start3A_33 = arith.constant 0 : i32
    %dma_start3A_34 = arith.constant 0 : i32
    %dma_start3A_35 = tpu.memref_slice %arg3[%dma_start3A_33, %dma_start3A_34] : memref<100000x512xf32, #tpu.memory_space<hbm>> -> memref<100000x512xf32, #tpu.memory_space<hbm>>
    tpu.enqueue_indirect_dma source(%dma_start3A_35 : memref<100000x512xf32, #tpu.memory_space<hbm>>) target(%arg10 : memref<32x512xf32, #tpu.memory_space<vmem>>) offsets(%dma_start3A_32 : memref<32xi32, #tpu.memory_space<vmem>>) semaphore(%arg19 : memref<!tpu.dma_semaphore, #tpu.memory_space<semaphore_mem>>)
    %dma_start3A_36 = arith.constant 64 : i32
    %dma_start3A_37 = tpu.memref_slice %arg6[%dma_start3A_36] : memref<512xi32, #tpu.memory_space<vmem>> -> memref<32xi32, #tpu.memory_space<vmem>>
    %dma_start3A_38 = arith.constant 0 : i32
    %dma_start3A_39 = arith.constant 0 : i32
    %dma_start3A_40 = tpu.memref_slice %arg3[%dma_start3A_38, %dma_start3A_39] : memref<100000x512xf32, #tpu.memory_space<hbm>> -> memref<100000x512xf32, #tpu.memory_space<hbm>>
    tpu.enqueue_indirect_dma source(%dma_start3A_40 : memref<100000x512xf32, #tpu.memory_space<hbm>>) target(%arg11 : memref<32x512xf32, #tpu.memory_space<vmem>>) offsets(%dma_start3A_37 : memref<32xi32, #tpu.memory_space<vmem>>) semaphore(%arg20 : memref<!tpu.dma_semaphore, #tpu.memory_space<semaphore_mem>>)
    %dma_start3A_41 = arith.constant 96 : i32
    %dma_start3A_42 = tpu.memref_slice %arg6[%dma_start3A_41] : memref<512xi32, #tpu.memory_space<vmem>> -> memref<32xi32, #tpu.memory_space<vmem>>
    %dma_start3A_43 = arith.constant 0 : i32
    %dma_start3A_44 = arith.constant 0 : i32
    %dma_start3A_45 = tpu.memref_slice %arg3[%dma_start3A_43, %dma_start3A_44] : memref<100000x512xf32, #tpu.memory_space<hbm>> -> memref<100000x512xf32, #tpu.memory_space<hbm>>
    tpu.enqueue_indirect_dma source(%dma_start3A_45 : memref<100000x512xf32, #tpu.memory_space<hbm>>) target(%arg12 : memref<32x512xf32, #tpu.memory_space<vmem>>) offsets(%dma_start3A_42 : memref<32xi32, #tpu.memory_space<vmem>>) semaphore(%arg21 : memref<!tpu.dma_semaphore, #tpu.memory_space<semaphore_mem>>)
    %dma_wait3A = arith.constant 0 : i32
    %dma_wait3A_46 = tpu.memref_slice %arg7[%dma_wait3A] : memref<512xi32, #tpu.memory_space<vmem>> -> memref<128xi32, #tpu.memory_space<vmem>>
    %dma_wait3A_47 = arith.constant 0 : i32
    %dma_wait3A_48 = tpu.memref_slice %arg6[%dma_wait3A_47] : memref<512xi32, #tpu.memory_space<vmem>> -> memref<128xi32, #tpu.memory_space<vmem>>
    %dma_wait3A_49 = arith.constant 0 : i32
    %dma_wait3A_50 = tpu.memref_slice %arg4[%dma_wait3A_49] : memref<100000xi32, #tpu.memory_space<hbm>> -> memref<100000xi32, #tpu.memory_space<hbm>>
    tpu.wait_indirect_dma semaphore(%arg17 : memref<!tpu.dma_semaphore, #tpu.memory_space<semaphore_mem>>) src(%dma_wait3A_50 : memref<100000xi32, #tpu.memory_space<hbm>>) dst(%dma_wait3A_46 : memref<128xi32, #tpu.memory_space<vmem>>)
    %dma_wait3A_51 = arith.constant 128 : i32
    %dma_wait3A_52 = tpu.memref_slice %arg7[%dma_wait3A_51] : memref<512xi32, #tpu.memory_space<vmem>> -> memref<128xi32, #tpu.memory_space<vmem>>
    %dma_wait3A_53 = arith.constant 128 : i32
    %dma_wait3A_54 = tpu.memref_slice %arg6[%dma_wait3A_53] : memref<512xi32, #tpu.memory_space<vmem>> -> memref<128xi32, #tpu.memory_space<vmem>>
    %dma_wait3A_55 = arith.constant 0 : i32
    %dma_wait3A_56 = tpu.memref_slice %arg4[%dma_wait3A_55] : memref<100000xi32, #tpu.memory_space<hbm>> -> memref<100000xi32, #tpu.memory_space<hbm>>
    tpu.wait_indirect_dma semaphore(%arg17 : memref<!tpu.dma_semaphore, #tpu.memory_space<semaphore_mem>>) src(%dma_wait3A_56 : memref<100000xi32, #tpu.memory_space<hbm>>) dst(%dma_wait3A_52 : memref<128xi32, #tpu.memory_space<vmem>>)
    %dma_wait3A_57 = arith.constant 256 : i32
    %dma_wait3A_58 = tpu.memref_slice %arg7[%dma_wait3A_57] : memref<512xi32, #tpu.memory_space<vmem>> -> memref<128xi32, #tpu.memory_space<vmem>>
    %dma_wait3A_59 = arith.constant 256 : i32
    %dma_wait3A_60 = tpu.memref_slice %arg6[%dma_wait3A_59] : memref<512xi32, #tpu.memory_space<vmem>> -> memref<128xi32, #tpu.memory_space<vmem>>
    %dma_wait3A_61 = arith.constant 0 : i32
    %dma_wait3A_62 = tpu.memref_slice %arg4[%dma_wait3A_61] : memref<100000xi32, #tpu.memory_space<hbm>> -> memref<100000xi32, #tpu.memory_space<hbm>>
    tpu.wait_indirect_dma semaphore(%arg17 : memref<!tpu.dma_semaphore, #tpu.memory_space<semaphore_mem>>) src(%dma_wait3A_62 : memref<100000xi32, #tpu.memory_space<hbm>>) dst(%dma_wait3A_58 : memref<128xi32, #tpu.memory_space<vmem>>)
    %dma_wait3A_63 = arith.constant 384 : i32
    %dma_wait3A_64 = tpu.memref_slice %arg7[%dma_wait3A_63] : memref<512xi32, #tpu.memory_space<vmem>> -> memref<128xi32, #tpu.memory_space<vmem>>
    %dma_wait3A_65 = arith.constant 384 : i32
    %dma_wait3A_66 = tpu.memref_slice %arg6[%dma_wait3A_65] : memref<512xi32, #tpu.memory_space<vmem>> -> memref<128xi32, #tpu.memory_space<vmem>>
    %dma_wait3A_67 = arith.constant 0 : i32
    %dma_wait3A_68 = tpu.memref_slice %arg4[%dma_wait3A_67] : memref<100000xi32, #tpu.memory_space<hbm>> -> memref<100000xi32, #tpu.memory_space<hbm>>
    tpu.wait_indirect_dma semaphore(%arg17 : memref<!tpu.dma_semaphore, #tpu.memory_space<semaphore_mem>>) src(%dma_wait3A_68 : memref<100000xi32, #tpu.memory_space<hbm>>) dst(%dma_wait3A_64 : memref<128xi32, #tpu.memory_space<vmem>>)
    %get3A = arith.constant 0 : index
    %get3A_69 = tpu.vector_load %arg7[%get3A] {strides = array<i32>} : memref<512xi32, #tpu.memory_space<vmem>>, vector<16xi32>,
    %get3A_70 = vector.shape_cast %get3A_69 : vector<16xi32> to vector<16xi32>
    %convert_element_type3A = arith.sitofp %get3A_70 : vector<16xi32> to vector<16xf32>
    %add3A_71 = arith.constant 9.99999974E-6 : f32
    %add3A_72 = vector.broadcast %add3A_71 : f32 to vector<16xf32>
    %add3A_73 = arith.addf %convert_element_type3A, %add3A_72 : vector<16xf32>
    %div3A = arith.constant 1.000000e+00 : f32
    %div3A_74 = vector.broadcast %div3A : f32 to vector<16xf32>
    %div3A_75 = arith.divf %div3A_74, %add3A_73 : vector<16xf32>
    %swap3A = arith.constant 0 : index
    %swap3A_76 = tpu.vector_load %arg8[%swap3A] {strides = array<i32>} : memref<528xf32, #tpu.memory_space<vmem>>, vector<16xf32>,
    %swap3A_77 = vector.shape_cast %swap3A_76 : vector<16xf32> to vector<16xf32>
    %swap3A_78 = vector.shape_cast %div3A_75 : vector<16xf32> to vector<16xf32>
    tpu.vector_store %arg8[%swap3A], %swap3A_78 {strides = array<i32>} : memref<528xf32, #tpu.memory_space<vmem>>, vector<16xf32>,
    %get3A_79 = arith.constant 16 : index
    %get3A_80 = tpu.vector_load %arg7[%get3A_79] {strides = array<i32>} : memref<512xi32, #tpu.memory_space<vmem>>, vector<16xi32>,
    %get3A_81 = vector.shape_cast %get3A_80 : vector<16xi32> to vector<16xi32>
    %convert_element_type3A_82 = arith.sitofp %get3A_81 : vector<16xi32> to vector<16xf32>
    %add3A_83 = arith.constant 9.99999974E-6 : f32
    %add3A_84 = vector.broadcast %add3A_83 : f32 to vector<16xf32>
    %add3A_85 = arith.addf %convert_element_type3A_82, %add3A_84 : vector<16xf32>
    %div3A_86 = arith.constant 1.000000e+00 : f32
    %div3A_87 = vector.broadcast %div3A_86 : f32 to vector<16xf32>
    %div3A_88 = arith.divf %div3A_87, %add3A_85 : vector<16xf32>
    %swap3A_89 = arith.constant 16 : index
    %swap3A_90 = tpu.vector_load %arg8[%swap3A_89] {strides = array<i32>} : memref<528xf32, #tpu.memory_space<vmem>>, vector<16xf32>,
    %swap3A_91 = vector.shape_cast %swap3A_90 : vector<16xf32> to vector<16xf32>
    %swap3A_92 = vector.shape_cast %div3A_88 : vector<16xf32> to vector<16xf32>
    tpu.vector_store %arg8[%swap3A_89], %swap3A_92 {strides = array<i32>} : memref<528xf32, #tpu.memory_space<vmem>>, vector<16xf32>,
    %get3A_93 = arith.constant 32 : index
    %get3A_94 = tpu.vector_load %arg7[%get3A_93] {strides = array<i32>} : memref<512xi32, #tpu.memory_space<vmem>>, vector<16xi32>,
    %get3A_95 = vector.shape_cast %get3A_94 : vector<16xi32> to vector<16xi32>
    %convert_element_type3A_96 = arith.sitofp %get3A_95 : vector<16xi32> to vector<16xf32>
    %add3A_97 = arith.constant 9.99999974E-6 : f32
    %add3A_98 = vector.broadcast %add3A_97 : f32 to vector<16xf32>
    %add3A_99 = arith.addf %convert_element_type3A_96, %add3A_98 : vector<16xf32>
    %div3A_100 = arith.constant 1.000000e+00 : f32
    %div3A_101 = vector.broadcast %div3A_100 : f32 to vector<16xf32>
    %div3A_102 = arith.divf %div3A_101, %add3A_99 : vector<16xf32>
    %swap3A_103 = arith.constant 32 : index
    %swap3A_104 = tpu.vector_load %arg8[%swap3A_103] {strides = array<i32>} : memref<528xf32, #tpu.memory_space<vmem>>, vector<16xf32>,
    %swap3A_105 = vector.shape_cast %swap3A_104 : vector<16xf32> to vector<16xf32>
    %swap3A_106 = vector.shape_cast %div3A_102 : vector<16xf32> to vector<16xf32>
    tpu.vector_store %arg8[%swap3A_103], %swap3A_106 {strides = array<i32>} : memref<528xf32, #tpu.memory_space<vmem>>, vector<16xf32>,
    %get3A_107 = arith.constant 48 : index
    %get3A_108 = tpu.vector_load %arg7[%get3A_107] {strides = array<i32>} : memref<512xi32, #tpu.memory_space<vmem>>, vector<16xi32>,
    %get3A_109 = vector.shape_cast %get3A_108 : vector<16xi32> to vector<16xi32>
    %convert_element_type3A_110 = arith.sitofp %get3A_109 : vector<16xi32> to vector<16xf32>
    %add3A_111 = arith.constant 9.99999974E-6 : f32
    %add3A_112 = vector.broadcast %add3A_111 : f32 to vector<16xf32>
    %add3A_113 = arith.addf %convert_element_type3A_110, %add3A_112 : vector<16xf32>
    %div3A_114 = arith.constant 1.000000e+00 : f32
    %div3A_115 = vector.broadcast %div3A_114 : f32 to vector<16xf32>
    %div3A_116 = arith.divf %div3A_115, %add3A_113 : vector<16xf32>
    %swap3A_117 = arith.constant 48 : index
    %swap3A_118 = tpu.vector_load %arg8[%swap3A_117] {strides = array<i32>} : memref<528xf32, #tpu.memory_space<vmem>>, vector<16xf32>,
    %swap3A_119 = vector.shape_cast %swap3A_118 : vector<16xf32> to vector<16xf32>
    %swap3A_120 = vector.shape_cast %div3A_116 : vector<16xf32> to vector<16xf32>
    tpu.vector_store %arg8[%swap3A_117], %swap3A_120 {strides = array<i32>} : memref<528xf32, #tpu.memory_space<vmem>>, vector<16xf32>,
    %get3A_121 = arith.constant 64 : index
    %get3A_122 = tpu.vector_load %arg7[%get3A_121] {strides = array<i32>} : memref<512xi32, #tpu.memory_space<vmem>>, vector<16xi32>,
    %get3A_123 = vector.shape_cast %get3A_122 : vector<16xi32> to vector<16xi32>
    %convert_element_type3A_124 = arith.sitofp %get3A_123 : vector<16xi32> to vector<16xf32>
    %add3A_125 = arith.constant 9.99999974E-6 : f32
    %add3A_126 = vector.broadcast %add3A_125 : f32 to vector<16xf32>
    %add3A_127 = arith.addf %convert_element_type3A_124, %add3A_126 : vector<16xf32>
    %div3A_128 = arith.constant 1.000000e+00 : f32
    %div3A_129 = vector.broadcast %div3A_128 : f32 to vector<16xf32>
    %div3A_130 = arith.divf %div3A_129, %add3A_127 : vector<16xf32>
    %swap3A_131 = arith.constant 64 : index
    %swap3A_132 = tpu.vector_load %arg8[%swap3A_131] {strides = array<i32>} : memref<528xf32, #tpu.memory_space<vmem>>, vector<16xf32>,
    %swap3A_133 = vector.shape_cast %swap3A_132 : vector<16xf32> to vector<16xf32>
    %swap3A_134 = vector.shape_cast %div3A_130 : vector<16xf32> to vector<16xf32>
    tpu.vector_store %arg8[%swap3A_131], %swap3A_134 {strides = array<i32>} : memref<528xf32, #tpu.memory_space<vmem>>, vector<16xf32>,
    %get3A_135 = arith.constant 80 : index
    %get3A_136 = tpu.vector_load %arg7[%get3A_135] {strides = array<i32>} : memref<512xi32, #tpu.memory_space<vmem>>, vector<16xi32>,
    %get3A_137 = vector.shape_cast %get3A_136 : vector<16xi32> to vector<16xi32>
    %convert_element_type3A_138 = arith.sitofp %get3A_137 : vector<16xi32> to vector<16xf32>
    %add3A_139 = arith.constant 9.99999974E-6 : f32
    %add3A_140 = vector.broadcast %add3A_139 : f32 to vector<16xf32>
    %add3A_141 = arith.addf %convert_element_type3A_138, %add3A_140 : vector<16xf32>
    %div3A_142 = arith.constant 1.000000e+00 : f32
    %div3A_143 = vector.broadcast %div3A_142 : f32 to vector<16xf32>
    %div3A_144 = arith.divf %div3A_143, %add3A_141 : vector<16xf32>
    %swap3A_145 = arith.constant 80 : index
    %swap3A_146 = tpu.vector_load %arg8[%swap3A_145] {strides = array<i32>} : memref<528xf32, #tpu.memory_space<vmem>>, vector<16xf32>,
    %swap3A_147 = vector.shape_cast %swap3A_146 : vector<16xf32> to vector<16xf32>
    %swap3A_148 = vector.shape_cast %div3A_144 : vector<16xf32> to vector<16xf32>
    tpu.vector_store %arg8[%swap3A_145], %swap3A_148 {strides = array<i32>} : memref<528xf32, #tpu.memory_space<vmem>>, vector<16xf32>,
    %get3A_149 = arith.constant 96 : index
    %get3A_150 = tpu.vector_load %arg7[%get3A_149] {strides = array<i32>} : memref<512xi32, #tpu.memory_space<vmem>>, vector<16xi32>,
    %get3A_151 = vector.shape_cast %get3A_150 : vector<16xi32> to vector<16xi32>
    %convert_element_type3A_152 = arith.sitofp %get3A_151 : vector<16xi32> to vector<16xf32>
    %add3A_153 = arith.constant 9.99999974E-6 : f32
    %add3A_154 = vector.broadcast %add3A_153 : f32 to vector<16xf32>
    %add3A_155 = arith.addf %convert_element_type3A_152, %add3A_154 : vector<16xf32>
    %div3A_156 = arith.constant 1.000000e+00 : f32
    %div3A_157 = vector.broadcast %div3A_156 : f32 to vector<16xf32>
    %div3A_158 = arith.divf %div3A_157, %add3A_155 : vector<16xf32>
    %swap3A_159 = arith.constant 96 : index
    %swap3A_160 = tpu.vector_load %arg8[%swap3A_159] {strides = array<i32>} : memref<528xf32, #tpu.memory_space<vmem>>, vector<16xf32>,
    %swap3A_161 = vector.shape_cast %swap3A_160 : vector<16xf32> to vector<16xf32>
    %swap3A_162 = vector.shape_cast %div3A_158 : vector<16xf32> to vector<16xf32>
    tpu.vector_store %arg8[%swap3A_159], %swap3A_162 {strides = array<i32>} : memref<528xf32, #tpu.memory_space<vmem>>, vector<16xf32>,
    %get3A_163 = arith.constant 112 : index
    %get3A_164 = tpu.vector_load %arg7[%get3A_163] {strides = array<i32>} : memref<512xi32, #tpu.memory_space<vmem>>, vector<16xi32>,
    %get3A_165 = vector.shape_cast %get3A_164 : vector<16xi32> to vector<16xi32>
    %convert_element_type3A_166 = arith.sitofp %get3A_165 : vector<16xi32> to vector<16xf32>
    %add3A_167 = arith.constant 9.99999974E-6 : f32
    %add3A_168 = vector.broadcast %add3A_167 : f32 to vector<16xf32>
    %add3A_169 = arith.addf %convert_element_type3A_166, %add3A_168 : vector<16xf32>
    %div3A_170 = arith.constant 1.000000e+00 : f32
    %div3A_171 = vector.broadcast %div3A_170 : f32 to vector<16xf32>
    %div3A_172 = arith.divf %div3A_171, %add3A_169 : vector<16xf32>
    %swap3A_173 = arith.constant 112 : index
    %swap3A_174 = tpu.vector_load %arg8[%swap3A_173] {strides = array<i32>} : memref<528xf32, #tpu.memory_space<vmem>>, vector<16xf32>,
    %swap3A_175 = vector.shape_cast %swap3A_174 : vector<16xf32> to vector<16xf32>
    %swap3A_176 = vector.shape_cast %div3A_172 : vector<16xf32> to vector<16xf32>
    tpu.vector_store %arg8[%swap3A_173], %swap3A_176 {strides = array<i32>} : memref<528xf32, #tpu.memory_space<vmem>>, vector<16xf32>,
    %get3A_177 = arith.constant 128 : index
    %get3A_178 = tpu.vector_load %arg7[%get3A_177] {strides = array<i32>} : memref<512xi32, #tpu.memory_space<vmem>>, vector<16xi32>,
    %get3A_179 = vector.shape_cast %get3A_178 : vector<16xi32> to vector<16xi32>
    %convert_element_type3A_180 = arith.sitofp %get3A_179 : vector<16xi32> to vector<16xf32>
    %add3A_181 = arith.constant 9.99999974E-6 : f32
    %add3A_182 = vector.broadcast %add3A_181 : f32 to vector<16xf32>
    %add3A_183 = arith.addf %convert_element_type3A_180, %add3A_182 : vector<16xf32>
    %div3A_184 = arith.constant 1.000000e+00 : f32
    %div3A_185 = vector.broadcast %div3A_184 : f32 to vector<16xf32>
    %div3A_186 = arith.divf %div3A_185, %add3A_183 : vector<16xf32>
    %swap3A_187 = arith.constant 128 : index
    %swap3A_188 = tpu.vector_load %arg8[%swap3A_187] {strides = array<i32>} : memref<528xf32, #tpu.memory_space<vmem>>, vector<16xf32>,
    %swap3A_189 = vector.shape_cast %swap3A_188 : vector<16xf32> to vector<16xf32>
    %swap3A_190 = vector.shape_cast %div3A_186 : vector<16xf32> to vector<16xf32>
    tpu.vector_store %arg8[%swap3A_187], %swap3A_190 {strides = array<i32>} : memref<528xf32, #tpu.memory_space<vmem>>, vector<16xf32>,
    %get3A_191 = arith.constant 144 : index
    %get3A_192 = tpu.vector_load %arg7[%get3A_191] {strides = array<i32>} : memref<512xi32, #tpu.memory_space<vmem>>, vector<16xi32>,
    %get3A_193 = vector.shape_cast %get3A_192 : vector<16xi32> to vector<16xi32>
    %convert_element_type3A_194 = arith.sitofp %get3A_193 : vector<16xi32> to vector<16xf32>
    %add3A_195 = arith.constant 9.99999974E-6 : f32
    %add3A_196 = vector.broadcast %add3A_195 : f32 to vector<16xf32>
    %add3A_197 = arith.addf %convert_element_type3A_194, %add3A_196 : vector<16xf32>
    %div3A_198 = arith.constant 1.000000e+00 : f32
    %div3A_199 = vector.broadcast %div3A_198 : f32 to vector<16xf32>
    %div3A_200 = arith.divf %div3A_199, %add3A_197 : vector<16xf32>
    %swap3A_201 = arith.constant 144 : index
    %swap3A_202 = tpu.vector_load %arg8[%swap3A_201] {strides = array<i32>} : memref<528xf32, #tpu.memory_space<vmem>>, vector<16xf32>,
    %swap3A_203 = vector.shape_cast %swap3A_202 : vector<16xf32> to vector<16xf32>
    %swap3A_204 = vector.shape_cast %div3A_200 : vector<16xf32> to vector<16xf32>
    tpu.vector_store %arg8[%swap3A_201], %swap3A_204 {strides = array<i32>} : memref<528xf32, #tpu.memory_space<vmem>>, vector<16xf32>,
    %get3A_205 = arith.constant 160 : index
    %get3A_206 = tpu.vector_load %arg7[%get3A_205] {strides = array<i32>} : memref<512xi32, #tpu.memory_space<vmem>>, vector<16xi32>,
    %get3A_207 = vector.shape_cast %get3A_206 : vector<16xi32> to vector<16xi32>
    %convert_element_type3A_208 = arith.sitofp %get3A_207 : vector<16xi32> to vector<16xf32>
    %add3A_209 = arith.constant 9.99999974E-6 : f32
    %add3A_210 = vector.broadcast %add3A_209 : f32 to vector<16xf32>
    %add3A_211 = arith.addf %convert_element_type3A_208, %add3A_210 : vector<16xf32>
    %div3A_212 = arith.constant 1.000000e+00 : f32
    %div3A_213 = vector.broadcast %div3A_212 : f32 to vector<16xf32>
    %div3A_214 = arith.divf %div3A_213, %add3A_211 : vector<16xf32>
    %swap3A_215 = arith.constant 160 : index
    %swap3A_216 = tpu.vector_load %arg8[%swap3A_215] {strides = array<i32>} : memref<528xf32, #tpu.memory_space<vmem>>, vector<16xf32>,
    %swap3A_217 = vector.shape_cast %swap3A_216 : vector<16xf32> to vector<16xf32>
    %swap3A_218 = vector.shape_cast %div3A_214 : vector<16xf32> to vector<16xf32>
    tpu.vector_store %arg8[%swap3A_215], %swap3A_218 {strides = array<i32>} : memref<528xf32, #tpu.memory_space<vmem>>, vector<16xf32>,
    %get3A_219 = arith.constant 176 : index
    %get3A_220 = tpu.vector_load %arg7[%get3A_219] {strides = array<i32>} : memref<512xi32, #tpu.memory_space<vmem>>, vector<16xi32>,
    %get3A_221 = vector.shape_cast %get3A_220 : vector<16xi32> to vector<16xi32>
    %convert_element_type3A_222 = arith.sitofp %get3A_221 : vector<16xi32> to vector<16xf32>
    %add3A_223 = arith.constant 9.99999974E-6 : f32
    %add3A_224 = vector.broadcast %add3A_223 : f32 to vector<16xf32>
    %add3A_225 = arith.addf %convert_element_type3A_222, %add3A_224 : vector<16xf32>
    %div3A_226 = arith.constant 1.000000e+00 : f32
    %div3A_227 = vector.broadcast %div3A_226 : f32 to vector<16xf32>
    %div3A_228 = arith.divf %div3A_227, %add3A_225 : vector<16xf32>
    %swap3A_229 = arith.constant 176 : index
    %swap3A_230 = tpu.vector_load %arg8[%swap3A_229] {strides = array<i32>} : memref<528xf32, #tpu.memory_space<vmem>>, vector<16xf32>,
    %swap3A_231 = vector.shape_cast %swap3A_230 : vector<16xf32> to vector<16xf32>
    %swap3A_232 = vector.shape_cast %div3A_228 : vector<16xf32> to vector<16xf32>
    tpu.vector_store %arg8[%swap3A_229], %swap3A_232 {strides = array<i32>} : memref<528xf32, #tpu.memory_space<vmem>>, vector<16xf32>,
    %get3A_233 = arith.constant 192 : index
    %get3A_234 = tpu.vector_load %arg7[%get3A_233] {strides = array<i32>} : memref<512xi32, #tpu.memory_space<vmem>>, vector<16xi32>,
    %get3A_235 = vector.shape_cast %get3A_234 : vector<16xi32> to vector<16xi32>
    %convert_element_type3A_236 = arith.sitofp %get3A_235 : vector<16xi32> to vector<16xf32>
    %add3A_237 = arith.constant 9.99999974E-6 : f32
    %add3A_238 = vector.broadcast %add3A_237 : f32 to vector<16xf32>
    %add3A_239 = arith.addf %convert_element_type3A_236, %add3A_238 : vector<16xf32>
    %div3A_240 = arith.constant 1.000000e+00 : f32
    %div3A_241 = vector.broadcast %div3A_240 : f32 to vector<16xf32>
    %div3A_242 = arith.divf %div3A_241, %add3A_239 : vector<16xf32>
    %swap3A_243 = arith.constant 192 : index
    %swap3A_244 = tpu.vector_load %arg8[%swap3A_243] {strides = array<i32>} : memref<528xf32, #tpu.memory_space<vmem>>, vector<16xf32>,
    %swap3A_245 = vector.shape_cast %swap3A_244 : vector<16xf32> to vector<16xf32>
    %swap3A_246 = vector.shape_cast %div3A_242 : vector<16xf32> to vector<16xf32>
    tpu.vector_store %arg8[%swap3A_243], %swap3A_246 {strides = array<i32>} : memref<528xf32, #tpu.memory_space<vmem>>, vector<16xf32>,
    %get3A_247 = arith.constant 208 : index
    %get3A_248 = tpu.vector_load %arg7[%get3A_247] {strides = array<i32>} : memref<512xi32, #tpu.memory_space<vmem>>, vector<16xi32>,
    %get3A_249 = vector.shape_cast %get3A_248 : vector<16xi32> to vector<16xi32>
    %convert_element_type3A_250 = arith.sitofp %get3A_249 : vector<16xi32> to vector<16xf32>
    %add3A_251 = arith.constant 9.99999974E-6 : f32
    %add3A_252 = vector.broadcast %add3A_251 : f32 to vector<16xf32>
    %add3A_253 = arith.addf %convert_element_type3A_250, %add3A_252 : vector<16xf32>
    %div3A_254 = arith.constant 1.000000e+00 : f32
    %div3A_255 = vector.broadcast %div3A_254 : f32 to vector<16xf32>
    %div3A_256 = arith.divf %div3A_255, %add3A_253 : vector<16xf32>
    %swap3A_257 = arith.constant 208 : index
    %swap3A_258 = tpu.vector_load %arg8[%swap3A_257] {strides = array<i32>} : memref<528xf32, #tpu.memory_space<vmem>>, vector<16xf32>,
    %swap3A_259 = vector.shape_cast %swap3A_258 : vector<16xf32> to vector<16xf32>
    %swap3A_260 = vector.shape_cast %div3A_256 : vector<16xf32> to vector<16xf32>
    tpu.vector_store %arg8[%swap3A_257], %swap3A_260 {strides = array<i32>} : memref<528xf32, #tpu.memory_space<vmem>>, vector<16xf32>,
    %get3A_261 = arith.constant 224 : index
    %get3A_262 = tpu.vector_load %arg7[%get3A_261] {strides = array<i32>} : memref<512xi32, #tpu.memory_space<vmem>>, vector<16xi32>,
    %get3A_263 = vector.shape_cast %get3A_262 : vector<16xi32> to vector<16xi32>
    %convert_element_type3A_264 = arith.sitofp %get3A_263 : vector<16xi32> to vector<16xf32>
    %add3A_265 = arith.constant 9.99999974E-6 : f32
    %add3A_266 = vector.broadcast %add3A_265 : f32 to vector<16xf32>
    %add3A_267 = arith.addf %convert_element_type3A_264, %add3A_266 : vector<16xf32>
    %div3A_268 = arith.constant 1.000000e+00 : f32
    %div3A_269 = vector.broadcast %div3A_268 : f32 to vector<16xf32>
    %div3A_270 = arith.divf %div3A_269, %add3A_267 : vector<16xf32>
    %swap3A_271 = arith.constant 224 : index
    %swap3A_272 = tpu.vector_load %arg8[%swap3A_271] {strides = array<i32>} : memref<528xf32, #tpu.memory_space<vmem>>, vector<16xf32>,
    %swap3A_273 = vector.shape_cast %swap3A_272 : vector<16xf32> to vector<16xf32>
    %swap3A_274 = vector.shape_cast %div3A_270 : vector<16xf32> to vector<16xf32>
    tpu.vector_store %arg8[%swap3A_271], %swap3A_274 {strides = array<i32>} : memref<528xf32, #tpu.memory_space<vmem>>, vector<16xf32>,
    %get3A_275 = arith.constant 240 : index
    %get3A_276 = tpu.vector_load %arg7[%get3A_275] {strides = array<i32>} : memref<512xi32, #tpu.memory_space<vmem>>, vector<16xi32>,
    %get3A_277 = vector.shape_cast %get3A_276 : vector<16xi32> to vector<16xi32>
    %convert_element_type3A_278 = arith.sitofp %get3A_277 : vector<16xi32> to vector<16xf32>
    %add3A_279 = arith.constant 9.99999974E-6 : f32
    %add3A_280 = vector.broadcast %add3A_279 : f32 to vector<16xf32>
    %add3A_281 = arith.addf %convert_element_type3A_278, %add3A_280 : vector<16xf32>
    %div3A_282 = arith.constant 1.000000e+00 : f32
    %div3A_283 = vector.broadcast %div3A_282 : f32 to vector<16xf32>
    %div3A_284 = arith.divf %div3A_283, %add3A_281 : vector<16xf32>
    %swap3A_285 = arith.constant 240 : index
    %swap3A_286 = tpu.vector_load %arg8[%swap3A_285] {strides = array<i32>} : memref<528xf32, #tpu.memory_space<vmem>>, vector<16xf32>,
    %swap3A_287 = vector.shape_cast %swap3A_286 : vector<16xf32> to vector<16xf32>
    %swap3A_288 = vector.shape_cast %div3A_284 : vector<16xf32> to vector<16xf32>
    tpu.vector_store %arg8[%swap3A_285], %swap3A_288 {strides = array<i32>} : memref<528xf32, #tpu.memory_space<vmem>>, vector<16xf32>,
    %get3A_289 = arith.constant 256 : index
    %get3A_290 = tpu.vector_load %arg7[%get3A_289] {strides = array<i32>} : memref<512xi32, #tpu.memory_space<vmem>>, vector<16xi32>,
    %get3A_291 = vector.shape_cast %get3A_290 : vector<16xi32> to vector<16xi32>
    %convert_element_type3A_292 = arith.sitofp %get3A_291 : vector<16xi32> to vector<16xf32>
    %add3A_293 = arith.constant 9.99999974E-6 : f32
    %add3A_294 = vector.broadcast %add3A_293 : f32 to vector<16xf32>
    %add3A_295 = arith.addf %convert_element_type3A_292, %add3A_294 : vector<16xf32>
    %div3A_296 = arith.constant 1.000000e+00 : f32
    %div3A_297 = vector.broadcast %div3A_296 : f32 to vector<16xf32>
    %div3A_298 = arith.divf %div3A_297, %add3A_295 : vector<16xf32>
    %swap3A_299 = arith.constant 256 : index
    %swap3A_300 = tpu.vector_load %arg8[%swap3A_299] {strides = array<i32>} : memref<528xf32, #tpu.memory_space<vmem>>, vector<16xf32>,
    %swap3A_301 = vector.shape_cast %swap3A_300 : vector<16xf32> to vector<16xf32>
    %swap3A_302 = vector.shape_cast %div3A_298 : vector<16xf32> to vector<16xf32>
    tpu.vector_store %arg8[%swap3A_299], %swap3A_302 {strides = array<i32>} : memref<528xf32, #tpu.memory_space<vmem>>, vector<16xf32>,
    %get3A_303 = arith.constant 272 : index
    %get3A_304 = tpu.vector_load %arg7[%get3A_303] {strides = array<i32>} : memref<512xi32, #tpu.memory_space<vmem>>, vector<16xi32>,
    %get3A_305 = vector.shape_cast %get3A_304 : vector<16xi32> to vector<16xi32>
    %convert_element_type3A_306 = arith.sitofp %get3A_305 : vector<16xi32> to vector<16xf32>
    %add3A_307 = arith.constant 9.99999974E-6 : f32
    %add3A_308 = vector.broadcast %add3A_307 : f32 to vector<16xf32>
    %add3A_309 = arith.addf %convert_element_type3A_306, %add3A_308 : vector<16xf32>
    %div3A_310 = arith.constant 1.000000e+00 : f32
    %div3A_311 = vector.broadcast %div3A_310 : f32 to vector<16xf32>
    %div3A_312 = arith.divf %div3A_311, %add3A_309 : vector<16xf32>
    %swap3A_313 = arith.constant 272 : index
    %swap3A_314 = tpu.vector_load %arg8[%swap3A_313] {strides = array<i32>} : memref<528xf32, #tpu.memory_space<vmem>>, vector<16xf32>,
    %swap3A_315 = vector.shape_cast %swap3A_314 : vector<16xf32> to vector<16xf32>
    %swap3A_316 = vector.shape_cast %div3A_312 : vector<16xf32> to vector<16xf32>
    tpu.vector_store %arg8[%swap3A_313], %swap3A_316 {strides = array<i32>} : memref<528xf32, #tpu.memory_space<vmem>>, vector<16xf32>,
    %get3A_317 = arith.constant 288 : index
    %get3A_318 = tpu.vector_load %arg7[%get3A_317] {strides = array<i32>} : memref<512xi32, #tpu.memory_space<vmem>>, vector<16xi32>,
    %get3A_319 = vector.shape_cast %get3A_318 : vector<16xi32> to vector<16xi32>
    %convert_element_type3A_320 = arith.sitofp %get3A_319 : vector<16xi32> to vector<16xf32>
    %add3A_321 = arith.constant 9.99999974E-6 : f32
    %add3A_322 = vector.broadcast %add3A_321 : f32 to vector<16xf32>
    %add3A_323 = arith.addf %convert_element_type3A_320, %add3A_322 : vector<16xf32>
    %div3A_324 = arith.constant 1.000000e+00 : f32
    %div3A_325 = vector.broadcast %div3A_324 : f32 to vector<16xf32>
    %div3A_326 = arith.divf %div3A_325, %add3A_323 : vector<16xf32>
    %swap3A_327 = arith.constant 288 : index
    %swap3A_328 = tpu.vector_load %arg8[%swap3A_327] {strides = array<i32>} : memref<528xf32, #tpu.memory_space<vmem>>, vector<16xf32>,
    %swap3A_329 = vector.shape_cast %swap3A_328 : vector<16xf32> to vector<16xf32>
    %swap3A_330 = vector.shape_cast %div3A_326 : vector<16xf32> to vector<16xf32>
    tpu.vector_store %arg8[%swap3A_327], %swap3A_330 {strides = array<i32>} : memref<528xf32, #tpu.memory_space<vmem>>, vector<16xf32>,
    %get3A_331 = arith.constant 304 : index
    %get3A_332 = tpu.vector_load %arg7[%get3A_331] {strides = array<i32>} : memref<512xi32, #tpu.memory_space<vmem>>, vector<16xi32>,
    %get3A_333 = vector.shape_cast %get3A_332 : vector<16xi32> to vector<16xi32>
    %convert_element_type3A_334 = arith.sitofp %get3A_333 : vector<16xi32> to vector<16xf32>
    %add3A_335 = arith.constant 9.99999974E-6 : f32
    %add3A_336 = vector.broadcast %add3A_335 : f32 to vector<16xf32>
    %add3A_337 = arith.addf %convert_element_type3A_334, %add3A_336 : vector<16xf32>
    %div3A_338 = arith.constant 1.000000e+00 : f32
    %div3A_339 = vector.broadcast %div3A_338 : f32 to vector<16xf32>
    %div3A_340 = arith.divf %div3A_339, %add3A_337 : vector<16xf32>
    %swap3A_341 = arith.constant 304 : index
    %swap3A_342 = tpu.vector_load %arg8[%swap3A_341] {strides = array<i32>} : memref<528xf32, #tpu.memory_space<vmem>>, vector<16xf32>,
    %swap3A_343 = vector.shape_cast %swap3A_342 : vector<16xf32> to vector<16xf32>
    %swap3A_344 = vector.shape_cast %div3A_340 : vector<16xf32> to vector<16xf32>
    tpu.vector_store %arg8[%swap3A_341], %swap3A_344 {strides = array<i32>} : memref<528xf32, #tpu.memory_space<vmem>>, vector<16xf32>,
    %get3A_345 = arith.constant 320 : index
    %get3A_346 = tpu.vector_load %arg7[%get3A_345] {strides = array<i32>} : memref<512xi32, #tpu.memory_space<vmem>>, vector<16xi32>,
    %get3A_347 = vector.shape_cast %get3A_346 : vector<16xi32> to vector<16xi32>
    %convert_element_type3A_348 = arith.sitofp %get3A_347 : vector<16xi32> to vector<16xf32>
    %add3A_349 = arith.constant 9.99999974E-6 : f32
    %add3A_350 = vector.broadcast %add3A_349 : f32 to vector<16xf32>
    %add3A_351 = arith.addf %convert_element_type3A_348, %add3A_350 : vector<16xf32>
    %div3A_352 = arith.constant 1.000000e+00 : f32
    %div3A_353 = vector.broadcast %div3A_352 : f32 to vector<16xf32>
    %div3A_354 = arith.divf %div3A_353, %add3A_351 : vector<16xf32>
    %swap3A_355 = arith.constant 320 : index
    %swap3A_356 = tpu.vector_load %arg8[%swap3A_355] {strides = array<i32>} : memref<528xf32, #tpu.memory_space<vmem>>, vector<16xf32>,
    %swap3A_357 = vector.shape_cast %swap3A_356 : vector<16xf32> to vector<16xf32>
    %swap3A_358 = vector.shape_cast %div3A_354 : vector<16xf32> to vector<16xf32>
    tpu.vector_store %arg8[%swap3A_355], %swap3A_358 {strides = array<i32>} : memref<528xf32, #tpu.memory_space<vmem>>, vector<16xf32>,
    %get3A_359 = arith.constant 336 : index
    %get3A_360 = tpu.vector_load %arg7[%get3A_359] {strides = array<i32>} : memref<512xi32, #tpu.memory_space<vmem>>, vector<16xi32>,
    %get3A_361 = vector.shape_cast %get3A_360 : vector<16xi32> to vector<16xi32>
    %convert_element_type3A_362 = arith.sitofp %get3A_361 : vector<16xi32> to vector<16xf32>
    %add3A_363 = arith.constant 9.99999974E-6 : f32
    %add3A_364 = vector.broadcast %add3A_363 : f32 to vector<16xf32>
    %add3A_365 = arith.addf %convert_element_type3A_362, %add3A_364 : vector<16xf32>
    %div3A_366 = arith.constant 1.000000e+00 : f32
    %div3A_367 = vector.broadcast %div3A_366 : f32 to vector<16xf32>
    %div3A_368 = arith.divf %div3A_367, %add3A_365 : vector<16xf32>
    %swap3A_369 = arith.constant 336 : index
    %swap3A_370 = tpu.vector_load %arg8[%swap3A_369] {strides = array<i32>} : memref<528xf32, #tpu.memory_space<vmem>>, vector<16xf32>,
    %swap3A_371 = vector.shape_cast %swap3A_370 : vector<16xf32> to vector<16xf32>
    %swap3A_372 = vector.shape_cast %div3A_368 : vector<16xf32> to vector<16xf32>
    tpu.vector_store %arg8[%swap3A_369], %swap3A_372 {strides = array<i32>} : memref<528xf32, #tpu.memory_space<vmem>>, vector<16xf32>,
    %get3A_373 = arith.constant 352 : index
    %get3A_374 = tpu.vector_load %arg7[%get3A_373] {strides = array<i32>} : memref<512xi32, #tpu.memory_space<vmem>>, vector<16xi32>,
    %get3A_375 = vector.shape_cast %get3A_374 : vector<16xi32> to vector<16xi32>
    %convert_element_type3A_376 = arith.sitofp %get3A_375 : vector<16xi32> to vector<16xf32>
    %add3A_377 = arith.constant 9.99999974E-6 : f32
    %add3A_378 = vector.broadcast %add3A_377 : f32 to vector<16xf32>
    %add3A_379 = arith.addf %convert_element_type3A_376, %add3A_378 : vector<16xf32>
    %div3A_380 = arith.constant 1.000000e+00 : f32
    %div3A_381 = vector.broadcast %div3A_380 : f32 to vector<16xf32>
    %div3A_382 = arith.divf %div3A_381, %add3A_379 : vector<16xf32>
    %swap3A_383 = arith.constant 352 : index
    %swap3A_384 = tpu.vector_load %arg8[%swap3A_383] {strides = array<i32>} : memref<528xf32, #tpu.memory_space<vmem>>, vector<16xf32>,
    %swap3A_385 = vector.shape_cast %swap3A_384 : vector<16xf32> to vector<16xf32>
    %swap3A_386 = vector.shape_cast %div3A_382 : vector<16xf32> to vector<16xf32>
    tpu.vector_store %arg8[%swap3A_383], %swap3A_386 {strides = array<i32>} : memref<528xf32, #tpu.memory_space<vmem>>, vector<16xf32>,
    %get3A_387 = arith.constant 368 : index
    %get3A_388 = tpu.vector_load %arg7[%get3A_387] {strides = array<i32>} : memref<512xi32, #tpu.memory_space<vmem>>, vector<16xi32>,
    %get3A_389 = vector.shape_cast %get3A_388 : vector<16xi32> to vector<16xi32>
    %convert_element_type3A_390 = arith.sitofp %get3A_389 : vector<16xi32> to vector<16xf32>
    %add3A_391 = arith.constant 9.99999974E-6 : f32
    %add3A_392 = vector.broadcast %add3A_391 : f32 to vector<16xf32>
    %add3A_393 = arith.addf %convert_element_type3A_390, %add3A_392 : vector<16xf32>
    %div3A_394 = arith.constant 1.000000e+00 : f32
    %div3A_395 = vector.broadcast %div3A_394 : f32 to vector<16xf32>
    %div3A_396 = arith.divf %div3A_395, %add3A_393 : vector<16xf32>
    %swap3A_397 = arith.constant 368 : index
    %swap3A_398 = tpu.vector_load %arg8[%swap3A_397] {strides = array<i32>} : memref<528xf32, #tpu.memory_space<vmem>>, vector<16xf32>,
    %swap3A_399 = vector.shape_cast %swap3A_398 : vector<16xf32> to vector<16xf32>
    %swap3A_400 = vector.shape_cast %div3A_396 : vector<16xf32> to vector<16xf32>
    tpu.vector_store %arg8[%swap3A_397], %swap3A_400 {strides = array<i32>} : memref<528xf32, #tpu.memory_space<vmem>>, vector<16xf32>,
    %get3A_401 = arith.constant 384 : index
    %get3A_402 = tpu.vector_load %arg7[%get3A_401] {strides = array<i32>} : memref<512xi32, #tpu.memory_space<vmem>>, vector<16xi32>,
    %get3A_403 = vector.shape_cast %get3A_402 : vector<16xi32> to vector<16xi32>
    %convert_element_type3A_404 = arith.sitofp %get3A_403 : vector<16xi32> to vector<16xf32>
    %add3A_405 = arith.constant 9.99999974E-6 : f32
    %add3A_406 = vector.broadcast %add3A_405 : f32 to vector<16xf32>
    %add3A_407 = arith.addf %convert_element_type3A_404, %add3A_406 : vector<16xf32>
    %div3A_408 = arith.constant 1.000000e+00 : f32
    %div3A_409 = vector.broadcast %div3A_408 : f32 to vector<16xf32>
    %div3A_410 = arith.divf %div3A_409, %add3A_407 : vector<16xf32>
    %swap3A_411 = arith.constant 384 : index
    %swap3A_412 = tpu.vector_load %arg8[%swap3A_411] {strides = array<i32>} : memref<528xf32, #tpu.memory_space<vmem>>, vector<16xf32>,
    %swap3A_413 = vector.shape_cast %swap3A_412 : vector<16xf32> to vector<16xf32>
    %swap3A_414 = vector.shape_cast %div3A_410 : vector<16xf32> to vector<16xf32>
    tpu.vector_store %arg8[%swap3A_411], %swap3A_414 {strides = array<i32>} : memref<528xf32, #tpu.memory_space<vmem>>, vector<16xf32>,
    %get3A_415 = arith.constant 400 : index
    %get3A_416 = tpu.vector_load %arg7[%get3A_415] {strides = array<i32>} : memref<512xi32, #tpu.memory_space<vmem>>, vector<16xi32>,
    %get3A_417 = vector.shape_cast %get3A_416 : vector<16xi32> to vector<16xi32>
    %convert_element_type3A_418 = arith.sitofp %get3A_417 : vector<16xi32> to vector<16xf32>
    %add3A_419 = arith.constant 9.99999974E-6 : f32
    %add3A_420 = vector.broadcast %add3A_419 : f32 to vector<16xf32>
    %add3A_421 = arith.addf %convert_element_type3A_418, %add3A_420 : vector<16xf32>
    %div3A_422 = arith.constant 1.000000e+00 : f32
    %div3A_423 = vector.broadcast %div3A_422 : f32 to vector<16xf32>
    %div3A_424 = arith.divf %div3A_423, %add3A_421 : vector<16xf32>
    %swap3A_425 = arith.constant 400 : index
    %swap3A_426 = tpu.vector_load %arg8[%swap3A_425] {strides = array<i32>} : memref<528xf32, #tpu.memory_space<vmem>>, vector<16xf32>,
    %swap3A_427 = vector.shape_cast %swap3A_426 : vector<16xf32> to vector<16xf32>
    %swap3A_428 = vector.shape_cast %div3A_424 : vector<16xf32> to vector<16xf32>
    tpu.vector_store %arg8[%swap3A_425], %swap3A_428 {strides = array<i32>} : memref<528xf32, #tpu.memory_space<vmem>>, vector<16xf32>,
    %get3A_429 = arith.constant 416 : index
    %get3A_430 = tpu.vector_load %arg7[%get3A_429] {strides = array<i32>} : memref<512xi32, #tpu.memory_space<vmem>>, vector<16xi32>,
    %get3A_431 = vector.shape_cast %get3A_430 : vector<16xi32> to vector<16xi32>
    %convert_element_type3A_432 = arith.sitofp %get3A_431 : vector<16xi32> to vector<16xf32>
    %add3A_433 = arith.constant 9.99999974E-6 : f32
    %add3A_434 = vector.broadcast %add3A_433 : f32 to vector<16xf32>
    %add3A_435 = arith.addf %convert_element_type3A_432, %add3A_434 : vector<16xf32>
    %div3A_436 = arith.constant 1.000000e+00 : f32
    %div3A_437 = vector.broadcast %div3A_436 : f32 to vector<16xf32>
    %div3A_438 = arith.divf %div3A_437, %add3A_435 : vector<16xf32>
    %swap3A_439 = arith.constant 416 : index
    %swap3A_440 = tpu.vector_load %arg8[%swap3A_439] {strides = array<i32>} : memref<528xf32, #tpu.memory_space<vmem>>, vector<16xf32>,
    %swap3A_441 = vector.shape_cast %swap3A_440 : vector<16xf32> to vector<16xf32>
    %swap3A_442 = vector.shape_cast %div3A_438 : vector<16xf32> to vector<16xf32>
    tpu.vector_store %arg8[%swap3A_439], %swap3A_442 {strides = array<i32>} : memref<528xf32, #tpu.memory_space<vmem>>, vector<16xf32>,
    %get3A_443 = arith.constant 432 : index
    %get3A_444 = tpu.vector_load %arg7[%get3A_443] {strides = array<i32>} : memref<512xi32, #tpu.memory_space<vmem>>, vector<16xi32>,
    %get3A_445 = vector.shape_cast %get3A_444 : vector<16xi32> to vector<16xi32>
    %convert_element_type3A_446 = arith.sitofp %get3A_445 : vector<16xi32> to vector<16xf32>
    %add3A_447 = arith.constant 9.99999974E-6 : f32
    %add3A_448 = vector.broadcast %add3A_447 : f32 to vector<16xf32>
    %add3A_449 = arith.addf %convert_element_type3A_446, %add3A_448 : vector<16xf32>
    %div3A_450 = arith.constant 1.000000e+00 : f32
    %div3A_451 = vector.broadcast %div3A_450 : f32 to vector<16xf32>
    %div3A_452 = arith.divf %div3A_451, %add3A_449 : vector<16xf32>
    %swap3A_453 = arith.constant 432 : index
    %swap3A_454 = tpu.vector_load %arg8[%swap3A_453] {strides = array<i32>} : memref<528xf32, #tpu.memory_space<vmem>>, vector<16xf32>,
    %swap3A_455 = vector.shape_cast %swap3A_454 : vector<16xf32> to vector<16xf32>
    %swap3A_456 = vector.shape_cast %div3A_452 : vector<16xf32> to vector<16xf32>
    tpu.vector_store %arg8[%swap3A_453], %swap3A_456 {strides = array<i32>} : memref<528xf32, #tpu.memory_space<vmem>>, vector<16xf32>,
    %get3A_457 = arith.constant 448 : index
    %get3A_458 = tpu.vector_load %arg7[%get3A_457] {strides = array<i32>} : memref<512xi32, #tpu.memory_space<vmem>>, vector<16xi32>,
    %get3A_459 = vector.shape_cast %get3A_458 : vector<16xi32> to vector<16xi32>
    %convert_element_type3A_460 = arith.sitofp %get3A_459 : vector<16xi32> to vector<16xf32>
    %add3A_461 = arith.constant 9.99999974E-6 : f32
    %add3A_462 = vector.broadcast %add3A_461 : f32 to vector<16xf32>
    %add3A_463 = arith.addf %convert_element_type3A_460, %add3A_462 : vector<16xf32>
    %div3A_464 = arith.constant 1.000000e+00 : f32
    %div3A_465 = vector.broadcast %div3A_464 : f32 to vector<16xf32>
    %div3A_466 = arith.divf %div3A_465, %add3A_463 : vector<16xf32>
    %swap3A_467 = arith.constant 448 : index
    %swap3A_468 = tpu.vector_load %arg8[%swap3A_467] {strides = array<i32>} : memref<528xf32, #tpu.memory_space<vmem>>, vector<16xf32>,
    %swap3A_469 = vector.shape_cast %swap3A_468 : vector<16xf32> to vector<16xf32>
    %swap3A_470 = vector.shape_cast %div3A_466 : vector<16xf32> to vector<16xf32>
    tpu.vector_store %arg8[%swap3A_467], %swap3A_470 {strides = array<i32>} : memref<528xf32, #tpu.memory_space<vmem>>, vector<16xf32>,
    %get3A_471 = arith.constant 464 : index
    %get3A_472 = tpu.vector_load %arg7[%get3A_471] {strides = array<i32>} : memref<512xi32, #tpu.memory_space<vmem>>, vector<16xi32>,
    %get3A_473 = vector.shape_cast %get3A_472 : vector<16xi32> to vector<16xi32>
    %convert_element_type3A_474 = arith.sitofp %get3A_473 : vector<16xi32> to vector<16xf32>
    %add3A_475 = arith.constant 9.99999974E-6 : f32
    %add3A_476 = vector.broadcast %add3A_475 : f32 to vector<16xf32>
    %add3A_477 = arith.addf %convert_element_type3A_474, %add3A_476 : vector<16xf32>
    %div3A_478 = arith.constant 1.000000e+00 : f32
    %div3A_479 = vector.broadcast %div3A_478 : f32 to vector<16xf32>
    %div3A_480 = arith.divf %div3A_479, %add3A_477 : vector<16xf32>
    %swap3A_481 = arith.constant 464 : index
    %swap3A_482 = tpu.vector_load %arg8[%swap3A_481] {strides = array<i32>} : memref<528xf32, #tpu.memory_space<vmem>>, vector<16xf32>,
    %swap3A_483 = vector.shape_cast %swap3A_482 : vector<16xf32> to vector<16xf32>
    %swap3A_484 = vector.shape_cast %div3A_480 : vector<16xf32> to vector<16xf32>
    tpu.vector_store %arg8[%swap3A_481], %swap3A_484 {strides = array<i32>} : memref<528xf32, #tpu.memory_space<vmem>>, vector<16xf32>,
    %get3A_485 = arith.constant 480 : index
    %get3A_486 = tpu.vector_load %arg7[%get3A_485] {strides = array<i32>} : memref<512xi32, #tpu.memory_space<vmem>>, vector<16xi32>,
    %get3A_487 = vector.shape_cast %get3A_486 : vector<16xi32> to vector<16xi32>
    %convert_element_type3A_488 = arith.sitofp %get3A_487 : vector<16xi32> to vector<16xf32>
    %add3A_489 = arith.constant 9.99999974E-6 : f32
    %add3A_490 = vector.broadcast %add3A_489 : f32 to vector<16xf32>
    %add3A_491 = arith.addf %convert_element_type3A_488, %add3A_490 : vector<16xf32>
    %div3A_492 = arith.constant 1.000000e+00 : f32
    %div3A_493 = vector.broadcast %div3A_492 : f32 to vector<16xf32>
    %div3A_494 = arith.divf %div3A_493, %add3A_491 : vector<16xf32>
    %swap3A_495 = arith.constant 480 : index
    %swap3A_496 = tpu.vector_load %arg8[%swap3A_495] {strides = array<i32>} : memref<528xf32, #tpu.memory_space<vmem>>, vector<16xf32>,
    %swap3A_497 = vector.shape_cast %swap3A_496 : vector<16xf32> to vector<16xf32>
    %swap3A_498 = vector.shape_cast %div3A_494 : vector<16xf32> to vector<16xf32>
    tpu.vector_store %arg8[%swap3A_495], %swap3A_498 {strides = array<i32>} : memref<528xf32, #tpu.memory_space<vmem>>, vector<16xf32>,
    %get3A_499 = arith.constant 496 : index
    %get3A_500 = tpu.vector_load %arg7[%get3A_499] {strides = array<i32>} : memref<512xi32, #tpu.memory_space<vmem>>, vector<16xi32>,
    %get3A_501 = vector.shape_cast %get3A_500 : vector<16xi32> to vector<16xi32>
    %convert_element_type3A_502 = arith.sitofp %get3A_501 : vector<16xi32> to vector<16xf32>
    %add3A_503 = arith.constant 9.99999974E-6 : f32
    %add3A_504 = vector.broadcast %add3A_503 : f32 to vector<16xf32>
    %add3A_505 = arith.addf %convert_element_type3A_502, %add3A_504 : vector<16xf32>
    %div3A_506 = arith.constant 1.000000e+00 : f32
    %div3A_507 = vector.broadcast %div3A_506 : f32 to vector<16xf32>
    %div3A_508 = arith.divf %div3A_507, %add3A_505 : vector<16xf32>
    %swap3A_509 = arith.constant 496 : index
    %swap3A_510 = tpu.vector_load %arg8[%swap3A_509] {strides = array<i32>} : memref<528xf32, #tpu.memory_space<vmem>>, vector<16xf32>,
    %swap3A_511 = vector.shape_cast %swap3A_510 : vector<16xf32> to vector<16xf32>
    %swap3A_512 = vector.shape_cast %div3A_508 : vector<16xf32> to vector<16xf32>
    tpu.vector_store %arg8[%swap3A_509], %swap3A_512 {strides = array<i32>} : memref<528xf32, #tpu.memory_space<vmem>>, vector<16xf32>,
    %broadcast_in_dim3A = arith.constant 0 : i32
    %broadcast_in_dim3A_513 = vector.broadcast %broadcast_in_dim3A : i32 to vector<16x1xi32>
    %scan3A = arith.constant 0 : i32
    %scan3A_514 = arith.constant 0 : i32
    %scan3A_515 = arith.constant 4 : i32
    %scan3A_516 = arith.addi %scan3A_514, %scan3A_515 : i32
    %scan3A_517 = arith.constant 1 : i32
    %scan3A_518 = scf.for %scan3A_536 = %scan3A_514 to %scan3A_516 step %scan3A_517 iter_args(%scan3A_537 = %scan3A) -> (i32)  : i32 {
      %mul3A_538 = arith.constant 4 : i32
      %mul3A_539 = arith.muli %mul3A_538, %scan3A_536 : i32
      %add3A_540 = arith.constant 0 : i32
      %add3A_541 = arith.addi %mul3A_539, %add3A_540 : i32
      %ge3A = arith.constant 4 : i32
      %ge3A_542 = arith.cmpi sge, %add3A_541, %ge3A : i32
      %convert_element_type3A_543 = arith.extui %ge3A_542 : i1 to i32
      %cond3A = arith.constant 0 : i32
      %cond3A_544 = arith.cmpi ne, %convert_element_type3A_543, %cond3A : i32
      scf.if %cond3A_544 {
        %dma_wait3A_676 = arith.constant 0 : i32
        %dma_wait3A_677 = tpu.memref_slice %arg5[%mul3A_2, %dma_wait3A_676] : memref<16384x64xf32, #tpu.memory_space<hbm>> -> memref<32x64xf32, #tpu.memory_space<hbm>>
        %dma_wait3A_678 = arith.constant 0 : i32
        %dma_wait3A_679 = tpu.memref_slice %arg5[%mul3A_2, %dma_wait3A_678] : memref<16384x64xf32, #tpu.memory_space<hbm>> -> memref<32x64xf32, #tpu.memory_space<hbm>>
        tpu.wait_dma2 semaphore(%arg22 : memref<!tpu.dma_semaphore, #tpu.memory_space<semaphore_mem>>) src(%arg13 : memref<32x64xf32, #tpu.memory_space<vmem>>) dst(%dma_wait3A_679 : memref<32x64xf32, #tpu.memory_space<hbm>>)
      } else {
      }
      %dma_wait3A_545 = arith.constant 0 : i32
      %dma_wait3A_546 = tpu.memref_slice %arg6[%dma_wait3A_545] : memref<512xi32, #tpu.memory_space<vmem>> -> memref<32xi32, #tpu.memory_space<vmem>>
      %dma_wait3A_547 = arith.constant 0 : i32
      %dma_wait3A_548 = arith.constant 0 : i32
      %dma_wait3A_549 = tpu.memref_slice %arg3[%dma_wait3A_547, %dma_wait3A_548] : memref<100000x512xf32, #tpu.memory_space<hbm>> -> memref<100000x512xf32, #tpu.memory_space<hbm>>
      tpu.wait_indirect_dma semaphore(%arg18 : memref<!tpu.dma_semaphore, #tpu.memory_space<semaphore_mem>>) src(%dma_wait3A_549 : memref<100000x512xf32, #tpu.memory_space<hbm>>) dst(%arg9 : memref<32x512xf32, #tpu.memory_space<vmem>>)
      %scan3A_550 = arith.constant 0 : i32
      %scan3A_551 = arith.constant 0 : i32
      %scan3A_552 = arith.constant 32 : i32
      %scan3A_553 = arith.addi %scan3A_551, %scan3A_552 : i32
      %scan3A_554 = arith.constant 1 : i32
      %scan3A_555 = scf.for %scan3A_676 = %scan3A_551 to %scan3A_553 step %scan3A_554 iter_args(%scan3A_677 = %scan3A_550) -> (i32)  : i32 {
        %mul3A_678 = arith.constant 32 : i32
        %mul3A_679 = arith.muli %add3A_541, %mul3A_678 : i32
        %add3A_680 = arith.addi %mul3A_679, %scan3A_676 : i32
        %get3A_681 = arith.index_cast %add3A_680 : i32 to index
        %get3A_682 = tpu.vector_load %arg8[%get3A_681] {strides = array<i32>} : memref<528xf32, #tpu.memory_space<vmem>>, vector<16xf32>,
        %get3A_683 = vector.shape_cast %get3A_682 : vector<16xf32> to vector<16xf32>
        %gather3A = vector.shape_cast %broadcast_in_dim3A_513 : vector<16x1xi32> to vector<16xi32>
        %gather3A_684 = tpu.dynamic_gather %get3A_683[%gather3A] in [0] : vector<16xf32>, vector<16xi32> -> vector<16xf32>
        %get3A_685 = arith.index_cast %scan3A_676 : i32 to index
        %get3A_686 = arith.constant 0 : index
        %get3A_687 = tpu.vector_load %arg9[%get3A_685, %get3A_686] {strides = array<i32>} : memref<32x512xf32, #tpu.memory_space<vmem>>, vector<1x16xf32>,
        %get3A_688 = vector.shape_cast %get3A_687 : vector<1x16xf32> to vector<16xf32>
        %get3A_689 = arith.index_cast %scan3A_676 : i32 to index
        %get3A_690 = arith.constant 64 : index
        %get3A_691 = tpu.vector_load %arg9[%get3A_689, %get3A_690] {strides = array<i32>} : memref<32x512xf32, #tpu.memory_space<vmem>>, vector<1x16xf32>,
        %get3A_692 = vector.shape_cast %get3A_691 : vector<1x16xf32> to vector<16xf32>
        %add3A_693 = arith.addf %get3A_688, %get3A_692 : vector<16xf32>
        %get3A_694 = arith.index_cast %scan3A_676 : i32 to index
        %get3A_695 = arith.constant 128 : index
        %get3A_696 = tpu.vector_load %arg9[%get3A_694, %get3A_695] {strides = array<i32>} : memref<32x512xf32, #tpu.memory_space<vmem>>, vector<1x16xf32>,
        %get3A_697 = vector.shape_cast %get3A_696 : vector<1x16xf32> to vector<16xf32>
        %add3A_698 = arith.addf %add3A_693, %get3A_697 : vector<16xf32>
        %get3A_699 = arith.index_cast %scan3A_676 : i32 to index
        %get3A_700 = arith.constant 192 : index
        %get3A_701 = tpu.vector_load %arg9[%get3A_699, %get3A_700] {strides = array<i32>} : memref<32x512xf32, #tpu.memory_space<vmem>>, vector<1x16xf32>,
        %get3A_702 = vector.shape_cast %get3A_701 : vector<1x16xf32> to vector<16xf32>
        %add3A_703 = arith.addf %add3A_698, %get3A_702 : vector<16xf32>
        %get3A_704 = arith.index_cast %scan3A_676 : i32 to index
        %get3A_705 = arith.constant 256 : index
        %get3A_706 = tpu.vector_load %arg9[%get3A_704, %get3A_705] {strides = array<i32>} : memref<32x512xf32, #tpu.memory_space<vmem>>, vector<1x16xf32>,
        %get3A_707 = vector.shape_cast %get3A_706 : vector<1x16xf32> to vector<16xf32>
        %add3A_708 = arith.addf %add3A_703, %get3A_707 : vector<16xf32>
        %get3A_709 = arith.index_cast %scan3A_676 : i32 to index
        %get3A_710 = arith.constant 320 : index
        %get3A_711 = tpu.vector_load %arg9[%get3A_709, %get3A_710] {strides = array<i32>} : memref<32x512xf32, #tpu.memory_space<vmem>>, vector<1x16xf32>,
        %get3A_712 = vector.shape_cast %get3A_711 : vector<1x16xf32> to vector<16xf32>
        %add3A_713 = arith.addf %add3A_708, %get3A_712 : vector<16xf32>
        %get3A_714 = arith.index_cast %scan3A_676 : i32 to index
        %get3A_715 = arith.constant 384 : index
        %get3A_716 = tpu.vector_load %arg9[%get3A_714, %get3A_715] {strides = array<i32>} : memref<32x512xf32, #tpu.memory_space<vmem>>, vector<1x16xf32>,
        %get3A_717 = vector.shape_cast %get3A_716 : vector<1x16xf32> to vector<16xf32>
        %add3A_718 = arith.addf %add3A_713, %get3A_717 : vector<16xf32>
        %get3A_719 = arith.index_cast %scan3A_676 : i32 to index
        %get3A_720 = arith.constant 448 : index
        %get3A_721 = tpu.vector_load %arg9[%get3A_719, %get3A_720] {strides = array<i32>} : memref<32x512xf32, #tpu.memory_space<vmem>>, vector<1x16xf32>,
        %get3A_722 = vector.shape_cast %get3A_721 : vector<1x16xf32> to vector<16xf32>
        %add3A_723 = arith.addf %add3A_718, %get3A_722 : vector<16xf32>
        %mul3A_724 = arith.mulf %add3A_723, %gather3A_684 : vector<16xf32>
        %swap3A_725 = arith.index_cast %scan3A_676 : i32 to index
        %swap3A_726 = arith.constant 0 : index
        %swap3A_727 = tpu.vector_load %arg13[%swap3A_725, %swap3A_726] {strides = array<i32>} : memref<32x64xf32, #tpu.memory_space<vmem>>, vector<1x16xf32>,
        %swap3A_728 = vector.shape_cast %swap3A_727 : vector<1x16xf32> to vector<16xf32>
        %swap3A_729 = vector.shape_cast %mul3A_724 : vector<16xf32> to vector<1x16xf32>
        tpu.vector_store %arg13[%swap3A_725, %swap3A_726], %swap3A_729 {strides = array<i32>} : memref<32x64xf32, #tpu.memory_space<vmem>>, vector<1x16xf32>,
        %get3A_730 = arith.index_cast %scan3A_676 : i32 to index
        %get3A_731 = arith.constant 16 : index
        %get3A_732 = tpu.vector_load %arg9[%get3A_730, %get3A_731] {strides = array<i32>} : memref<32x512xf32, #tpu.memory_space<vmem>>, vector<1x16xf32>,
        %get3A_733 = vector.shape_cast %get3A_732 : vector<1x16xf32> to vector<16xf32>
        %get3A_734 = arith.index_cast %scan3A_676 : i32 to index
        %get3A_735 = arith.constant 80 : index
        %get3A_736 = tpu.vector_load %arg9[%get3A_734, %get3A_735] {strides = array<i32>} : memref<32x512xf32, #tpu.memory_space<vmem>>, vector<1x16xf32>,
        %get3A_737 = vector.shape_cast %get3A_736 : vector<1x16xf32> to vector<16xf32>
        %add3A_738 = arith.addf %get3A_733, %get3A_737 : vector<16xf32>
        %get3A_739 = arith.index_cast %scan3A_676 : i32 to index
        %get3A_740 = arith.constant 144 : index
        %get3A_741 = tpu.vector_load %arg9[%get3A_739, %get3A_740] {strides = array<i32>} : memref<32x512xf32, #tpu.memory_space<vmem>>, vector<1x16xf32>,
        %get3A_742 = vector.shape_cast %get3A_741 : vector<1x16xf32> to vector<16xf32>
        %add3A_743 = arith.addf %add3A_738, %get3A_742 : vector<16xf32>
        %get3A_744 = arith.index_cast %scan3A_676 : i32 to index
        %get3A_745 = arith.constant 208 : index
        %get3A_746 = tpu.vector_load %arg9[%get3A_744, %get3A_745] {strides = array<i32>} : memref<32x512xf32, #tpu.memory_space<vmem>>, vector<1x16xf32>,
        %get3A_747 = vector.shape_cast %get3A_746 : vector<1x16xf32> to vector<16xf32>
        %add3A_748 = arith.addf %add3A_743, %get3A_747 : vector<16xf32>
        %get3A_749 = arith.index_cast %scan3A_676 : i32 to index
        %get3A_750 = arith.constant 272 : index
        %get3A_751 = tpu.vector_load %arg9[%get3A_749, %get3A_750] {strides = array<i32>} : memref<32x512xf32, #tpu.memory_space<vmem>>, vector<1x16xf32>,
        %get3A_752 = vector.shape_cast %get3A_751 : vector<1x16xf32> to vector<16xf32>
        %add3A_753 = arith.addf %add3A_748, %get3A_752 : vector<16xf32>
        %get3A_754 = arith.index_cast %scan3A_676 : i32 to index
        %get3A_755 = arith.constant 336 : index
        %get3A_756 = tpu.vector_load %arg9[%get3A_754, %get3A_755] {strides = array<i32>} : memref<32x512xf32, #tpu.memory_space<vmem>>, vector<1x16xf32>,
        %get3A_757 = vector.shape_cast %get3A_756 : vector<1x16xf32> to vector<16xf32>
        %add3A_758 = arith.addf %add3A_753, %get3A_757 : vector<16xf32>
        %get3A_759 = arith.index_cast %scan3A_676 : i32 to index
        %get3A_760 = arith.constant 400 : index
        %get3A_761 = tpu.vector_load %arg9[%get3A_759, %get3A_760] {strides = array<i32>} : memref<32x512xf32, #tpu.memory_space<vmem>>, vector<1x16xf32>,
        %get3A_762 = vector.shape_cast %get3A_761 : vector<1x16xf32> to vector<16xf32>
        %add3A_763 = arith.addf %add3A_758, %get3A_762 : vector<16xf32>
        %get3A_764 = arith.index_cast %scan3A_676 : i32 to index
        %get3A_765 = arith.constant 464 : index
        %get3A_766 = tpu.vector_load %arg9[%get3A_764, %get3A_765] {strides = array<i32>} : memref<32x512xf32, #tpu.memory_space<vmem>>, vector<1x16xf32>,
        %get3A_767 = vector.shape_cast %get3A_766 : vector<1x16xf32> to vector<16xf32>
        %add3A_768 = arith.addf %add3A_763, %get3A_767 : vector<16xf32>
        %mul3A_769 = arith.mulf %add3A_768, %gather3A_684 : vector<16xf32>
        %swap3A_770 = arith.index_cast %scan3A_676 : i32 to index
        %swap3A_771 = arith.constant 16 : index
        %swap3A_772 = tpu.vector_load %arg13[%swap3A_770, %swap3A_771] {strides = array<i32>} : memref<32x64xf32, #tpu.memory_space<vmem>>, vector<1x16xf32>,
        %swap3A_773 = vector.shape_cast %swap3A_772 : vector<1x16xf32> to vector<16xf32>
        %swap3A_774 = vector.shape_cast %mul3A_769 : vector<16xf32> to vector<1x16xf32>
        tpu.vector_store %arg13[%swap3A_770, %swap3A_771], %swap3A_774 {strides = array<i32>} : memref<32x64xf32, #tpu.memory_space<vmem>>, vector<1x16xf32>,
        %get3A_775 = arith.index_cast %scan3A_676 : i32 to index
        %get3A_776 = arith.constant 32 : index
        %get3A_777 = tpu.vector_load %arg9[%get3A_775, %get3A_776] {strides = array<i32>} : memref<32x512xf32, #tpu.memory_space<vmem>>, vector<1x16xf32>,
        %get3A_778 = vector.shape_cast %get3A_777 : vector<1x16xf32> to vector<16xf32>
        %get3A_779 = arith.index_cast %scan3A_676 : i32 to index
        %get3A_780 = arith.constant 96 : index
        %get3A_781 = tpu.vector_load %arg9[%get3A_779, %get3A_780] {strides = array<i32>} : memref<32x512xf32, #tpu.memory_space<vmem>>, vector<1x16xf32>,
        %get3A_782 = vector.shape_cast %get3A_781 : vector<1x16xf32> to vector<16xf32>
        %add3A_783 = arith.addf %get3A_778, %get3A_782 : vector<16xf32>
        %get3A_784 = arith.index_cast %scan3A_676 : i32 to index
        %get3A_785 = arith.constant 160 : index
        %get3A_786 = tpu.vector_load %arg9[%get3A_784, %get3A_785] {strides = array<i32>} : memref<32x512xf32, #tpu.memory_space<vmem>>, vector<1x16xf32>,
        %get3A_787 = vector.shape_cast %get3A_786 : vector<1x16xf32> to vector<16xf32>
        %add3A_788 = arith.addf %add3A_783, %get3A_787 : vector<16xf32>
        %get3A_789 = arith.index_cast %scan3A_676 : i32 to index
        %get3A_790 = arith.constant 224 : index
        %get3A_791 = tpu.vector_load %arg9[%get3A_789, %get3A_790] {strides = array<i32>} : memref<32x512xf32, #tpu.memory_space<vmem>>, vector<1x16xf32>,
        %get3A_792 = vector.shape_cast %get3A_791 : vector<1x16xf32> to vector<16xf32>
        %add3A_793 = arith.addf %add3A_788, %get3A_792 : vector<16xf32>
        %get3A_794 = arith.index_cast %scan3A_676 : i32 to index
        %get3A_795 = arith.constant 288 : index
        %get3A_796 = tpu.vector_load %arg9[%get3A_794, %get3A_795] {strides = array<i32>} : memref<32x512xf32, #tpu.memory_space<vmem>>, vector<1x16xf32>,
        %get3A_797 = vector.shape_cast %get3A_796 : vector<1x16xf32> to vector<16xf32>
        %add3A_798 = arith.addf %add3A_793, %get3A_797 : vector<16xf32>
        %get3A_799 = arith.index_cast %scan3A_676 : i32 to index
        %get3A_800 = arith.constant 352 : index
        %get3A_801 = tpu.vector_load %arg9[%get3A_799, %get3A_800] {strides = array<i32>} : memref<32x512xf32, #tpu.memory_space<vmem>>, vector<1x16xf32>,
        %get3A_802 = vector.shape_cast %get3A_801 : vector<1x16xf32> to vector<16xf32>
        %add3A_803 = arith.addf %add3A_798, %get3A_802 : vector<16xf32>
        %get3A_804 = arith.index_cast %scan3A_676 : i32 to index
        %get3A_805 = arith.constant 416 : index
        %get3A_806 = tpu.vector_load %arg9[%get3A_804, %get3A_805] {strides = array<i32>} : memref<32x512xf32, #tpu.memory_space<vmem>>, vector<1x16xf32>,
        %get3A_807 = vector.shape_cast %get3A_806 : vector<1x16xf32> to vector<16xf32>
        %add3A_808 = arith.addf %add3A_803, %get3A_807 : vector<16xf32>
        %get3A_809 = arith.index_cast %scan3A_676 : i32 to index
        %get3A_810 = arith.constant 480 : index
        %get3A_811 = tpu.vector_load %arg9[%get3A_809, %get3A_810] {strides = array<i32>} : memref<32x512xf32, #tpu.memory_space<vmem>>, vector<1x16xf32>,
        %get3A_812 = vector.shape_cast %get3A_811 : vector<1x16xf32> to vector<16xf32>
        %add3A_813 = arith.addf %add3A_808, %get3A_812 : vector<16xf32>
        %mul3A_814 = arith.mulf %add3A_813, %gather3A_684 : vector<16xf32>
        %swap3A_815 = arith.index_cast %scan3A_676 : i32 to index
        %swap3A_816 = arith.constant 32 : index
        %swap3A_817 = tpu.vector_load %arg13[%swap3A_815, %swap3A_816] {strides = array<i32>} : memref<32x64xf32, #tpu.memory_space<vmem>>, vector<1x16xf32>,
        %swap3A_818 = vector.shape_cast %swap3A_817 : vector<1x16xf32> to vector<16xf32>
        %swap3A_819 = vector.shape_cast %mul3A_814 : vector<16xf32> to vector<1x16xf32>
        tpu.vector_store %arg13[%swap3A_815, %swap3A_816], %swap3A_819 {strides = array<i32>} : memref<32x64xf32, #tpu.memory_space<vmem>>, vector<1x16xf32>,
        %get3A_820 = arith.index_cast %scan3A_676 : i32 to index
        %get3A_821 = arith.constant 48 : index
        %get3A_822 = tpu.vector_load %arg9[%get3A_820, %get3A_821] {strides = array<i32>} : memref<32x512xf32, #tpu.memory_space<vmem>>, vector<1x16xf32>,
        %get3A_823 = vector.shape_cast %get3A_822 : vector<1x16xf32> to vector<16xf32>
        %get3A_824 = arith.index_cast %scan3A_676 : i32 to index
        %get3A_825 = arith.constant 112 : index
        %get3A_826 = tpu.vector_load %arg9[%get3A_824, %get3A_825] {strides = array<i32>} : memref<32x512xf32, #tpu.memory_space<vmem>>, vector<1x16xf32>,
        %get3A_827 = vector.shape_cast %get3A_826 : vector<1x16xf32> to vector<16xf32>
        %add3A_828 = arith.addf %get3A_823, %get3A_827 : vector<16xf32>
        %get3A_829 = arith.index_cast %scan3A_676 : i32 to index
        %get3A_830 = arith.constant 176 : index
        %get3A_831 = tpu.vector_load %arg9[%get3A_829, %get3A_830] {strides = array<i32>} : memref<32x512xf32, #tpu.memory_space<vmem>>, vector<1x16xf32>,
        %get3A_832 = vector.shape_cast %get3A_831 : vector<1x16xf32> to vector<16xf32>
        %add3A_833 = arith.addf %add3A_828, %get3A_832 : vector<16xf32>
        %get3A_834 = arith.index_cast %scan3A_676 : i32 to index
        %get3A_835 = arith.constant 240 : index
        %get3A_836 = tpu.vector_load %arg9[%get3A_834, %get3A_835] {strides = array<i32>} : memref<32x512xf32, #tpu.memory_space<vmem>>, vector<1x16xf32>,
        %get3A_837 = vector.shape_cast %get3A_836 : vector<1x16xf32> to vector<16xf32>
        %add3A_838 = arith.addf %add3A_833, %get3A_837 : vector<16xf32>
        %get3A_839 = arith.index_cast %scan3A_676 : i32 to index
        %get3A_840 = arith.constant 304 : index
        %get3A_841 = tpu.vector_load %arg9[%get3A_839, %get3A_840] {strides = array<i32>} : memref<32x512xf32, #tpu.memory_space<vmem>>, vector<1x16xf32>,
        %get3A_842 = vector.shape_cast %get3A_841 : vector<1x16xf32> to vector<16xf32>
        %add3A_843 = arith.addf %add3A_838, %get3A_842 : vector<16xf32>
        %get3A_844 = arith.index_cast %scan3A_676 : i32 to index
        %get3A_845 = arith.constant 368 : index
        %get3A_846 = tpu.vector_load %arg9[%get3A_844, %get3A_845] {strides = array<i32>} : memref<32x512xf32, #tpu.memory_space<vmem>>, vector<1x16xf32>,
        %get3A_847 = vector.shape_cast %get3A_846 : vector<1x16xf32> to vector<16xf32>
        %add3A_848 = arith.addf %add3A_843, %get3A_847 : vector<16xf32>
        %get3A_849 = arith.index_cast %scan3A_676 : i32 to index
        %get3A_850 = arith.constant 432 : index
        %get3A_851 = tpu.vector_load %arg9[%get3A_849, %get3A_850] {strides = array<i32>} : memref<32x512xf32, #tpu.memory_space<vmem>>, vector<1x16xf32>,
        %get3A_852 = vector.shape_cast %get3A_851 : vector<1x16xf32> to vector<16xf32>
        %add3A_853 = arith.addf %add3A_848, %get3A_852 : vector<16xf32>
        %get3A_854 = arith.index_cast %scan3A_676 : i32 to index
        %get3A_855 = arith.constant 496 : index
        %get3A_856 = tpu.vector_load %arg9[%get3A_854, %get3A_855] {strides = array<i32>} : memref<32x512xf32, #tpu.memory_space<vmem>>, vector<1x16xf32>,
        %get3A_857 = vector.shape_cast %get3A_856 : vector<1x16xf32> to vector<16xf32>
        %add3A_858 = arith.addf %add3A_853, %get3A_857 : vector<16xf32>
        %mul3A_859 = arith.mulf %add3A_858, %gather3A_684 : vector<16xf32>
        %swap3A_860 = arith.index_cast %scan3A_676 : i32 to index
        %swap3A_861 = arith.constant 48 : index
        %swap3A_862 = tpu.vector_load %arg13[%swap3A_860, %swap3A_861] {strides = array<i32>} : memref<32x64xf32, #tpu.memory_space<vmem>>, vector<1x16xf32>,
        %swap3A_863 = vector.shape_cast %swap3A_862 : vector<1x16xf32> to vector<16xf32>
        %swap3A_864 = vector.shape_cast %mul3A_859 : vector<16xf32> to vector<1x16xf32>
        tpu.vector_store %arg13[%swap3A_860, %swap3A_861], %swap3A_864 {strides = array<i32>} : memref<32x64xf32, #tpu.memory_space<vmem>>, vector<1x16xf32>,
        %scan3A_865 = arith.constant 0 : i32
        scf.yield %scan3A_865 : i32
      }
      %scan3A_556 = arith.constant 32 : i32
      %add3A_557 = arith.constant 4 : i32
      %add3A_558 = arith.addi %add3A_541, %add3A_557 : i32
      %lt3A = arith.constant 16 : i32
      %lt3A_559 = arith.cmpi slt, %add3A_558, %lt3A : i32
      %convert_element_type3A_560 = arith.extui %lt3A_559 : i1 to i32
      %cond3A_561 = arith.constant 0 : i32
      %cond3A_562 = arith.cmpi ne, %convert_element_type3A_560, %cond3A_561 : i32
      scf.if %cond3A_562 {
        %add3A_676 = arith.constant 4 : i32
        %add3A_677 = arith.addi %add3A_541, %add3A_676 : i32
        %mul3A_678 = arith.constant 32 : i32
        %mul3A_679 = arith.muli %add3A_677, %mul3A_678 : i32
        %dma_start3A_680 = tpu.memref_slice %arg6[%mul3A_679] : memref<512xi32, #tpu.memory_space<vmem>> -> memref<32xi32, #tpu.memory_space<vmem>>
        %dma_start3A_681 = arith.constant 0 : i32
        %dma_start3A_682 = arith.constant 0 : i32
        %dma_start3A_683 = tpu.memref_slice %arg3[%dma_start3A_681, %dma_start3A_682] : memref<100000x512xf32, #tpu.memory_space<hbm>> -> memref<100000x512xf32, #tpu.memory_space<hbm>>
        tpu.enqueue_indirect_dma source(%dma_start3A_683 : memref<100000x512xf32, #tpu.memory_space<hbm>>) target(%arg9 : memref<32x512xf32, #tpu.memory_space<vmem>>) offsets(%dma_start3A_680 : memref<32xi32, #tpu.memory_space<vmem>>) semaphore(%arg18 : memref<!tpu.dma_semaphore, #tpu.memory_space<semaphore_mem>>)
      } else {
      }
      %mul3A_563 = arith.constant 32 : i32
      %mul3A_564 = arith.muli %add3A_541, %mul3A_563 : i32
      %add3A_565 = arith.addi %mul3A_2, %mul3A_564 : i32
      %dma_start3A_566 = arith.constant 0 : i32
      %dma_start3A_567 = tpu.memref_slice %arg5[%add3A_565, %dma_start3A_566] : memref<16384x64xf32, #tpu.memory_space<hbm>> -> memref<32x64xf32, #tpu.memory_space<hbm>>
      %dma_start3A_568 = arith.constant 0 : i32
      %dma_start3A_569 = tpu.memref_slice %arg5[%add3A_565, %dma_start3A_568] : memref<16384x64xf32, #tpu.memory_space<hbm>> -> memref<32x64xf32, #tpu.memory_space<hbm>>
      tpu.enqueue_dma source(%arg13 : memref<32x64xf32, #tpu.memory_space<vmem>>) target(%dma_start3A_569 : memref<32x64xf32, #tpu.memory_space<hbm>>) target_semaphore(%arg22 : memref<!tpu.dma_semaphore, #tpu.memory_space<semaphore_mem>>)
      %mul3A_570 = arith.constant 4 : i32
      %mul3A_571 = arith.muli %mul3A_570, %scan3A_536 : i32
      %add3A_572 = arith.constant 1 : i32
      %add3A_573 = arith.addi %mul3A_571, %add3A_572 : i32
      %ge3A_574 = arith.constant 4 : i32
      %ge3A_575 = arith.cmpi sge, %add3A_573, %ge3A_574 : i32
      %convert_element_type3A_576 = arith.extui %ge3A_575 : i1 to i32
      %cond3A_577 = arith.constant 0 : i32
      %cond3A_578 = arith.cmpi ne, %convert_element_type3A_576, %cond3A_577 : i32
      scf.if %cond3A_578 {
        %dma_wait3A_676 = arith.constant 0 : i32
        %dma_wait3A_677 = tpu.memref_slice %arg5[%mul3A_2, %dma_wait3A_676] : memref<16384x64xf32, #tpu.memory_space<hbm>> -> memref<32x64xf32, #tpu.memory_space<hbm>>
        %dma_wait3A_678 = arith.constant 0 : i32
        %dma_wait3A_679 = tpu.memref_slice %arg5[%mul3A_2, %dma_wait3A_678] : memref<16384x64xf32, #tpu.memory_space<hbm>> -> memref<32x64xf32, #tpu.memory_space<hbm>>
        tpu.wait_dma2 semaphore(%arg23 : memref<!tpu.dma_semaphore, #tpu.memory_space<semaphore_mem>>) src(%arg14 : memref<32x64xf32, #tpu.memory_space<vmem>>) dst(%dma_wait3A_679 : memref<32x64xf32, #tpu.memory_space<hbm>>)
      } else {
      }
      %dma_wait3A_579 = arith.constant 0 : i32
      %dma_wait3A_580 = tpu.memref_slice %arg6[%dma_wait3A_579] : memref<512xi32, #tpu.memory_space<vmem>> -> memref<32xi32, #tpu.memory_space<vmem>>
      %dma_wait3A_581 = arith.constant 0 : i32
      %dma_wait3A_582 = arith.constant 0 : i32
      %dma_wait3A_583 = tpu.memref_slice %arg3[%dma_wait3A_581, %dma_wait3A_582] : memref<100000x512xf32, #tpu.memory_space<hbm>> -> memref<100000x512xf32, #tpu.memory_space<hbm>>
      tpu.wait_indirect_dma semaphore(%arg19 : memref<!tpu.dma_semaphore, #tpu.memory_space<semaphore_mem>>) src(%dma_wait3A_583 : memref<100000x512xf32, #tpu.memory_space<hbm>>) dst(%arg10 : memref<32x512xf32, #tpu.memory_space<vmem>>)
      %scan3A_584 = arith.constant 0 : i32
      %scan3A_585 = arith.constant 0 : i32
      %scan3A_586 = arith.constant 32 : i32
      %scan3A_587 = arith.addi %scan3A_585, %scan3A_586 : i32
      %scan3A_588 = arith.constant 1 : i32
      %scan3A_589 = scf.for %scan3A_676 = %scan3A_585 to %scan3A_587 step %scan3A_588 iter_args(%scan3A_677 = %scan3A_584) -> (i32)  : i32 {
        %mul3A_678 = arith.constant 32 : i32
        %mul3A_679 = arith.muli %add3A_573, %mul3A_678 : i32
        %add3A_680 = arith.addi %mul3A_679, %scan3A_676 : i32
        %get3A_681 = arith.index_cast %add3A_680 : i32 to index
        %get3A_682 = tpu.vector_load %arg8[%get3A_681] {strides = array<i32>} : memref<528xf32, #tpu.memory_space<vmem>>, vector<16xf32>,
        %get3A_683 = vector.shape_cast %get3A_682 : vector<16xf32> to vector<16xf32>
        %gather3A = vector.shape_cast %broadcast_in_dim3A_513 : vector<16x1xi32> to vector<16xi32>
        %gather3A_684 = tpu.dynamic_gather %get3A_683[%gather3A] in [0] : vector<16xf32>, vector<16xi32> -> vector<16xf32>
        %get3A_685 = arith.index_cast %scan3A_676 : i32 to index
        %get3A_686 = arith.constant 0 : index
        %get3A_687 = tpu.vector_load %arg10[%get3A_685, %get3A_686] {strides = array<i32>} : memref<32x512xf32, #tpu.memory_space<vmem>>, vector<1x16xf32>,
        %get3A_688 = vector.shape_cast %get3A_687 : vector<1x16xf32> to vector<16xf32>
        %get3A_689 = arith.index_cast %scan3A_676 : i32 to index
        %get3A_690 = arith.constant 64 : index
        %get3A_691 = tpu.vector_load %arg10[%get3A_689, %get3A_690] {strides = array<i32>} : memref<32x512xf32, #tpu.memory_space<vmem>>, vector<1x16xf32>,
        %get3A_692 = vector.shape_cast %get3A_691 : vector<1x16xf32> to vector<16xf32>
        %add3A_693 = arith.addf %get3A_688, %get3A_692 : vector<16xf32>
        %get3A_694 = arith.index_cast %scan3A_676 : i32 to index
        %get3A_695 = arith.constant 128 : index
        %get3A_696 = tpu.vector_load %arg10[%get3A_694, %get3A_695] {strides = array<i32>} : memref<32x512xf32, #tpu.memory_space<vmem>>, vector<1x16xf32>,
        %get3A_697 = vector.shape_cast %get3A_696 : vector<1x16xf32> to vector<16xf32>
        %add3A_698 = arith.addf %add3A_693, %get3A_697 : vector<16xf32>
        %get3A_699 = arith.index_cast %scan3A_676 : i32 to index
        %get3A_700 = arith.constant 192 : index
        %get3A_701 = tpu.vector_load %arg10[%get3A_699, %get3A_700] {strides = array<i32>} : memref<32x512xf32, #tpu.memory_space<vmem>>, vector<1x16xf32>,
        %get3A_702 = vector.shape_cast %get3A_701 : vector<1x16xf32> to vector<16xf32>
        %add3A_703 = arith.addf %add3A_698, %get3A_702 : vector<16xf32>
        %get3A_704 = arith.index_cast %scan3A_676 : i32 to index
        %get3A_705 = arith.constant 256 : index
        %get3A_706 = tpu.vector_load %arg10[%get3A_704, %get3A_705] {strides = array<i32>} : memref<32x512xf32, #tpu.memory_space<vmem>>, vector<1x16xf32>,
        %get3A_707 = vector.shape_cast %get3A_706 : vector<1x16xf32> to vector<16xf32>
        %add3A_708 = arith.addf %add3A_703, %get3A_707 : vector<16xf32>
        %get3A_709 = arith.index_cast %scan3A_676 : i32 to index
        %get3A_710 = arith.constant 320 : index
        %get3A_711 = tpu.vector_load %arg10[%get3A_709, %get3A_710] {strides = array<i32>} : memref<32x512xf32, #tpu.memory_space<vmem>>, vector<1x16xf32>,
        %get3A_712 = vector.shape_cast %get3A_711 : vector<1x16xf32> to vector<16xf32>
        %add3A_713 = arith.addf %add3A_708, %get3A_712 : vector<16xf32>
        %get3A_714 = arith.index_cast %scan3A_676 : i32 to index
        %get3A_715 = arith.constant 384 : index
        %get3A_716 = tpu.vector_load %arg10[%get3A_714, %get3A_715] {strides = array<i32>} : memref<32x512xf32, #tpu.memory_space<vmem>>, vector<1x16xf32>,
        %get3A_717 = vector.shape_cast %get3A_716 : vector<1x16xf32> to vector<16xf32>
        %add3A_718 = arith.addf %add3A_713, %get3A_717 : vector<16xf32>
        %get3A_719 = arith.index_cast %scan3A_676 : i32 to index
        %get3A_720 = arith.constant 448 : index
        %get3A_721 = tpu.vector_load %arg10[%get3A_719, %get3A_720] {strides = array<i32>} : memref<32x512xf32, #tpu.memory_space<vmem>>, vector<1x16xf32>,
        %get3A_722 = vector.shape_cast %get3A_721 : vector<1x16xf32> to vector<16xf32>
        %add3A_723 = arith.addf %add3A_718, %get3A_722 : vector<16xf32>
        %mul3A_724 = arith.mulf %add3A_723, %gather3A_684 : vector<16xf32>
        %swap3A_725 = arith.index_cast %scan3A_676 : i32 to index
        %swap3A_726 = arith.constant 0 : index
        %swap3A_727 = tpu.vector_load %arg14[%swap3A_725, %swap3A_726] {strides = array<i32>} : memref<32x64xf32, #tpu.memory_space<vmem>>, vector<1x16xf32>,
        %swap3A_728 = vector.shape_cast %swap3A_727 : vector<1x16xf32> to vector<16xf32>
        %swap3A_729 = vector.shape_cast %mul3A_724 : vector<16xf32> to vector<1x16xf32>
        tpu.vector_store %arg14[%swap3A_725, %swap3A_726], %swap3A_729 {strides = array<i32>} : memref<32x64xf32, #tpu.memory_space<vmem>>, vector<1x16xf32>,
        %get3A_730 = arith.index_cast %scan3A_676 : i32 to index
        %get3A_731 = arith.constant 16 : index
        %get3A_732 = tpu.vector_load %arg10[%get3A_730, %get3A_731] {strides = array<i32>} : memref<32x512xf32, #tpu.memory_space<vmem>>, vector<1x16xf32>,
        %get3A_733 = vector.shape_cast %get3A_732 : vector<1x16xf32> to vector<16xf32>
        %get3A_734 = arith.index_cast %scan3A_676 : i32 to index
        %get3A_735 = arith.constant 80 : index
        %get3A_736 = tpu.vector_load %arg10[%get3A_734, %get3A_735] {strides = array<i32>} : memref<32x512xf32, #tpu.memory_space<vmem>>, vector<1x16xf32>,
        %get3A_737 = vector.shape_cast %get3A_736 : vector<1x16xf32> to vector<16xf32>
        %add3A_738 = arith.addf %get3A_733, %get3A_737 : vector<16xf32>
        %get3A_739 = arith.index_cast %scan3A_676 : i32 to index
        %get3A_740 = arith.constant 144 : index
        %get3A_741 = tpu.vector_load %arg10[%get3A_739, %get3A_740] {strides = array<i32>} : memref<32x512xf32, #tpu.memory_space<vmem>>, vector<1x16xf32>,
        %get3A_742 = vector.shape_cast %get3A_741 : vector<1x16xf32> to vector<16xf32>
        %add3A_743 = arith.addf %add3A_738, %get3A_742 : vector<16xf32>
        %get3A_744 = arith.index_cast %scan3A_676 : i32 to index
        %get3A_745 = arith.constant 208 : index
        %get3A_746 = tpu.vector_load %arg10[%get3A_744, %get3A_745] {strides = array<i32>} : memref<32x512xf32, #tpu.memory_space<vmem>>, vector<1x16xf32>,
        %get3A_747 = vector.shape_cast %get3A_746 : vector<1x16xf32> to vector<16xf32>
        %add3A_748 = arith.addf %add3A_743, %get3A_747 : vector<16xf32>
        %get3A_749 = arith.index_cast %scan3A_676 : i32 to index
        %get3A_750 = arith.constant 272 : index
        %get3A_751 = tpu.vector_load %arg10[%get3A_749, %get3A_750] {strides = array<i32>} : memref<32x512xf32, #tpu.memory_space<vmem>>, vector<1x16xf32>,
        %get3A_752 = vector.shape_cast %get3A_751 : vector<1x16xf32> to vector<16xf32>
        %add3A_753 = arith.addf %add3A_748, %get3A_752 : vector<16xf32>
        %get3A_754 = arith.index_cast %scan3A_676 : i32 to index
        %get3A_755 = arith.constant 336 : index
        %get3A_756 = tpu.vector_load %arg10[%get3A_754, %get3A_755] {strides = array<i32>} : memref<32x512xf32, #tpu.memory_space<vmem>>, vector<1x16xf32>,
        %get3A_757 = vector.shape_cast %get3A_756 : vector<1x16xf32> to vector<16xf32>
        %add3A_758 = arith.addf %add3A_753, %get3A_757 : vector<16xf32>
        %get3A_759 = arith.index_cast %scan3A_676 : i32 to index
        %get3A_760 = arith.constant 400 : index
        %get3A_761 = tpu.vector_load %arg10[%get3A_759, %get3A_760] {strides = array<i32>} : memref<32x512xf32, #tpu.memory_space<vmem>>, vector<1x16xf32>,
        %get3A_762 = vector.shape_cast %get3A_761 : vector<1x16xf32> to vector<16xf32>
        %add3A_763 = arith.addf %add3A_758, %get3A_762 : vector<16xf32>
        %get3A_764 = arith.index_cast %scan3A_676 : i32 to index
        %get3A_765 = arith.constant 464 : index
        %get3A_766 = tpu.vector_load %arg10[%get3A_764, %get3A_765] {strides = array<i32>} : memref<32x512xf32, #tpu.memory_space<vmem>>, vector<1x16xf32>,
        %get3A_767 = vector.shape_cast %get3A_766 : vector<1x16xf32> to vector<16xf32>
        %add3A_768 = arith.addf %add3A_763, %get3A_767 : vector<16xf32>
        %mul3A_769 = arith.mulf %add3A_768, %gather3A_684 : vector<16xf32>
        %swap3A_770 = arith.index_cast %scan3A_676 : i32 to index
        %swap3A_771 = arith.constant 16 : index
        %swap3A_772 = tpu.vector_load %arg14[%swap3A_770, %swap3A_771] {strides = array<i32>} : memref<32x64xf32, #tpu.memory_space<vmem>>, vector<1x16xf32>,
        %swap3A_773 = vector.shape_cast %swap3A_772 : vector<1x16xf32> to vector<16xf32>
        %swap3A_774 = vector.shape_cast %mul3A_769 : vector<16xf32> to vector<1x16xf32>
        tpu.vector_store %arg14[%swap3A_770, %swap3A_771], %swap3A_774 {strides = array<i32>} : memref<32x64xf32, #tpu.memory_space<vmem>>, vector<1x16xf32>,
        %get3A_775 = arith.index_cast %scan3A_676 : i32 to index
        %get3A_776 = arith.constant 32 : index
        %get3A_777 = tpu.vector_load %arg10[%get3A_775, %get3A_776] {strides = array<i32>} : memref<32x512xf32, #tpu.memory_space<vmem>>, vector<1x16xf32>,
        %get3A_778 = vector.shape_cast %get3A_777 : vector<1x16xf32> to vector<16xf32>
        %get3A_779 = arith.index_cast %scan3A_676 : i32 to index
        %get3A_780 = arith.constant 96 : index
        %get3A_781 = tpu.vector_load %arg10[%get3A_779, %get3A_780] {strides = array<i32>} : memref<32x512xf32, #tpu.memory_space<vmem>>, vector<1x16xf32>,
        %get3A_782 = vector.shape_cast %get3A_781 : vector<1x16xf32> to vector<16xf32>
        %add3A_783 = arith.addf %get3A_778, %get3A_782 : vector<16xf32>
        %get3A_784 = arith.index_cast %scan3A_676 : i32 to index
        %get3A_785 = arith.constant 160 : index
        %get3A_786 = tpu.vector_load %arg10[%get3A_784, %get3A_785] {strides = array<i32>} : memref<32x512xf32, #tpu.memory_space<vmem>>, vector<1x16xf32>,
        %get3A_787 = vector.shape_cast %get3A_786 : vector<1x16xf32> to vector<16xf32>
        %add3A_788 = arith.addf %add3A_783, %get3A_787 : vector<16xf32>
        %get3A_789 = arith.index_cast %scan3A_676 : i32 to index
        %get3A_790 = arith.constant 224 : index
        %get3A_791 = tpu.vector_load %arg10[%get3A_789, %get3A_790] {strides = array<i32>} : memref<32x512xf32, #tpu.memory_space<vmem>>, vector<1x16xf32>,
        %get3A_792 = vector.shape_cast %get3A_791 : vector<1x16xf32> to vector<16xf32>
        %add3A_793 = arith.addf %add3A_788, %get3A_792 : vector<16xf32>
        %get3A_794 = arith.index_cast %scan3A_676 : i32 to index
        %get3A_795 = arith.constant 288 : index
        %get3A_796 = tpu.vector_load %arg10[%get3A_794, %get3A_795] {strides = array<i32>} : memref<32x512xf32, #tpu.memory_space<vmem>>, vector<1x16xf32>,
        %get3A_797 = vector.shape_cast %get3A_796 : vector<1x16xf32> to vector<16xf32>
        %add3A_798 = arith.addf %add3A_793, %get3A_797 : vector<16xf32>
        %get3A_799 = arith.index_cast %scan3A_676 : i32 to index
        %get3A_800 = arith.constant 352 : index
        %get3A_801 = tpu.vector_load %arg10[%get3A_799, %get3A_800] {strides = array<i32>} : memref<32x512xf32, #tpu.memory_space<vmem>>, vector<1x16xf32>,
        %get3A_802 = vector.shape_cast %get3A_801 : vector<1x16xf32> to vector<16xf32>
        %add3A_803 = arith.addf %add3A_798, %get3A_802 : vector<16xf32>
        %get3A_804 = arith.index_cast %scan3A_676 : i32 to index
        %get3A_805 = arith.constant 416 : index
        %get3A_806 = tpu.vector_load %arg10[%get3A_804, %get3A_805] {strides = array<i32>} : memref<32x512xf32, #tpu.memory_space<vmem>>, vector<1x16xf32>,
        %get3A_807 = vector.shape_cast %get3A_806 : vector<1x16xf32> to vector<16xf32>
        %add3A_808 = arith.addf %add3A_803, %get3A_807 : vector<16xf32>
        %get3A_809 = arith.index_cast %scan3A_676 : i32 to index
        %get3A_810 = arith.constant 480 : index
        %get3A_811 = tpu.vector_load %arg10[%get3A_809, %get3A_810] {strides = array<i32>} : memref<32x512xf32, #tpu.memory_space<vmem>>, vector<1x16xf32>,
        %get3A_812 = vector.shape_cast %get3A_811 : vector<1x16xf32> to vector<16xf32>
        %add3A_813 = arith.addf %add3A_808, %get3A_812 : vector<16xf32>
        %mul3A_814 = arith.mulf %add3A_813, %gather3A_684 : vector<16xf32>
        %swap3A_815 = arith.index_cast %scan3A_676 : i32 to index
        %swap3A_816 = arith.constant 32 : index
        %swap3A_817 = tpu.vector_load %arg14[%swap3A_815, %swap3A_816] {strides = array<i32>} : memref<32x64xf32, #tpu.memory_space<vmem>>, vector<1x16xf32>,
        %swap3A_818 = vector.shape_cast %swap3A_817 : vector<1x16xf32> to vector<16xf32>
        %swap3A_819 = vector.shape_cast %mul3A_814 : vector<16xf32> to vector<1x16xf32>
        tpu.vector_store %arg14[%swap3A_815, %swap3A_816], %swap3A_819 {strides = array<i32>} : memref<32x64xf32, #tpu.memory_space<vmem>>, vector<1x16xf32>,
        %get3A_820 = arith.index_cast %scan3A_676 : i32 to index
        %get3A_821 = arith.constant 48 : index
        %get3A_822 = tpu.vector_load %arg10[%get3A_820, %get3A_821] {strides = array<i32>} : memref<32x512xf32, #tpu.memory_space<vmem>>, vector<1x16xf32>,
        %get3A_823 = vector.shape_cast %get3A_822 : vector<1x16xf32> to vector<16xf32>
        %get3A_824 = arith.index_cast %scan3A_676 : i32 to index
        %get3A_825 = arith.constant 112 : index
        %get3A_826 = tpu.vector_load %arg10[%get3A_824, %get3A_825] {strides = array<i32>} : memref<32x512xf32, #tpu.memory_space<vmem>>, vector<1x16xf32>,
        %get3A_827 = vector.shape_cast %get3A_826 : vector<1x16xf32> to vector<16xf32>
        %add3A_828 = arith.addf %get3A_823, %get3A_827 : vector<16xf32>
        %get3A_829 = arith.index_cast %scan3A_676 : i32 to index
        %get3A_830 = arith.constant 176 : index
        %get3A_831 = tpu.vector_load %arg10[%get3A_829, %get3A_830] {strides = array<i32>} : memref<32x512xf32, #tpu.memory_space<vmem>>, vector<1x16xf32>,
        %get3A_832 = vector.shape_cast %get3A_831 : vector<1x16xf32> to vector<16xf32>
        %add3A_833 = arith.addf %add3A_828, %get3A_832 : vector<16xf32>
        %get3A_834 = arith.index_cast %scan3A_676 : i32 to index
        %get3A_835 = arith.constant 240 : index
        %get3A_836 = tpu.vector_load %arg10[%get3A_834, %get3A_835] {strides = array<i32>} : memref<32x512xf32, #tpu.memory_space<vmem>>, vector<1x16xf32>,
        %get3A_837 = vector.shape_cast %get3A_836 : vector<1x16xf32> to vector<16xf32>
        %add3A_838 = arith.addf %add3A_833, %get3A_837 : vector<16xf32>
        %get3A_839 = arith.index_cast %scan3A_676 : i32 to index
        %get3A_840 = arith.constant 304 : index
        %get3A_841 = tpu.vector_load %arg10[%get3A_839, %get3A_840] {strides = array<i32>} : memref<32x512xf32, #tpu.memory_space<vmem>>, vector<1x16xf32>,
        %get3A_842 = vector.shape_cast %get3A_841 : vector<1x16xf32> to vector<16xf32>
        %add3A_843 = arith.addf %add3A_838, %get3A_842 : vector<16xf32>
        %get3A_844 = arith.index_cast %scan3A_676 : i32 to index
        %get3A_845 = arith.constant 368 : index
        %get3A_846 = tpu.vector_load %arg10[%get3A_844, %get3A_845] {strides = array<i32>} : memref<32x512xf32, #tpu.memory_space<vmem>>, vector<1x16xf32>,
        %get3A_847 = vector.shape_cast %get3A_846 : vector<1x16xf32> to vector<16xf32>
        %add3A_848 = arith.addf %add3A_843, %get3A_847 : vector<16xf32>
        %get3A_849 = arith.index_cast %scan3A_676 : i32 to index
        %get3A_850 = arith.constant 432 : index
        %get3A_851 = tpu.vector_load %arg10[%get3A_849, %get3A_850] {strides = array<i32>} : memref<32x512xf32, #tpu.memory_space<vmem>>, vector<1x16xf32>,
        %get3A_852 = vector.shape_cast %get3A_851 : vector<1x16xf32> to vector<16xf32>
        %add3A_853 = arith.addf %add3A_848, %get3A_852 : vector<16xf32>
        %get3A_854 = arith.index_cast %scan3A_676 : i32 to index
        %get3A_855 = arith.constant 496 : index
        %get3A_856 = tpu.vector_load %arg10[%get3A_854, %get3A_855] {strides = array<i32>} : memref<32x512xf32, #tpu.memory_space<vmem>>, vector<1x16xf32>,
        %get3A_857 = vector.shape_cast %get3A_856 : vector<1x16xf32> to vector<16xf32>
        %add3A_858 = arith.addf %add3A_853, %get3A_857 : vector<16xf32>
        %mul3A_859 = arith.mulf %add3A_858, %gather3A_684 : vector<16xf32>
        %swap3A_860 = arith.index_cast %scan3A_676 : i32 to index
        %swap3A_861 = arith.constant 48 : index
        %swap3A_862 = tpu.vector_load %arg14[%swap3A_860, %swap3A_861] {strides = array<i32>} : memref<32x64xf32, #tpu.memory_space<vmem>>, vector<1x16xf32>,
        %swap3A_863 = vector.shape_cast %swap3A_862 : vector<1x16xf32> to vector<16xf32>
        %swap3A_864 = vector.shape_cast %mul3A_859 : vector<16xf32> to vector<1x16xf32>
        tpu.vector_store %arg14[%swap3A_860, %swap3A_861], %swap3A_864 {strides = array<i32>} : memref<32x64xf32, #tpu.memory_space<vmem>>, vector<1x16xf32>,
        %scan3A_865 = arith.constant 0 : i32
        scf.yield %scan3A_865 : i32
      }
      %scan3A_590 = arith.constant 32 : i32
      %add3A_591 = arith.constant 4 : i32
      %add3A_592 = arith.addi %add3A_573, %add3A_591 : i32
      %lt3A_593 = arith.constant 16 : i32
      %lt3A_594 = arith.cmpi slt, %add3A_592, %lt3A_593 : i32
      %convert_element_type3A_595 = arith.extui %lt3A_594 : i1 to i32
      %cond3A_596 = arith.constant 0 : i32
      %cond3A_597 = arith.cmpi ne, %convert_element_type3A_595, %cond3A_596 : i32
      scf.if %cond3A_597 {
        %add3A_676 = arith.constant 4 : i32
        %add3A_677 = arith.addi %add3A_573, %add3A_676 : i32
        %mul3A_678 = arith.constant 32 : i32
        %mul3A_679 = arith.muli %add3A_677, %mul3A_678 : i32
        %dma_start3A_680 = tpu.memref_slice %arg6[%mul3A_679] : memref<512xi32, #tpu.memory_space<vmem>> -> memref<32xi32, #tpu.memory_space<vmem>>
        %dma_start3A_681 = arith.constant 0 : i32
        %dma_start3A_682 = arith.constant 0 : i32
        %dma_start3A_683 = tpu.memref_slice %arg3[%dma_start3A_681, %dma_start3A_682] : memref<100000x512xf32, #tpu.memory_space<hbm>> -> memref<100000x512xf32, #tpu.memory_space<hbm>>
        tpu.enqueue_indirect_dma source(%dma_start3A_683 : memref<100000x512xf32, #tpu.memory_space<hbm>>) target(%arg10 : memref<32x512xf32, #tpu.memory_space<vmem>>) offsets(%dma_start3A_680 : memref<32xi32, #tpu.memory_space<vmem>>) semaphore(%arg19 : memref<!tpu.dma_semaphore, #tpu.memory_space<semaphore_mem>>)
      } else {
      }
      %mul3A_598 = arith.constant 32 : i32
      %mul3A_599 = arith.muli %add3A_573, %mul3A_598 : i32
      %add3A_600 = arith.addi %mul3A_2, %mul3A_599 : i32
      %dma_start3A_601 = arith.constant 0 : i32
      %dma_start3A_602 = tpu.memref_slice %arg5[%add3A_600, %dma_start3A_601] : memref<16384x64xf32, #tpu.memory_space<hbm>> -> memref<32x64xf32, #tpu.memory_space<hbm>>
      %dma_start3A_603 = arith.constant 0 : i32
      %dma_start3A_604 = tpu.memref_slice %arg5[%add3A_600, %dma_start3A_603] : memref<16384x64xf32, #tpu.memory_space<hbm>> -> memref<32x64xf32, #tpu.memory_space<hbm>>
      tpu.enqueue_dma source(%arg14 : memref<32x64xf32, #tpu.memory_space<vmem>>) target(%dma_start3A_604 : memref<32x64xf32, #tpu.memory_space<hbm>>) target_semaphore(%arg23 : memref<!tpu.dma_semaphore, #tpu.memory_space<semaphore_mem>>)
      %mul3A_605 = arith.constant 4 : i32
      %mul3A_606 = arith.muli %mul3A_605, %scan3A_536 : i32
      %add3A_607 = arith.constant 2 : i32
      %add3A_608 = arith.addi %mul3A_606, %add3A_607 : i32
      %ge3A_609 = arith.constant 4 : i32
      %ge3A_610 = arith.cmpi sge, %add3A_608, %ge3A_609 : i32
      %convert_element_type3A_611 = arith.extui %ge3A_610 : i1 to i32
      %cond3A_612 = arith.constant 0 : i32
      %cond3A_613 = arith.cmpi ne, %convert_element_type3A_611, %cond3A_612 : i32
      scf.if %cond3A_613 {
        %dma_wait3A_676 = arith.constant 0 : i32
        %dma_wait3A_677 = tpu.memref_slice %arg5[%mul3A_2, %dma_wait3A_676] : memref<16384x64xf32, #tpu.memory_space<hbm>> -> memref<32x64xf32, #tpu.memory_space<hbm>>
        %dma_wait3A_678 = arith.constant 0 : i32
        %dma_wait3A_679 = tpu.memref_slice %arg5[%mul3A_2, %dma_wait3A_678] : memref<16384x64xf32, #tpu.memory_space<hbm>> -> memref<32x64xf32, #tpu.memory_space<hbm>>
        tpu.wait_dma2 semaphore(%arg24 : memref<!tpu.dma_semaphore, #tpu.memory_space<semaphore_mem>>) src(%arg15 : memref<32x64xf32, #tpu.memory_space<vmem>>) dst(%dma_wait3A_679 : memref<32x64xf32, #tpu.memory_space<hbm>>)
      } else {
      }
      %dma_wait3A_614 = arith.constant 0 : i32
      %dma_wait3A_615 = tpu.memref_slice %arg6[%dma_wait3A_614] : memref<512xi32, #tpu.memory_space<vmem>> -> memref<32xi32, #tpu.memory_space<vmem>>
      %dma_wait3A_616 = arith.constant 0 : i32
      %dma_wait3A_617 = arith.constant 0 : i32
      %dma_wait3A_618 = tpu.memref_slice %arg3[%dma_wait3A_616, %dma_wait3A_617] : memref<100000x512xf32, #tpu.memory_space<hbm>> -> memref<100000x512xf32, #tpu.memory_space<hbm>>
      tpu.wait_indirect_dma semaphore(%arg20 : memref<!tpu.dma_semaphore, #tpu.memory_space<semaphore_mem>>) src(%dma_wait3A_618 : memref<100000x512xf32, #tpu.memory_space<hbm>>) dst(%arg11 : memref<32x512xf32, #tpu.memory_space<vmem>>)
      %scan3A_619 = arith.constant 0 : i32
      %scan3A_620 = arith.constant 0 : i32
      %scan3A_621 = arith.constant 32 : i32
      %scan3A_622 = arith.addi %scan3A_620, %scan3A_621 : i32
      %scan3A_623 = arith.constant 1 : i32
      %scan3A_624 = scf.for %scan3A_676 = %scan3A_620 to %scan3A_622 step %scan3A_623 iter_args(%scan3A_677 = %scan3A_619) -> (i32)  : i32 {
        %mul3A_678 = arith.constant 32 : i32
        %mul3A_679 = arith.muli %add3A_608, %mul3A_678 : i32
        %add3A_680 = arith.addi %mul3A_679, %scan3A_676 : i32
        %get3A_681 = arith.index_cast %add3A_680 : i32 to index
        %get3A_682 = tpu.vector_load %arg8[%get3A_681] {strides = array<i32>} : memref<528xf32, #tpu.memory_space<vmem>>, vector<16xf32>,
        %get3A_683 = vector.shape_cast %get3A_682 : vector<16xf32> to vector<16xf32>
        %gather3A = vector.shape_cast %broadcast_in_dim3A_513 : vector<16x1xi32> to vector<16xi32>
        %gather3A_684 = tpu.dynamic_gather %get3A_683[%gather3A] in [0] : vector<16xf32>, vector<16xi32> -> vector<16xf32>
        %get3A_685 = arith.index_cast %scan3A_676 : i32 to index
        %get3A_686 = arith.constant 0 : index
        %get3A_687 = tpu.vector_load %arg11[%get3A_685, %get3A_686] {strides = array<i32>} : memref<32x512xf32, #tpu.memory_space<vmem>>, vector<1x16xf32>,
        %get3A_688 = vector.shape_cast %get3A_687 : vector<1x16xf32> to vector<16xf32>
        %get3A_689 = arith.index_cast %scan3A_676 : i32 to index
        %get3A_690 = arith.constant 64 : index
        %get3A_691 = tpu.vector_load %arg11[%get3A_689, %get3A_690] {strides = array<i32>} : memref<32x512xf32, #tpu.memory_space<vmem>>, vector<1x16xf32>,
        %get3A_692 = vector.shape_cast %get3A_691 : vector<1x16xf32> to vector<16xf32>
        %add3A_693 = arith.addf %get3A_688, %get3A_692 : vector<16xf32>
        %get3A_694 = arith.index_cast %scan3A_676 : i32 to index
        %get3A_695 = arith.constant 128 : index
        %get3A_696 = tpu.vector_load %arg11[%get3A_694, %get3A_695] {strides = array<i32>} : memref<32x512xf32, #tpu.memory_space<vmem>>, vector<1x16xf32>,
        %get3A_697 = vector.shape_cast %get3A_696 : vector<1x16xf32> to vector<16xf32>
        %add3A_698 = arith.addf %add3A_693, %get3A_697 : vector<16xf32>
        %get3A_699 = arith.index_cast %scan3A_676 : i32 to index
        %get3A_700 = arith.constant 192 : index
        %get3A_701 = tpu.vector_load %arg11[%get3A_699, %get3A_700] {strides = array<i32>} : memref<32x512xf32, #tpu.memory_space<vmem>>, vector<1x16xf32>,
        %get3A_702 = vector.shape_cast %get3A_701 : vector<1x16xf32> to vector<16xf32>
        %add3A_703 = arith.addf %add3A_698, %get3A_702 : vector<16xf32>
        %get3A_704 = arith.index_cast %scan3A_676 : i32 to index
        %get3A_705 = arith.constant 256 : index
        %get3A_706 = tpu.vector_load %arg11[%get3A_704, %get3A_705] {strides = array<i32>} : memref<32x512xf32, #tpu.memory_space<vmem>>, vector<1x16xf32>,
        %get3A_707 = vector.shape_cast %get3A_706 : vector<1x16xf32> to vector<16xf32>
        %add3A_708 = arith.addf %add3A_703, %get3A_707 : vector<16xf32>
        %get3A_709 = arith.index_cast %scan3A_676 : i32 to index
        %get3A_710 = arith.constant 320 : index
        %get3A_711 = tpu.vector_load %arg11[%get3A_709, %get3A_710] {strides = array<i32>} : memref<32x512xf32, #tpu.memory_space<vmem>>, vector<1x16xf32>,
        %get3A_712 = vector.shape_cast %get3A_711 : vector<1x16xf32> to vector<16xf32>
        %add3A_713 = arith.addf %add3A_708, %get3A_712 : vector<16xf32>
        %get3A_714 = arith.index_cast %scan3A_676 : i32 to index
        %get3A_715 = arith.constant 384 : index
        %get3A_716 = tpu.vector_load %arg11[%get3A_714, %get3A_715] {strides = array<i32>} : memref<32x512xf32, #tpu.memory_space<vmem>>, vector<1x16xf32>,
        %get3A_717 = vector.shape_cast %get3A_716 : vector<1x16xf32> to vector<16xf32>
        %add3A_718 = arith.addf %add3A_713, %get3A_717 : vector<16xf32>
        %get3A_719 = arith.index_cast %scan3A_676 : i32 to index
        %get3A_720 = arith.constant 448 : index
        %get3A_721 = tpu.vector_load %arg11[%get3A_719, %get3A_720] {strides = array<i32>} : memref<32x512xf32, #tpu.memory_space<vmem>>, vector<1x16xf32>,
        %get3A_722 = vector.shape_cast %get3A_721 : vector<1x16xf32> to vector<16xf32>
        %add3A_723 = arith.addf %add3A_718, %get3A_722 : vector<16xf32>
        %mul3A_724 = arith.mulf %add3A_723, %gather3A_684 : vector<16xf32>
        %swap3A_725 = arith.index_cast %scan3A_676 : i32 to index
        %swap3A_726 = arith.constant 0 : index
        %swap3A_727 = tpu.vector_load %arg15[%swap3A_725, %swap3A_726] {strides = array<i32>} : memref<32x64xf32, #tpu.memory_space<vmem>>, vector<1x16xf32>,
        %swap3A_728 = vector.shape_cast %swap3A_727 : vector<1x16xf32> to vector<16xf32>
        %swap3A_729 = vector.shape_cast %mul3A_724 : vector<16xf32> to vector<1x16xf32>
        tpu.vector_store %arg15[%swap3A_725, %swap3A_726], %swap3A_729 {strides = array<i32>} : memref<32x64xf32, #tpu.memory_space<vmem>>, vector<1x16xf32>,
        %get3A_730 = arith.index_cast %scan3A_676 : i32 to index
        %get3A_731 = arith.constant 16 : index
        %get3A_732 = tpu.vector_load %arg11[%get3A_730, %get3A_731] {strides = array<i32>} : memref<32x512xf32, #tpu.memory_space<vmem>>, vector<1x16xf32>,
        %get3A_733 = vector.shape_cast %get3A_732 : vector<1x16xf32> to vector<16xf32>
        %get3A_734 = arith.index_cast %scan3A_676 : i32 to index
        %get3A_735 = arith.constant 80 : index
        %get3A_736 = tpu.vector_load %arg11[%get3A_734, %get3A_735] {strides = array<i32>} : memref<32x512xf32, #tpu.memory_space<vmem>>, vector<1x16xf32>,
        %get3A_737 = vector.shape_cast %get3A_736 : vector<1x16xf32> to vector<16xf32>
        %add3A_738 = arith.addf %get3A_733, %get3A_737 : vector<16xf32>
        %get3A_739 = arith.index_cast %scan3A_676 : i32 to index
        %get3A_740 = arith.constant 144 : index
        %get3A_741 = tpu.vector_load %arg11[%get3A_739, %get3A_740] {strides = array<i32>} : memref<32x512xf32, #tpu.memory_space<vmem>>, vector<1x16xf32>,
        %get3A_742 = vector.shape_cast %get3A_741 : vector<1x16xf32> to vector<16xf32>
        %add3A_743 = arith.addf %add3A_738, %get3A_742 : vector<16xf32>
        %get3A_744 = arith.index_cast %scan3A_676 : i32 to index
        %get3A_745 = arith.constant 208 : index
        %get3A_746 = tpu.vector_load %arg11[%get3A_744, %get3A_745] {strides = array<i32>} : memref<32x512xf32, #tpu.memory_space<vmem>>, vector<1x16xf32>,
        %get3A_747 = vector.shape_cast %get3A_746 : vector<1x16xf32> to vector<16xf32>
        %add3A_748 = arith.addf %add3A_743, %get3A_747 : vector<16xf32>
        %get3A_749 = arith.index_cast %scan3A_676 : i32 to index
        %get3A_750 = arith.constant 272 : index
        %get3A_751 = tpu.vector_load %arg11[%get3A_749, %get3A_750] {strides = array<i32>} : memref<32x512xf32, #tpu.memory_space<vmem>>, vector<1x16xf32>,
        %get3A_752 = vector.shape_cast %get3A_751 : vector<1x16xf32> to vector<16xf32>
        %add3A_753 = arith.addf %add3A_748, %get3A_752 : vector<16xf32>
        %get3A_754 = arith.index_cast %scan3A_676 : i32 to index
        %get3A_755 = arith.constant 336 : index
        %get3A_756 = tpu.vector_load %arg11[%get3A_754, %get3A_755] {strides = array<i32>} : memref<32x512xf32, #tpu.memory_space<vmem>>, vector<1x16xf32>,
        %get3A_757 = vector.shape_cast %get3A_756 : vector<1x16xf32> to vector<16xf32>
        %add3A_758 = arith.addf %add3A_753, %get3A_757 : vector<16xf32>
        %get3A_759 = arith.index_cast %scan3A_676 : i32 to index
        %get3A_760 = arith.constant 400 : index
        %get3A_761 = tpu.vector_load %arg11[%get3A_759, %get3A_760] {strides = array<i32>} : memref<32x512xf32, #tpu.memory_space<vmem>>, vector<1x16xf32>,
        %get3A_762 = vector.shape_cast %get3A_761 : vector<1x16xf32> to vector<16xf32>
        %add3A_763 = arith.addf %add3A_758, %get3A_762 : vector<16xf32>
        %get3A_764 = arith.index_cast %scan3A_676 : i32 to index
        %get3A_765 = arith.constant 464 : index
        %get3A_766 = tpu.vector_load %arg11[%get3A_764, %get3A_765] {strides = array<i32>} : memref<32x512xf32, #tpu.memory_space<vmem>>, vector<1x16xf32>,
        %get3A_767 = vector.shape_cast %get3A_766 : vector<1x16xf32> to vector<16xf32>
        %add3A_768 = arith.addf %add3A_763, %get3A_767 : vector<16xf32>
        %mul3A_769 = arith.mulf %add3A_768, %gather3A_684 : vector<16xf32>
        %swap3A_770 = arith.index_cast %scan3A_676 : i32 to index
        %swap3A_771 = arith.constant 16 : index
        %swap3A_772 = tpu.vector_load %arg15[%swap3A_770, %swap3A_771] {strides = array<i32>} : memref<32x64xf32, #tpu.memory_space<vmem>>, vector<1x16xf32>,
        %swap3A_773 = vector.shape_cast %swap3A_772 : vector<1x16xf32> to vector<16xf32>
        %swap3A_774 = vector.shape_cast %mul3A_769 : vector<16xf32> to vector<1x16xf32>
        tpu.vector_store %arg15[%swap3A_770, %swap3A_771], %swap3A_774 {strides = array<i32>} : memref<32x64xf32, #tpu.memory_space<vmem>>, vector<1x16xf32>,
        %get3A_775 = arith.index_cast %scan3A_676 : i32 to index
        %get3A_776 = arith.constant 32 : index
        %get3A_777 = tpu.vector_load %arg11[%get3A_775, %get3A_776] {strides = array<i32>} : memref<32x512xf32, #tpu.memory_space<vmem>>, vector<1x16xf32>,
        %get3A_778 = vector.shape_cast %get3A_777 : vector<1x16xf32> to vector<16xf32>
        %get3A_779 = arith.index_cast %scan3A_676 : i32 to index
        %get3A_780 = arith.constant 96 : index
        %get3A_781 = tpu.vector_load %arg11[%get3A_779, %get3A_780] {strides = array<i32>} : memref<32x512xf32, #tpu.memory_space<vmem>>, vector<1x16xf32>,
        %get3A_782 = vector.shape_cast %get3A_781 : vector<1x16xf32> to vector<16xf32>
        %add3A_783 = arith.addf %get3A_778, %get3A_782 : vector<16xf32>
        %get3A_784 = arith.index_cast %scan3A_676 : i32 to index
        %get3A_785 = arith.constant 160 : index
        %get3A_786 = tpu.vector_load %arg11[%get3A_784, %get3A_785] {strides = array<i32>} : memref<32x512xf32, #tpu.memory_space<vmem>>, vector<1x16xf32>,
        %get3A_787 = vector.shape_cast %get3A_786 : vector<1x16xf32> to vector<16xf32>
        %add3A_788 = arith.addf %add3A_783, %get3A_787 : vector<16xf32>
        %get3A_789 = arith.index_cast %scan3A_676 : i32 to index
        %get3A_790 = arith.constant 224 : index
        %get3A_791 = tpu.vector_load %arg11[%get3A_789, %get3A_790] {strides = array<i32>} : memref<32x512xf32, #tpu.memory_space<vmem>>, vector<1x16xf32>,
        %get3A_792 = vector.shape_cast %get3A_791 : vector<1x16xf32> to vector<16xf32>
        %add3A_793 = arith.addf %add3A_788, %get3A_792 : vector<16xf32>
        %get3A_794 = arith.index_cast %scan3A_676 : i32 to index
        %get3A_795 = arith.constant 288 : index
        %get3A_796 = tpu.vector_load %arg11[%get3A_794, %get3A_795] {strides = array<i32>} : memref<32x512xf32, #tpu.memory_space<vmem>>, vector<1x16xf32>,
        %get3A_797 = vector.shape_cast %get3A_796 : vector<1x16xf32> to vector<16xf32>
        %add3A_798 = arith.addf %add3A_793, %get3A_797 : vector<16xf32>
        %get3A_799 = arith.index_cast %scan3A_676 : i32 to index
        %get3A_800 = arith.constant 352 : index
        %get3A_801 = tpu.vector_load %arg11[%get3A_799, %get3A_800] {strides = array<i32>} : memref<32x512xf32, #tpu.memory_space<vmem>>, vector<1x16xf32>,
        %get3A_802 = vector.shape_cast %get3A_801 : vector<1x16xf32> to vector<16xf32>
        %add3A_803 = arith.addf %add3A_798, %get3A_802 : vector<16xf32>
        %get3A_804 = arith.index_cast %scan3A_676 : i32 to index
        %get3A_805 = arith.constant 416 : index
        %get3A_806 = tpu.vector_load %arg11[%get3A_804, %get3A_805] {strides = array<i32>} : memref<32x512xf32, #tpu.memory_space<vmem>>, vector<1x16xf32>,
        %get3A_807 = vector.shape_cast %get3A_806 : vector<1x16xf32> to vector<16xf32>
        %add3A_808 = arith.addf %add3A_803, %get3A_807 : vector<16xf32>
        %get3A_809 = arith.index_cast %scan3A_676 : i32 to index
        %get3A_810 = arith.constant 480 : index
        %get3A_811 = tpu.vector_load %arg11[%get3A_809, %get3A_810] {strides = array<i32>} : memref<32x512xf32, #tpu.memory_space<vmem>>, vector<1x16xf32>,
        %get3A_812 = vector.shape_cast %get3A_811 : vector<1x16xf32> to vector<16xf32>
        %add3A_813 = arith.addf %add3A_808, %get3A_812 : vector<16xf32>
        %mul3A_814 = arith.mulf %add3A_813, %gather3A_684 : vector<16xf32>
        %swap3A_815 = arith.index_cast %scan3A_676 : i32 to index
        %swap3A_816 = arith.constant 32 : index
        %swap3A_817 = tpu.vector_load %arg15[%swap3A_815, %swap3A_816] {strides = array<i32>} : memref<32x64xf32, #tpu.memory_space<vmem>>, vector<1x16xf32>,
        %swap3A_818 = vector.shape_cast %swap3A_817 : vector<1x16xf32> to vector<16xf32>
        %swap3A_819 = vector.shape_cast %mul3A_814 : vector<16xf32> to vector<1x16xf32>
        tpu.vector_store %arg15[%swap3A_815, %swap3A_816], %swap3A_819 {strides = array<i32>} : memref<32x64xf32, #tpu.memory_space<vmem>>, vector<1x16xf32>,
        %get3A_820 = arith.index_cast %scan3A_676 : i32 to index
        %get3A_821 = arith.constant 48 : index
        %get3A_822 = tpu.vector_load %arg11[%get3A_820, %get3A_821] {strides = array<i32>} : memref<32x512xf32, #tpu.memory_space<vmem>>, vector<1x16xf32>,
        %get3A_823 = vector.shape_cast %get3A_822 : vector<1x16xf32> to vector<16xf32>
        %get3A_824 = arith.index_cast %scan3A_676 : i32 to index
        %get3A_825 = arith.constant 112 : index
        %get3A_826 = tpu.vector_load %arg11[%get3A_824, %get3A_825] {strides = array<i32>} : memref<32x512xf32, #tpu.memory_space<vmem>>, vector<1x16xf32>,
        %get3A_827 = vector.shape_cast %get3A_826 : vector<1x16xf32> to vector<16xf32>
        %add3A_828 = arith.addf %get3A_823, %get3A_827 : vector<16xf32>
        %get3A_829 = arith.index_cast %scan3A_676 : i32 to index
        %get3A_830 = arith.constant 176 : index
        %get3A_831 = tpu.vector_load %arg11[%get3A_829, %get3A_830] {strides = array<i32>} : memref<32x512xf32, #tpu.memory_space<vmem>>, vector<1x16xf32>,
        %get3A_832 = vector.shape_cast %get3A_831 : vector<1x16xf32> to vector<16xf32>
        %add3A_833 = arith.addf %add3A_828, %get3A_832 : vector<16xf32>
        %get3A_834 = arith.index_cast %scan3A_676 : i32 to index
        %get3A_835 = arith.constant 240 : index
        %get3A_836 = tpu.vector_load %arg11[%get3A_834, %get3A_835] {strides = array<i32>} : memref<32x512xf32, #tpu.memory_space<vmem>>, vector<1x16xf32>,
        %get3A_837 = vector.shape_cast %get3A_836 : vector<1x16xf32> to vector<16xf32>
        %add3A_838 = arith.addf %add3A_833, %get3A_837 : vector<16xf32>
        %get3A_839 = arith.index_cast %scan3A_676 : i32 to index
        %get3A_840 = arith.constant 304 : index
        %get3A_841 = tpu.vector_load %arg11[%get3A_839, %get3A_840] {strides = array<i32>} : memref<32x512xf32, #tpu.memory_space<vmem>>, vector<1x16xf32>,
        %get3A_842 = vector.shape_cast %get3A_841 : vector<1x16xf32> to vector<16xf32>
        %add3A_843 = arith.addf %add3A_838, %get3A_842 : vector<16xf32>
        %get3A_844 = arith.index_cast %scan3A_676 : i32 to index
        %get3A_845 = arith.constant 368 : index
        %get3A_846 = tpu.vector_load %arg11[%get3A_844, %get3A_845] {strides = array<i32>} : memref<32x512xf32, #tpu.memory_space<vmem>>, vector<1x16xf32>,
        %get3A_847 = vector.shape_cast %get3A_846 : vector<1x16xf32> to vector<16xf32>
        %add3A_848 = arith.addf %add3A_843, %get3A_847 : vector<16xf32>
        %get3A_849 = arith.index_cast %scan3A_676 : i32 to index
        %get3A_850 = arith.constant 432 : index
        %get3A_851 = tpu.vector_load %arg11[%get3A_849, %get3A_850] {strides = array<i32>} : memref<32x512xf32, #tpu.memory_space<vmem>>, vector<1x16xf32>,
        %get3A_852 = vector.shape_cast %get3A_851 : vector<1x16xf32> to vector<16xf32>
        %add3A_853 = arith.addf %add3A_848, %get3A_852 : vector<16xf32>
        %get3A_854 = arith.index_cast %scan3A_676 : i32 to index
        %get3A_855 = arith.constant 496 : index
        %get3A_856 = tpu.vector_load %arg11[%get3A_854, %get3A_855] {strides = array<i32>} : memref<32x512xf32, #tpu.memory_space<vmem>>, vector<1x16xf32>,
        %get3A_857 = vector.shape_cast %get3A_856 : vector<1x16xf32> to vector<16xf32>
        %add3A_858 = arith.addf %add3A_853, %get3A_857 : vector<16xf32>
        %mul3A_859 = arith.mulf %add3A_858, %gather3A_684 : vector<16xf32>
        %swap3A_860 = arith.index_cast %scan3A_676 : i32 to index
        %swap3A_861 = arith.constant 48 : index
        %swap3A_862 = tpu.vector_load %arg15[%swap3A_860, %swap3A_861] {strides = array<i32>} : memref<32x64xf32, #tpu.memory_space<vmem>>, vector<1x16xf32>,
        %swap3A_863 = vector.shape_cast %swap3A_862 : vector<1x16xf32> to vector<16xf32>
        %swap3A_864 = vector.shape_cast %mul3A_859 : vector<16xf32> to vector<1x16xf32>
        tpu.vector_store %arg15[%swap3A_860, %swap3A_861], %swap3A_864 {strides = array<i32>} : memref<32x64xf32, #tpu.memory_space<vmem>>, vector<1x16xf32>,
        %scan3A_865 = arith.constant 0 : i32
        scf.yield %scan3A_865 : i32
      }
      %scan3A_625 = arith.constant 32 : i32
      %add3A_626 = arith.constant 4 : i32
      %add3A_627 = arith.addi %add3A_608, %add3A_626 : i32
      %lt3A_628 = arith.constant 16 : i32
      %lt3A_629 = arith.cmpi slt, %add3A_627, %lt3A_628 : i32
      %convert_element_type3A_630 = arith.extui %lt3A_629 : i1 to i32
      %cond3A_631 = arith.constant 0 : i32
      %cond3A_632 = arith.cmpi ne, %convert_element_type3A_630, %cond3A_631 : i32
      scf.if %cond3A_632 {
        %add3A_676 = arith.constant 4 : i32
        %add3A_677 = arith.addi %add3A_608, %add3A_676 : i32
        %mul3A_678 = arith.constant 32 : i32
        %mul3A_679 = arith.muli %add3A_677, %mul3A_678 : i32
        %dma_start3A_680 = tpu.memref_slice %arg6[%mul3A_679] : memref<512xi32, #tpu.memory_space<vmem>> -> memref<32xi32, #tpu.memory_space<vmem>>
        %dma_start3A_681 = arith.constant 0 : i32
        %dma_start3A_682 = arith.constant 0 : i32
        %dma_start3A_683 = tpu.memref_slice %arg3[%dma_start3A_681, %dma_start3A_682] : memref<100000x512xf32, #tpu.memory_space<hbm>> -> memref<100000x512xf32, #tpu.memory_space<hbm>>
        tpu.enqueue_indirect_dma source(%dma_start3A_683 : memref<100000x512xf32, #tpu.memory_space<hbm>>) target(%arg11 : memref<32x512xf32, #tpu.memory_space<vmem>>) offsets(%dma_start3A_680 : memref<32xi32, #tpu.memory_space<vmem>>) semaphore(%arg20 : memref<!tpu.dma_semaphore, #tpu.memory_space<semaphore_mem>>)
      } else {
      }
      %mul3A_633 = arith.constant 32 : i32
      %mul3A_634 = arith.muli %add3A_608, %mul3A_633 : i32
      %add3A_635 = arith.addi %mul3A_2, %mul3A_634 : i32
      %dma_start3A_636 = arith.constant 0 : i32
      %dma_start3A_637 = tpu.memref_slice %arg5[%add3A_635, %dma_start3A_636] : memref<16384x64xf32, #tpu.memory_space<hbm>> -> memref<32x64xf32, #tpu.memory_space<hbm>>
      %dma_start3A_638 = arith.constant 0 : i32
      %dma_start3A_639 = tpu.memref_slice %arg5[%add3A_635, %dma_start3A_638] : memref<16384x64xf32, #tpu.memory_space<hbm>> -> memref<32x64xf32, #tpu.memory_space<hbm>>
      tpu.enqueue_dma source(%arg15 : memref<32x64xf32, #tpu.memory_space<vmem>>) target(%dma_start3A_639 : memref<32x64xf32, #tpu.memory_space<hbm>>) target_semaphore(%arg24 : memref<!tpu.dma_semaphore, #tpu.memory_space<semaphore_mem>>)
      %mul3A_640 = arith.constant 4 : i32
      %mul3A_641 = arith.muli %mul3A_640, %scan3A_536 : i32
      %add3A_642 = arith.constant 3 : i32
      %add3A_643 = arith.addi %mul3A_641, %add3A_642 : i32
      %ge3A_644 = arith.constant 4 : i32
      %ge3A_645 = arith.cmpi sge, %add3A_643, %ge3A_644 : i32
      %convert_element_type3A_646 = arith.extui %ge3A_645 : i1 to i32
      %cond3A_647 = arith.constant 0 : i32
      %cond3A_648 = arith.cmpi ne, %convert_element_type3A_646, %cond3A_647 : i32
      scf.if %cond3A_648 {
        %dma_wait3A_676 = arith.constant 0 : i32
        %dma_wait3A_677 = tpu.memref_slice %arg5[%mul3A_2, %dma_wait3A_676] : memref<16384x64xf32, #tpu.memory_space<hbm>> -> memref<32x64xf32, #tpu.memory_space<hbm>>
        %dma_wait3A_678 = arith.constant 0 : i32
        %dma_wait3A_679 = tpu.memref_slice %arg5[%mul3A_2, %dma_wait3A_678] : memref<16384x64xf32, #tpu.memory_space<hbm>> -> memref<32x64xf32, #tpu.memory_space<hbm>>
        tpu.wait_dma2 semaphore(%arg25 : memref<!tpu.dma_semaphore, #tpu.memory_space<semaphore_mem>>) src(%arg16 : memref<32x64xf32, #tpu.memory_space<vmem>>) dst(%dma_wait3A_679 : memref<32x64xf32, #tpu.memory_space<hbm>>)
      } else {
      }
      %dma_wait3A_649 = arith.constant 0 : i32
      %dma_wait3A_650 = tpu.memref_slice %arg6[%dma_wait3A_649] : memref<512xi32, #tpu.memory_space<vmem>> -> memref<32xi32, #tpu.memory_space<vmem>>
      %dma_wait3A_651 = arith.constant 0 : i32
      %dma_wait3A_652 = arith.constant 0 : i32
      %dma_wait3A_653 = tpu.memref_slice %arg3[%dma_wait3A_651, %dma_wait3A_652] : memref<100000x512xf32, #tpu.memory_space<hbm>> -> memref<100000x512xf32, #tpu.memory_space<hbm>>
      tpu.wait_indirect_dma semaphore(%arg21 : memref<!tpu.dma_semaphore, #tpu.memory_space<semaphore_mem>>) src(%dma_wait3A_653 : memref<100000x512xf32, #tpu.memory_space<hbm>>) dst(%arg12 : memref<32x512xf32, #tpu.memory_space<vmem>>)
      %scan3A_654 = arith.constant 0 : i32
      %scan3A_655 = arith.constant 0 : i32
      %scan3A_656 = arith.constant 32 : i32
      %scan3A_657 = arith.addi %scan3A_655, %scan3A_656 : i32
      %scan3A_658 = arith.constant 1 : i32
      %scan3A_659 = scf.for %scan3A_676 = %scan3A_655 to %scan3A_657 step %scan3A_658 iter_args(%scan3A_677 = %scan3A_654) -> (i32)  : i32 {
        %mul3A_678 = arith.constant 32 : i32
        %mul3A_679 = arith.muli %add3A_643, %mul3A_678 : i32
        %add3A_680 = arith.addi %mul3A_679, %scan3A_676 : i32
        %get3A_681 = arith.index_cast %add3A_680 : i32 to index
        %get3A_682 = tpu.vector_load %arg8[%get3A_681] {strides = array<i32>} : memref<528xf32, #tpu.memory_space<vmem>>, vector<16xf32>,
        %get3A_683 = vector.shape_cast %get3A_682 : vector<16xf32> to vector<16xf32>
        %gather3A = vector.shape_cast %broadcast_in_dim3A_513 : vector<16x1xi32> to vector<16xi32>
        %gather3A_684 = tpu.dynamic_gather %get3A_683[%gather3A] in [0] : vector<16xf32>, vector<16xi32> -> vector<16xf32>
        %get3A_685 = arith.index_cast %scan3A_676 : i32 to index
        %get3A_686 = arith.constant 0 : index
        %get3A_687 = tpu.vector_load %arg12[%get3A_685, %get3A_686] {strides = array<i32>} : memref<32x512xf32, #tpu.memory_space<vmem>>, vector<1x16xf32>,
        %get3A_688 = vector.shape_cast %get3A_687 : vector<1x16xf32> to vector<16xf32>
        %get3A_689 = arith.index_cast %scan3A_676 : i32 to index
        %get3A_690 = arith.constant 64 : index
        %get3A_691 = tpu.vector_load %arg12[%get3A_689, %get3A_690] {strides = array<i32>} : memref<32x512xf32, #tpu.memory_space<vmem>>, vector<1x16xf32>,
        %get3A_692 = vector.shape_cast %get3A_691 : vector<1x16xf32> to vector<16xf32>
        %add3A_693 = arith.addf %get3A_688, %get3A_692 : vector<16xf32>
        %get3A_694 = arith.index_cast %scan3A_676 : i32 to index
        %get3A_695 = arith.constant 128 : index
        %get3A_696 = tpu.vector_load %arg12[%get3A_694, %get3A_695] {strides = array<i32>} : memref<32x512xf32, #tpu.memory_space<vmem>>, vector<1x16xf32>,
        %get3A_697 = vector.shape_cast %get3A_696 : vector<1x16xf32> to vector<16xf32>
        %add3A_698 = arith.addf %add3A_693, %get3A_697 : vector<16xf32>
        %get3A_699 = arith.index_cast %scan3A_676 : i32 to index
        %get3A_700 = arith.constant 192 : index
        %get3A_701 = tpu.vector_load %arg12[%get3A_699, %get3A_700] {strides = array<i32>} : memref<32x512xf32, #tpu.memory_space<vmem>>, vector<1x16xf32>,
        %get3A_702 = vector.shape_cast %get3A_701 : vector<1x16xf32> to vector<16xf32>
        %add3A_703 = arith.addf %add3A_698, %get3A_702 : vector<16xf32>
        %get3A_704 = arith.index_cast %scan3A_676 : i32 to index
        %get3A_705 = arith.constant 256 : index
        %get3A_706 = tpu.vector_load %arg12[%get3A_704, %get3A_705] {strides = array<i32>} : memref<32x512xf32, #tpu.memory_space<vmem>>, vector<1x16xf32>,
        %get3A_707 = vector.shape_cast %get3A_706 : vector<1x16xf32> to vector<16xf32>
        %add3A_708 = arith.addf %add3A_703, %get3A_707 : vector<16xf32>
        %get3A_709 = arith.index_cast %scan3A_676 : i32 to index
        %get3A_710 = arith.constant 320 : index
        %get3A_711 = tpu.vector_load %arg12[%get3A_709, %get3A_710] {strides = array<i32>} : memref<32x512xf32, #tpu.memory_space<vmem>>, vector<1x16xf32>,
        %get3A_712 = vector.shape_cast %get3A_711 : vector<1x16xf32> to vector<16xf32>
        %add3A_713 = arith.addf %add3A_708, %get3A_712 : vector<16xf32>
        %get3A_714 = arith.index_cast %scan3A_676 : i32 to index
        %get3A_715 = arith.constant 384 : index
        %get3A_716 = tpu.vector_load %arg12[%get3A_714, %get3A_715] {strides = array<i32>} : memref<32x512xf32, #tpu.memory_space<vmem>>, vector<1x16xf32>,
        %get3A_717 = vector.shape_cast %get3A_716 : vector<1x16xf32> to vector<16xf32>
        %add3A_718 = arith.addf %add3A_713, %get3A_717 : vector<16xf32>
        %get3A_719 = arith.index_cast %scan3A_676 : i32 to index
        %get3A_720 = arith.constant 448 : index
        %get3A_721 = tpu.vector_load %arg12[%get3A_719, %get3A_720] {strides = array<i32>} : memref<32x512xf32, #tpu.memory_space<vmem>>, vector<1x16xf32>,
        %get3A_722 = vector.shape_cast %get3A_721 : vector<1x16xf32> to vector<16xf32>
        %add3A_723 = arith.addf %add3A_718, %get3A_722 : vector<16xf32>
        %mul3A_724 = arith.mulf %add3A_723, %gather3A_684 : vector<16xf32>
        %swap3A_725 = arith.index_cast %scan3A_676 : i32 to index
        %swap3A_726 = arith.constant 0 : index
        %swap3A_727 = tpu.vector_load %arg16[%swap3A_725, %swap3A_726] {strides = array<i32>} : memref<32x64xf32, #tpu.memory_space<vmem>>, vector<1x16xf32>,
        %swap3A_728 = vector.shape_cast %swap3A_727 : vector<1x16xf32> to vector<16xf32>
        %swap3A_729 = vector.shape_cast %mul3A_724 : vector<16xf32> to vector<1x16xf32>
        tpu.vector_store %arg16[%swap3A_725, %swap3A_726], %swap3A_729 {strides = array<i32>} : memref<32x64xf32, #tpu.memory_space<vmem>>, vector<1x16xf32>,
        %get3A_730 = arith.index_cast %scan3A_676 : i32 to index
        %get3A_731 = arith.constant 16 : index
        %get3A_732 = tpu.vector_load %arg12[%get3A_730, %get3A_731] {strides = array<i32>} : memref<32x512xf32, #tpu.memory_space<vmem>>, vector<1x16xf32>,
        %get3A_733 = vector.shape_cast %get3A_732 : vector<1x16xf32> to vector<16xf32>
        %get3A_734 = arith.index_cast %scan3A_676 : i32 to index
        %get3A_735 = arith.constant 80 : index
        %get3A_736 = tpu.vector_load %arg12[%get3A_734, %get3A_735] {strides = array<i32>} : memref<32x512xf32, #tpu.memory_space<vmem>>, vector<1x16xf32>,
        %get3A_737 = vector.shape_cast %get3A_736 : vector<1x16xf32> to vector<16xf32>
        %add3A_738 = arith.addf %get3A_733, %get3A_737 : vector<16xf32>
        %get3A_739 = arith.index_cast %scan3A_676 : i32 to index
        %get3A_740 = arith.constant 144 : index
        %get3A_741 = tpu.vector_load %arg12[%get3A_739, %get3A_740] {strides = array<i32>} : memref<32x512xf32, #tpu.memory_space<vmem>>, vector<1x16xf32>,
        %get3A_742 = vector.shape_cast %get3A_741 : vector<1x16xf32> to vector<16xf32>
        %add3A_743 = arith.addf %add3A_738, %get3A_742 : vector<16xf32>
        %get3A_744 = arith.index_cast %scan3A_676 : i32 to index
        %get3A_745 = arith.constant 208 : index
        %get3A_746 = tpu.vector_load %arg12[%get3A_744, %get3A_745] {strides = array<i32>} : memref<32x512xf32, #tpu.memory_space<vmem>>, vector<1x16xf32>,
        %get3A_747 = vector.shape_cast %get3A_746 : vector<1x16xf32> to vector<16xf32>
        %add3A_748 = arith.addf %add3A_743, %get3A_747 : vector<16xf32>
        %get3A_749 = arith.index_cast %scan3A_676 : i32 to index
        %get3A_750 = arith.constant 272 : index
        %get3A_751 = tpu.vector_load %arg12[%get3A_749, %get3A_750] {strides = array<i32>} : memref<32x512xf32, #tpu.memory_space<vmem>>, vector<1x16xf32>,
        %get3A_752 = vector.shape_cast %get3A_751 : vector<1x16xf32> to vector<16xf32>
        %add3A_753 = arith.addf %add3A_748, %get3A_752 : vector<16xf32>
        %get3A_754 = arith.index_cast %scan3A_676 : i32 to index
        %get3A_755 = arith.constant 336 : index
        %get3A_756 = tpu.vector_load %arg12[%get3A_754, %get3A_755] {strides = array<i32>} : memref<32x512xf32, #tpu.memory_space<vmem>>, vector<1x16xf32>,
        %get3A_757 = vector.shape_cast %get3A_756 : vector<1x16xf32> to vector<16xf32>
        %add3A_758 = arith.addf %add3A_753, %get3A_757 : vector<16xf32>
        %get3A_759 = arith.index_cast %scan3A_676 : i32 to index
        %get3A_760 = arith.constant 400 : index
        %get3A_761 = tpu.vector_load %arg12[%get3A_759, %get3A_760] {strides = array<i32>} : memref<32x512xf32, #tpu.memory_space<vmem>>, vector<1x16xf32>,
        %get3A_762 = vector.shape_cast %get3A_761 : vector<1x16xf32> to vector<16xf32>
        %add3A_763 = arith.addf %add3A_758, %get3A_762 : vector<16xf32>
        %get3A_764 = arith.index_cast %scan3A_676 : i32 to index
        %get3A_765 = arith.constant 464 : index
        %get3A_766 = tpu.vector_load %arg12[%get3A_764, %get3A_765] {strides = array<i32>} : memref<32x512xf32, #tpu.memory_space<vmem>>, vector<1x16xf32>,
        %get3A_767 = vector.shape_cast %get3A_766 : vector<1x16xf32> to vector<16xf32>
        %add3A_768 = arith.addf %add3A_763, %get3A_767 : vector<16xf32>
        %mul3A_769 = arith.mulf %add3A_768, %gather3A_684 : vector<16xf32>
        %swap3A_770 = arith.index_cast %scan3A_676 : i32 to index
        %swap3A_771 = arith.constant 16 : index
        %swap3A_772 = tpu.vector_load %arg16[%swap3A_770, %swap3A_771] {strides = array<i32>} : memref<32x64xf32, #tpu.memory_space<vmem>>, vector<1x16xf32>,
        %swap3A_773 = vector.shape_cast %swap3A_772 : vector<1x16xf32> to vector<16xf32>
        %swap3A_774 = vector.shape_cast %mul3A_769 : vector<16xf32> to vector<1x16xf32>
        tpu.vector_store %arg16[%swap3A_770, %swap3A_771], %swap3A_774 {strides = array<i32>} : memref<32x64xf32, #tpu.memory_space<vmem>>, vector<1x16xf32>,
        %get3A_775 = arith.index_cast %scan3A_676 : i32 to index
        %get3A_776 = arith.constant 32 : index
        %get3A_777 = tpu.vector_load %arg12[%get3A_775, %get3A_776] {strides = array<i32>} : memref<32x512xf32, #tpu.memory_space<vmem>>, vector<1x16xf32>,
        %get3A_778 = vector.shape_cast %get3A_777 : vector<1x16xf32> to vector<16xf32>
        %get3A_779 = arith.index_cast %scan3A_676 : i32 to index
        %get3A_780 = arith.constant 96 : index
        %get3A_781 = tpu.vector_load %arg12[%get3A_779, %get3A_780] {strides = array<i32>} : memref<32x512xf32, #tpu.memory_space<vmem>>, vector<1x16xf32>,
        %get3A_782 = vector.shape_cast %get3A_781 : vector<1x16xf32> to vector<16xf32>
        %add3A_783 = arith.addf %get3A_778, %get3A_782 : vector<16xf32>
        %get3A_784 = arith.index_cast %scan3A_676 : i32 to index
        %get3A_785 = arith.constant 160 : index
        %get3A_786 = tpu.vector_load %arg12[%get3A_784, %get3A_785] {strides = array<i32>} : memref<32x512xf32, #tpu.memory_space<vmem>>, vector<1x16xf32>,
        %get3A_787 = vector.shape_cast %get3A_786 : vector<1x16xf32> to vector<16xf32>
        %add3A_788 = arith.addf %add3A_783, %get3A_787 : vector<16xf32>
        %get3A_789 = arith.index_cast %scan3A_676 : i32 to index
        %get3A_790 = arith.constant 224 : index
        %get3A_791 = tpu.vector_load %arg12[%get3A_789, %get3A_790] {strides = array<i32>} : memref<32x512xf32, #tpu.memory_space<vmem>>, vector<1x16xf32>,
        %get3A_792 = vector.shape_cast %get3A_791 : vector<1x16xf32> to vector<16xf32>
        %add3A_793 = arith.addf %add3A_788, %get3A_792 : vector<16xf32>
        %get3A_794 = arith.index_cast %scan3A_676 : i32 to index
        %get3A_795 = arith.constant 288 : index
        %get3A_796 = tpu.vector_load %arg12[%get3A_794, %get3A_795] {strides = array<i32>} : memref<32x512xf32, #tpu.memory_space<vmem>>, vector<1x16xf32>,
        %get3A_797 = vector.shape_cast %get3A_796 : vector<1x16xf32> to vector<16xf32>
        %add3A_798 = arith.addf %add3A_793, %get3A_797 : vector<16xf32>
        %get3A_799 = arith.index_cast %scan3A_676 : i32 to index
        %get3A_800 = arith.constant 352 : index
        %get3A_801 = tpu.vector_load %arg12[%get3A_799, %get3A_800] {strides = array<i32>} : memref<32x512xf32, #tpu.memory_space<vmem>>, vector<1x16xf32>,
        %get3A_802 = vector.shape_cast %get3A_801 : vector<1x16xf32> to vector<16xf32>
        %add3A_803 = arith.addf %add3A_798, %get3A_802 : vector<16xf32>
        %get3A_804 = arith.index_cast %scan3A_676 : i32 to index
        %get3A_805 = arith.constant 416 : index
        %get3A_806 = tpu.vector_load %arg12[%get3A_804, %get3A_805] {strides = array<i32>} : memref<32x512xf32, #tpu.memory_space<vmem>>, vector<1x16xf32>,
        %get3A_807 = vector.shape_cast %get3A_806 : vector<1x16xf32> to vector<16xf32>
        %add3A_808 = arith.addf %add3A_803, %get3A_807 : vector<16xf32>
        %get3A_809 = arith.index_cast %scan3A_676 : i32 to index
        %get3A_810 = arith.constant 480 : index
        %get3A_811 = tpu.vector_load %arg12[%get3A_809, %get3A_810] {strides = array<i32>} : memref<32x512xf32, #tpu.memory_space<vmem>>, vector<1x16xf32>,
        %get3A_812 = vector.shape_cast %get3A_811 : vector<1x16xf32> to vector<16xf32>
        %add3A_813 = arith.addf %add3A_808, %get3A_812 : vector<16xf32>
        %mul3A_814 = arith.mulf %add3A_813, %gather3A_684 : vector<16xf32>
        %swap3A_815 = arith.index_cast %scan3A_676 : i32 to index
        %swap3A_816 = arith.constant 32 : index
        %swap3A_817 = tpu.vector_load %arg16[%swap3A_815, %swap3A_816] {strides = array<i32>} : memref<32x64xf32, #tpu.memory_space<vmem>>, vector<1x16xf32>,
        %swap3A_818 = vector.shape_cast %swap3A_817 : vector<1x16xf32> to vector<16xf32>
        %swap3A_819 = vector.shape_cast %mul3A_814 : vector<16xf32> to vector<1x16xf32>
        tpu.vector_store %arg16[%swap3A_815, %swap3A_816], %swap3A_819 {strides = array<i32>} : memref<32x64xf32, #tpu.memory_space<vmem>>, vector<1x16xf32>,
        %get3A_820 = arith.index_cast %scan3A_676 : i32 to index
        %get3A_821 = arith.constant 48 : index
        %get3A_822 = tpu.vector_load %arg12[%get3A_820, %get3A_821] {strides = array<i32>} : memref<32x512xf32, #tpu.memory_space<vmem>>, vector<1x16xf32>,
        %get3A_823 = vector.shape_cast %get3A_822 : vector<1x16xf32> to vector<16xf32>
        %get3A_824 = arith.index_cast %scan3A_676 : i32 to index
        %get3A_825 = arith.constant 112 : index
        %get3A_826 = tpu.vector_load %arg12[%get3A_824, %get3A_825] {strides = array<i32>} : memref<32x512xf32, #tpu.memory_space<vmem>>, vector<1x16xf32>,
        %get3A_827 = vector.shape_cast %get3A_826 : vector<1x16xf32> to vector<16xf32>
        %add3A_828 = arith.addf %get3A_823, %get3A_827 : vector<16xf32>
        %get3A_829 = arith.index_cast %scan3A_676 : i32 to index
        %get3A_830 = arith.constant 176 : index
        %get3A_831 = tpu.vector_load %arg12[%get3A_829, %get3A_830] {strides = array<i32>} : memref<32x512xf32, #tpu.memory_space<vmem>>, vector<1x16xf32>,
        %get3A_832 = vector.shape_cast %get3A_831 : vector<1x16xf32> to vector<16xf32>
        %add3A_833 = arith.addf %add3A_828, %get3A_832 : vector<16xf32>
        %get3A_834 = arith.index_cast %scan3A_676 : i32 to index
        %get3A_835 = arith.constant 240 : index
        %get3A_836 = tpu.vector_load %arg12[%get3A_834, %get3A_835] {strides = array<i32>} : memref<32x512xf32, #tpu.memory_space<vmem>>, vector<1x16xf32>,
        %get3A_837 = vector.shape_cast %get3A_836 : vector<1x16xf32> to vector<16xf32>
        %add3A_838 = arith.addf %add3A_833, %get3A_837 : vector<16xf32>
        %get3A_839 = arith.index_cast %scan3A_676 : i32 to index
        %get3A_840 = arith.constant 304 : index
        %get3A_841 = tpu.vector_load %arg12[%get3A_839, %get3A_840] {strides = array<i32>} : memref<32x512xf32, #tpu.memory_space<vmem>>, vector<1x16xf32>,
        %get3A_842 = vector.shape_cast %get3A_841 : vector<1x16xf32> to vector<16xf32>
        %add3A_843 = arith.addf %add3A_838, %get3A_842 : vector<16xf32>
        %get3A_844 = arith.index_cast %scan3A_676 : i32 to index
        %get3A_845 = arith.constant 368 : index
        %get3A_846 = tpu.vector_load %arg12[%get3A_844, %get3A_845] {strides = array<i32>} : memref<32x512xf32, #tpu.memory_space<vmem>>, vector<1x16xf32>,
        %get3A_847 = vector.shape_cast %get3A_846 : vector<1x16xf32> to vector<16xf32>
        %add3A_848 = arith.addf %add3A_843, %get3A_847 : vector<16xf32>
        %get3A_849 = arith.index_cast %scan3A_676 : i32 to index
        %get3A_850 = arith.constant 432 : index
        %get3A_851 = tpu.vector_load %arg12[%get3A_849, %get3A_850] {strides = array<i32>} : memref<32x512xf32, #tpu.memory_space<vmem>>, vector<1x16xf32>,
        %get3A_852 = vector.shape_cast %get3A_851 : vector<1x16xf32> to vector<16xf32>
        %add3A_853 = arith.addf %add3A_848, %get3A_852 : vector<16xf32>
        %get3A_854 = arith.index_cast %scan3A_676 : i32 to index
        %get3A_855 = arith.constant 496 : index
        %get3A_856 = tpu.vector_load %arg12[%get3A_854, %get3A_855] {strides = array<i32>} : memref<32x512xf32, #tpu.memory_space<vmem>>, vector<1x16xf32>,
        %get3A_857 = vector.shape_cast %get3A_856 : vector<1x16xf32> to vector<16xf32>
        %add3A_858 = arith.addf %add3A_853, %get3A_857 : vector<16xf32>
        %mul3A_859 = arith.mulf %add3A_858, %gather3A_684 : vector<16xf32>
        %swap3A_860 = arith.index_cast %scan3A_676 : i32 to index
        %swap3A_861 = arith.constant 48 : index
        %swap3A_862 = tpu.vector_load %arg16[%swap3A_860, %swap3A_861] {strides = array<i32>} : memref<32x64xf32, #tpu.memory_space<vmem>>, vector<1x16xf32>,
        %swap3A_863 = vector.shape_cast %swap3A_862 : vector<1x16xf32> to vector<16xf32>
        %swap3A_864 = vector.shape_cast %mul3A_859 : vector<16xf32> to vector<1x16xf32>
        tpu.vector_store %arg16[%swap3A_860, %swap3A_861], %swap3A_864 {strides = array<i32>} : memref<32x64xf32, #tpu.memory_space<vmem>>, vector<1x16xf32>,
        %scan3A_865 = arith.constant 0 : i32
        scf.yield %scan3A_865 : i32
      }
      %scan3A_660 = arith.constant 32 : i32
      %add3A_661 = arith.constant 4 : i32
      %add3A_662 = arith.addi %add3A_643, %add3A_661 : i32
      %lt3A_663 = arith.constant 16 : i32
      %lt3A_664 = arith.cmpi slt, %add3A_662, %lt3A_663 : i32
      %convert_element_type3A_665 = arith.extui %lt3A_664 : i1 to i32
      %cond3A_666 = arith.constant 0 : i32
      %cond3A_667 = arith.cmpi ne, %convert_element_type3A_665, %cond3A_666 : i32
      scf.if %cond3A_667 {
        %add3A_676 = arith.constant 4 : i32
        %add3A_677 = arith.addi %add3A_643, %add3A_676 : i32
        %mul3A_678 = arith.constant 32 : i32
        %mul3A_679 = arith.muli %add3A_677, %mul3A_678 : i32
        %dma_start3A_680 = tpu.memref_slice %arg6[%mul3A_679] : memref<512xi32, #tpu.memory_space<vmem>> -> memref<32xi32, #tpu.memory_space<vmem>>
        %dma_start3A_681 = arith.constant 0 : i32
        %dma_start3A_682 = arith.constant 0 : i32
        %dma_start3A_683 = tpu.memref_slice %arg3[%dma_start3A_681, %dma_start3A_682] : memref<100000x512xf32, #tpu.memory_space<hbm>> -> memref<100000x512xf32, #tpu.memory_space<hbm>>
        tpu.enqueue_indirect_dma source(%dma_start3A_683 : memref<100000x512xf32, #tpu.memory_space<hbm>>) target(%arg12 : memref<32x512xf32, #tpu.memory_space<vmem>>) offsets(%dma_start3A_680 : memref<32xi32, #tpu.memory_space<vmem>>) semaphore(%arg21 : memref<!tpu.dma_semaphore, #tpu.memory_space<semaphore_mem>>)
      } else {
      }
      %mul3A_668 = arith.constant 32 : i32
      %mul3A_669 = arith.muli %add3A_643, %mul3A_668 : i32
      %add3A_670 = arith.addi %mul3A_2, %mul3A_669 : i32
      %dma_start3A_671 = arith.constant 0 : i32
      %dma_start3A_672 = tpu.memref_slice %arg5[%add3A_670, %dma_start3A_671] : memref<16384x64xf32, #tpu.memory_space<hbm>> -> memref<32x64xf32, #tpu.memory_space<hbm>>
      %dma_start3A_673 = arith.constant 0 : i32
      %dma_start3A_674 = tpu.memref_slice %arg5[%add3A_670, %dma_start3A_673] : memref<16384x64xf32, #tpu.memory_space<hbm>> -> memref<32x64xf32, #tpu.memory_space<hbm>>
      tpu.enqueue_dma source(%arg16 : memref<32x64xf32, #tpu.memory_space<vmem>>) target(%dma_start3A_674 : memref<32x64xf32, #tpu.memory_space<hbm>>) target_semaphore(%arg25 : memref<!tpu.dma_semaphore, #tpu.memory_space<semaphore_mem>>)
      %scan3A_675 = arith.constant 0 : i32
      scf.yield %scan3A_675 : i32
    }
    %scan3A_519 = arith.constant 4 : i32
    %dma_wait3A_520 = arith.constant 0 : i32
    %dma_wait3A_521 = tpu.memref_slice %arg5[%mul3A_2, %dma_wait3A_520] : memref<16384x64xf32, #tpu.memory_space<hbm>> -> memref<32x64xf32, #tpu.memory_space<hbm>>
    %dma_wait3A_522 = arith.constant 0 : i32
    %dma_wait3A_523 = tpu.memref_slice %arg5[%mul3A_2, %dma_wait3A_522] : memref<16384x64xf32, #tpu.memory_space<hbm>> -> memref<32x64xf32, #tpu.memory_space<hbm>>
    tpu.wait_dma2 semaphore(%arg22 : memref<!tpu.dma_semaphore, #tpu.memory_space<semaphore_mem>>) src(%arg13 : memref<32x64xf32, #tpu.memory_space<vmem>>) dst(%dma_wait3A_523 : memref<32x64xf32, #tpu.memory_space<hbm>>)
    %dma_wait3A_524 = arith.constant 0 : i32
    %dma_wait3A_525 = tpu.memref_slice %arg5[%mul3A_2, %dma_wait3A_524] : memref<16384x64xf32, #tpu.memory_space<hbm>> -> memref<32x64xf32, #tpu.memory_space<hbm>>
    %dma_wait3A_526 = arith.constant 0 : i32
    %dma_wait3A_527 = tpu.memref_slice %arg5[%mul3A_2, %dma_wait3A_526] : memref<16384x64xf32, #tpu.memory_space<hbm>> -> memref<32x64xf32, #tpu.memory_space<hbm>>
    tpu.wait_dma2 semaphore(%arg23 : memref<!tpu.dma_semaphore, #tpu.memory_space<semaphore_mem>>) src(%arg14 : memref<32x64xf32, #tpu.memory_space<vmem>>) dst(%dma_wait3A_527 : memref<32x64xf32, #tpu.memory_space<hbm>>)
    %dma_wait3A_528 = arith.constant 0 : i32
    %dma_wait3A_529 = tpu.memref_slice %arg5[%mul3A_2, %dma_wait3A_528] : memref<16384x64xf32, #tpu.memory_space<hbm>> -> memref<32x64xf32, #tpu.memory_space<hbm>>
    %dma_wait3A_530 = arith.constant 0 : i32
    %dma_wait3A_531 = tpu.memref_slice %arg5[%mul3A_2, %dma_wait3A_530] : memref<16384x64xf32, #tpu.memory_space<hbm>> -> memref<32x64xf32, #tpu.memory_space<hbm>>
    tpu.wait_dma2 semaphore(%arg24 : memref<!tpu.dma_semaphore, #tpu.memory_space<semaphore_mem>>) src(%arg15 : memref<32x64xf32, #tpu.memory_space<vmem>>) dst(%dma_wait3A_531 : memref<32x64xf32, #tpu.memory_space<hbm>>)
    %dma_wait3A_532 = arith.constant 0 : i32
    %dma_wait3A_533 = tpu.memref_slice %arg5[%mul3A_2, %dma_wait3A_532] : memref<16384x64xf32, #tpu.memory_space<hbm>> -> memref<32x64xf32, #tpu.memory_space<hbm>>
    %dma_wait3A_534 = arith.constant 0 : i32
    %dma_wait3A_535 = tpu.memref_slice %arg5[%mul3A_2, %dma_wait3A_534] : memref<16384x64xf32, #tpu.memory_space<hbm>> -> memref<32x64xf32, #tpu.memory_space<hbm>>
    tpu.wait_dma2 semaphore(%arg25 : memref<!tpu.dma_semaphore, #tpu.memory_space<semaphore_mem>>) src(%arg16 : memref<32x64xf32, #tpu.memory_space<vmem>>) dst(%dma_wait3A_535 : memref<32x64xf32, #tpu.memory_space<hbm>>)
    return
  }
}

</mosaic_0001>

<sc_bundles>
// kernel: kernel.3.cloned.1.call-start
scs
__scs_entry_jumppad:
0x0: {  	(pc) =	sbr.rel $0x88, $3  }
0x1: {  	(tag) =	ssettag $0x0;
	lr =	simm.s32 $0x1  }
0x2: {  	[smem:$0x3F9E] =	sst lr;
	_ =	strace $0xD0000000  }
0x3: {  	_ = 	snop  }
0x4: {  	_ = 	snop  }
0x5: {  	_ = 	snop  }
0x6: {  	_ = 	snop  }
0x7: {  	_ = 	snop  }
__scs_overlays_trampoline_lowered:
0x8: {  	[smem:$0x3FAD] =	sst s0  }
0x9: {  	[smem:$0x3FAE] =	sst s1  }
0xa: {  	[smem:$0x3FAF] =	sst s2  }
0xb: {  	[smem:$0x3FB0] =	sst s3  }
0xc: {  	[smem:$0x3FB1] =	sst s4  }
0xd: {  	[smem:$0x3FB2] =	sst s5  }
0xe: {  	[smem:$0x3FB3] =	sst s6  }
0xf: {  	[smem:$0x3FB4] =	sst s7  }
0x10: {  	[smem:$0x3FB5] =	sst s8  }
0x11: {  	[smem:$0x3FB6] =	sst s9;
	s0 =	simm.s32 @!p0 $0x0  }
0x12: {  	s1 =	sld [smem:$0x3F9C];
	s0 =	simm.s32 @p0 $0x1  }
0x13: {  	[smem:$0x3FB7] =	sst s0;
	s0 =	simm.s32 @!p1 $0x0  }
0x14: {  	s2 =	sld [smem:$0x3F9B];
	s0 =	simm.s32 @p1 $0x1  }
0x15: {  	[smem:$0x3FB8] =	sst s0;
	s0 =	simm.s32 @!p2 $0x0  }
0x16: {  	s3 =	sld [smem:$0x3FDB];
	s0 =	simm.s32 @p2 $0x1  }
0x17: {  	s4 =	simm.s32 $0x1BF5;
	[smem:$0x3FBA] =	sst s0  }
0x18: {  	s0 =	sld [smem:$0x3F9D];
	_ =	swait.ge [sflag:s4], $0x0  }
0x19: {  	s7 =	sld [smem:$0x3F9E]  }
0x1a: {  	s8 =	sadd.s32 $0xFFFFE003, lr  }
0x1b: {  	s9 =	sadd.s32 $0xFFFFFEF7, lr;
	s5 =	simm.s32 $0xFFFFFFFF;
	p2 =	slt.u32 s8, $0xFFFFF086  }
0x1c: {  	p1 =	slt.u32 s9, $0xF7A;
	s5 =	simm.s32 @!p2 $0x0  }
0x1d: {  	s5 =	simm.s32 @p1 $0x1;
	p0 =	seq.s32 s7, s2  }
0x1e: {  	s7 =	smul.u32 @!p0 $0xF7A, s2;
	p2 =	seq.s32 @!p0 s5, $0x0  }
0x1f: {  	s9 =	smul.u32 $0xF7A, s1;
	s8 =	simm.s32 @!p0 $0x1BF5;
	p2 =	por !p2, p0  }
0x20: {  	[sflag:s8] =	ssyncset.s32 @!p0 $0xFFFFF086;
	s6 =	sadd.s32 @!p0 s3, s7;
	s7 =	simm.s32 @!p0 $0x108  }
0x21: {  	s3 =	sadd.s32 s3, s9;
	s6 =	sadd.s32 @!p0 $0x88, s6;
	s7 =	simm.s32 @p2 $0x1082  }
0x22: {  	[simem:s7], [sflag:s8] =	dma.local @!p0 [hbm:s6], $0xF7A  }
0x23: {  	s9 =	sor.u32 $0xD0000000, s2;
	s6 =	simm.s32 $0x108;
	_ =	swait.ge @!p0 [sflag:s8], $0x0  }
0x24: {  	s3 =	sadd.s32 $0x88, s3;
	s6 =	simm.s32 @!p1 $0x1082;
	[sflag:s4] =	ssyncset.s32 $0xFFFFF086  }
0x25: {  	[simem:s6], [sflag:s4] =	dma.local [hbm:s3], $0xF7A  }
0x26: {  	[smem:$0x3F9E] =	sst s1;
	(tag) =	ssettag s2;
	_ =	strace s9  }
0x27: {  	s1 =	sld [smem:$0x3FAE]  }
0x28: {  	s2 =	sld [smem:$0x3FAF]  }
0x29: {  	s4 =	sld [smem:$0x3FB1]  }
0x2a: {  	p0 =	seq.s32 s5, $0x0;
	s5 =	sld [smem:$0x3FB2]  }
0x2b: {  	s6 =	sld [smem:$0x3FB3]  }
0x2c: {  	s7 =	sld [smem:$0x3FB4]  }
0x2d: {  	s3 =	simm.s32 $0x108;
	s8 =	sld [smem:$0x3FB5]  }
0x2e: {  	s3 =	simm.s32 @!p0 $0x1082;
	s9 =	sld [smem:$0x3FB6]  }
0x2f: {  	lr =	sadd.s32 s0, s3;
	s0 =	sld [smem:$0x3FAD]  }
0x30: {  	s3 =	sld [smem:$0x3FB0]  }
0x31: {  	[smem:$0x3FB9] =	sst s10  }
0x32: {  	s10 =	sld [smem:$0x3FB7];
	_ =	sdelay $0x3  }
0x33: {  	p0 =	seq.s32 s10, $0x1;
	s10 =	sld [smem:$0x3FB9];
	_ =	sdelay $0x3  }
0x34: {  	[smem:$0x3FB9] =	sst s10  }
0x35: {  	s10 =	sld [smem:$0x3FB8];
	_ =	sdelay $0x3  }
0x36: {  	p1 =	seq.s32 s10, $0x1;
	s10 =	sld [smem:$0x3FB9];
	_ =	sdelay $0x3  }
0x37: {  	[smem:$0x3FB9] =	sst s10  }
0x38: {  	s10 =	sld [smem:$0x3FBA]  }
0x39: {  	_ = 	snop;
	(pc) =	sbr.ind lr, $3  }
0x3a: {  	_ = 	snop  }
0x3b: {  	_ = 	snop  }
0x3c: {  	p2 =	seq.s32 s10, $0x1;
	s10 =	sld [smem:$0x3FB9]  }
0x3d: {  	_ =	shalt  }
0x3e: {  	_ =	shalt  }
0x3f: {  	_ =	shalt  }
0x40: {  	_ =	shalt  }
0x41: {  	_ =	shalt  }
0x42: {  	_ =	shalt  }
0x43: {  	_ =	shalt  }
0x44: {  	_ =	shalt  }
0x45: {  	_ =	shalt  }
0x46: {  	_ =	shalt  }
0x47: {  	_ =	shalt  }
0x48: {  	_ =	shalt  }
0x49: {  	_ =	shalt  }
0x4a: {  	_ =	shalt  }
0x4b: {  	_ =	shalt  }
0x4c: {  	_ =	shalt  }
0x4d: {  	_ =	shalt  }
0x4e: {  	_ =	shalt  }
0x4f: {  	_ =	shalt  }
0x50: {  	_ =	shalt  }
0x51: {  	_ =	shalt  }
0x52: {  	_ =	shalt  }
0x53: {  	_ =	shalt  }
0x54: {  	_ =	shalt  }
0x55: {  	_ =	shalt  }
0x56: {  	_ =	shalt  }
0x57: {  	_ =	shalt  }
0x58: {  	_ =	shalt  }
0x59: {  	_ =	shalt  }
0x5a: {  	_ =	shalt  }
0x5b: {  	_ =	shalt  }
0x5c: {  	_ =	shalt  }
0x5d: {  	_ =	shalt  }
0x5e: {  	_ =	shalt  }
0x5f: {  	_ =	shalt  }
0x60: {  	_ =	shalt  }
0x61: {  	_ =	shalt  }
0x62: {  	_ =	shalt  }
0x63: {  	_ =	shalt  }
0x64: {  	_ =	shalt  }
0x65: {  	_ =	shalt  }
0x66: {  	_ =	shalt  }
0x67: {  	_ =	shalt  }
0x68: {  	_ =	shalt  }
0x69: {  	_ =	shalt  }
0x6a: {  	_ =	shalt  }
0x6b: {  	_ =	shalt  }
0x6c: {  	_ =	shalt  }
0x6d: {  	_ =	shalt  }
0x6e: {  	_ =	shalt  }
0x6f: {  	_ =	shalt  }
0x70: {  	_ =	shalt  }
0x71: {  	_ =	shalt  }
0x72: {  	_ =	shalt  }
0x73: {  	_ =	shalt  }
0x74: {  	_ =	shalt  }
0x75: {  	_ =	shalt  }
0x76: {  	_ =	shalt  }
0x77: {  	_ =	shalt  }
0x78: {  	_ =	shalt  }
0x79: {  	_ =	shalt  }
0x7a: {  	_ =	shalt  }
0x7b: {  	_ =	shalt  }
0x7c: {  	_ =	shalt  }
0x7d: {  	_ =	shalt  }
0x7e: {  	_ =	shalt  }
0x7f: {  	_ =	shalt  }
0x80: {  	_ =	shalt  }
0x81: {  	_ =	shalt  }
0x82: {  	_ =	shalt  }
0x83: {  	_ =	shalt  }
0x84: {  	_ =	shalt  }
0x85: {  	_ =	shalt  }
0x86: {  	_ =	shalt  }
0x87: {  	_ =	shalt  }
.Lfunc_end0:
.L_simem_size_0:
called_computation_lowered:
.L_overlay_start_0:
0x88: {  	s2 =	sld [smem:$0x3FD9]  }
0x89: {  	s3 =	sld [smem:$0x3FFE];
	_ =	sdelay $0x1  }
0x8a: {  	s1 =	srdreg.scid  }
0x8b: {  	s0 =	sand.u32 $0x1, s1  }
0x8c: {  	s17 =	sshll.u32 s0, $0xA;
	s2 =	sadd.s32 s3, s2  }
0x8d: {  	s2 =	sadd.s32 s2, s17  }
0x8e: {  	[smem:$0x3FC5] =	sst s2  }
0x8f: {  	_ = 	snop  }
0x90: {  	s2 =	sld [smem:$0x3FC9]  }
0x91: {  	s18 =	sld [smem:$0x3FC7];
	(tm) =	ssettm $0x1  }
0x92: {  	s4 =	sld [smem:$0x3FFB];
	_ =	sdelay $0x3  }
0x93: {  	_ =	strace s4  }
0x94: {  	s4 =	sld [smem:$0x3FFC];
	_ =	sdelay $0x3  }
0x95: {  	_ =	strace s4  }
0x96: {  	s4 =	sld [smem:$0x3FFD];
	_ =	sdelay $0x3  }
0x97: {  	_ =	strace s4  }
0x98: {  	_ =	strace $0x8FFFFFFF  }
0x99: {  	s19 =	sld [smem:$0x3FDB];
	_ =	sdelay $0x1  }
0x9a: {  	s5 =	simm.s32 $_scs_section_size  }
0x9b: {  	s6 =	simm.s32 $_size__tile_overlayer_lowered;
	s7 =	simm.s32 $_tile_overlayer_lowered  }
0x9c: {  	s22 =	simm.s32 $0x1BFF;
	s21 =	sshll.u32 s7, $0x1;
	s4 =	sadd.s32 s5, s19  }
0x9d: {  	s8 =	simm.s32 $0x0;
	s20 =	sshll.u32 s6, $0x1;
	s6 =	sadd.s32 s21, s4  }
0x9e: {  	[timem:s8], [sflag:s22] =	dma.local [hbm:s6], s20  }
0x9f: {  	_ =	swait.ge [sflag:s22], s20  }
0xa0: {  	s5 =	ssub.s32 $0x0, s20;
	[sflag:s22] =	ssyncset.done $0x0  }
0xa1: {  	[sflag:s22] =	ssyncadd.s32 s5;
	_ =	sdelay $0x1  }
0xa2: {  	s23 =	simm.s32 $0x1B8B  }
0xa3: {  	_ =	swait.ge [sflag:s23], $0x1  }
0xa4: {  	[sflag:s23] =	ssyncset.done $0x0  }
0xa5: {  	s25 =	simm.s32 $0x1B8E;
	s24 =	sld [smem:$0x3FFE];
	[sflag:s23] =	ssyncadd.s32 $0xFFFFFFFF  }
0xa6: {  	s26 =	simm.s32 $execute0_lowered;
	[smem:$0x3FD2] =	sst s25  }
0xa7: {  	s6 =	sshll.u32 s26, $0x1;
	_ =	strace $0x80000046;
	[dreg:$0x1] =	wrdreg $0xFFFFFFFF  }
0xa8: {  	s28 =	simm.s32 $_size_execute0_lowered;
	s4 =	sadd.s32 s4, s6;
	[dreg:$0x0] =	wrdreg $0x0  }
0xa9: {  	s6 =	sshll.u32 s28, $0x1;
	[dreg:$0x2] =	wrdreg s4  }
0xaa: {  	[dreg:$0x3] =	wrdreg s6  }
0xab: {  	[dreg:$0x4] =	wrdreg $0xC0  }
0xac: {  	_ =	task [dreg:s8], $0x5FFFF  }
0xad: {  	[dreg:$0x1] =	wrdreg $0xFFFFFFFF  }
0xae: {  	[dreg:$0x0] =	wrdreg $0x60  }
0xaf: {  	[dreg:$0x2] =	wrdreg s2  }
0xb0: {  	[dreg:$0x3] =	wrdreg s24  }
0xb1: {  	[dreg:$0x4] =	wrdreg s18  }
0xb2: {  	[dreg:$0x5] =	wrdreg $0x9  }
0xb3: {  	_ =	task.clear_ibuf [dreg:s8], $0x6FFFF;
	_ =	strace $0x90000046  }
0xb4: {  	s29 =	simm.s32 $0x9;
	_ =	strace $0x80000048  }
0xb5: {  	_ =	swait.ge [sflag:s29], $0x1  }
0xb6: {  	[sflag:s29] =	ssyncadd.s32 $0xFFFFFFFF  }
0xb7: {  	_ =	strace $0x90000048  }
0xb8: {  	_ =	sfence  }
0xb9: {  	s30 =	sld [smem:$0x0];
	_ =	sdelay $0x2  }
0xba: {  	s31 =	sshll.u32 s1, $0xD;
	s1 =	sshrl.u32 s1, $0x2  }
0xbb: {  	s3 =	sand.u32 $0x4000, s31;
	s1 =	sadd.s32 s1, s30  }
0xbc: {  	s0 =	sor.u32 s3, s0;
	s1 =	sshll.u32 s1, $0x11  }
0xbd: {  	s0 =	sor.u32 s1, s0  }
0xbe: {  	s0 =	sadd.s32 $0x8F2B, s0  }
0xbf: {  	[sflag:s0] =	ssyncadd.remote.s32 $0x1  }
0xc0: {  	_ =	sfence.sel $0xFFFF  }
0xc1: {  	[dreg:$0x0] =	wrdreg $0xFFFFFFFF;
	(pc) =	sbr.abs _section_cstart, $3  }
0xc2: {  	[dreg:$0x1] =	wrdreg $0xFFFFFFFF  }
0xc3: {  	_ =	task.clear_ibuf [dreg:s8], $0x2FFFF;
	_ =	strace $0x9FFFFFFF  }
0xc4: {  	(tm) =	ssettm $0x7FFFFFFF  }
0xc5: {  	_ =	shalt  }
tec
execute0_lowered:
.L_overlay_start_1:
0x0: {  	(tag) =	ssettag $0x1  }
0x1: {  	s0 =	rddreg [dreg:$0x0]  }
0x2: {  	s2 =	rddreg [dreg:$0x1]  }
0x3: {  	s1 =	rddreg [dreg:$0x2];
	s3 =	simm.s32 $0x0  }
0x4: {  	s4 =	srdreg.scid;
	s6 =	stileid.u32;
	s10 =	simm.s32 $0x80  }
0x5: {  	s28 =	simm.s32 $0x1;
	s29 =	simm.s32 $0x2;
	s30 =	simm.s32 $0x10680  }
0x6: {  	s31 =	simm.s32 $0x3;
	s11 =	simm.s32 $0x12680;
	s12 =	simm.s32 $0x5  }
0x7: {  	s13 =	simm.s32 $0x13680;
	s17 =	simm.s32 $0x9;
	s18 =	simm.s32 $0x0  }
0x8: {  	[smem:$0x7FF] =	sst s3;
	s5 =	sand.u32 $0x1, s4;
	s6 =	sshll.u32 s6, $0xA  }
0x9: {  	s4 =	sadd.s32 $0x400, s2;
	s7 =	sshll.u32 s5, $0x9;
	s5 =	ssub.s32 $0x2, s5  }
0xa: {  	_ =	strace $0x80000047;
	s6 =	sor.u32 s7, s6;
	s8 =	sshrl.u32 s5, $0x1  }
0xb: {  	s7 =	sshll.u32 s6, $0x4;
	s6 =	sshrl.u32 s6, $0x3;
	s5 =	ssub.s32 s5, s8  }
0xc: {  	v2 =	vlaneseq.u32;
	s7 =	sadd.s32 s7, s2;
	s0 =	sadd.s32 s0, s6;
	s6 =	sadd.s32 $0x500, s2  }
0xd: {  	vm0 =	vmmov $0xffff;
	v3 =	vimm.s32 $0x0;
	v1 =	vshrl.u32 v2, $0x3;
	s26 =	smax.u32 s5, $0x1;
	s2 =	simm.s32 $0x4;
	[dreg:$0x4] =	wrdreg s0  }
0xe: {  	v0 =	vand.u32 $0x7, v2;
	v2 =	vor.u32 $0x8, v2;
	v1 =	vmul.u32 $0x8, v1;
	s7 =	sadd.s32 $0x61AC00, s7;
	[dreg:$0x5] =	wrdreg s26;
	s0 =	simm.s32 $0x11680  }
.LBB2_1:
0xf: {  	s5 =	rddreg [dreg:$0x4];
	s9 =	simm.s32 $0xA  }
0x10: {  	[tilespmem:s3], [sflag:$0xA] =	stream.linear.gather [hbm4b:s5+s3], $0x200, $0x38;
	[tilespmem:$0x14680] =	vst v63  }
0x11: {  	_ =	swait.ge [sflag:s9], $0x200  }
0x12: {  	[sflag:s9] =	ssyncset.done $0x0  }
0x13: {  	s14 =	simm.s32 $0x200;
	[sflag:s9] =	ssyncadd.s32 $0xFFFFFE00  }
0x14: {  	[tilespmem:s14], [sflag:$0x1] =	stream.indirect.gather [hbm4b:s1+s10], $0x1, s3, s10, $0xb8;
	[tilespmem:$0x14680] =	vst v63  }
0x15: {  	s15 =	simm.s32 $0x280  }
0x16: {  	[tilespmem:s15], [sflag:$0x1] =	stream.indirect.gather [hbm4b:s1+s10], $0x1, s10, s10, $0xb8;
	[tilespmem:$0x14680] =	vst v63  }
0x17: {  	s16 =	simm.s32 $0x100;
	s8 =	simm.s32 $0x300  }
0x18: {  	[tilespmem:s8], [sflag:$0x1] =	stream.indirect.gather [hbm4b:s1+s10], $0x1, s16, s10, $0xb8;
	[tilespmem:$0x14680] =	vst v63  }
0x19: {  	s19 =	simm.s32 $0x180;
	s20 =	simm.s32 $0x380  }
0x1a: {  	[tilespmem:s20], [sflag:$0x1] =	stream.indirect.gather [hbm4b:s1+s10], $0x1, s19, s10, $0xb8;
	[tilespmem:$0x14680] =	vst v63  }
0x1b: {  	v4 =	vld [tilespmem:$0x0];
	_ =	sdelay $0x4  }
0x1c: {  	v5 =	vshll.u32 v4, $0x2  }
0x1d: {  	v4 =	vand.u32 $0x7, v4;
	v5 =	vand.u32 $0xFFFFFFE0, v5  }
0x1e: {  	v4 =	vor.u32 v4, v5  }
0x1f: {  	v5 =	vperm.xlane v4, v0;
	_ =	sdelay $0x1  }
0x20: {  	v5 =	vadd.s32 v1, v5;
	_ =	sdelay $0x1  }
0x21: {  	v4 =	vperm.xlane v4, v2;
	_ =	sdelay $0x1  }
0x22: {  	s21 =	simm.s32 $0x680;
	v4 =	vadd.s32 v1, v4  }
0x23: {  	[tilespmem:s21], [sflag:$0x2] =	stream.indirect_vreg.gather [hbm4b:s4+s3], $0x80, v5, vm0, $0xb8;
	[tilespmem:$0x14680] =	vst v63  }
0x24: {  	s22 =	simm.s32 $0xE80  }
0x25: {  	[tilespmem:s22], [sflag:$0x2] =	stream.indirect_vreg.gather [hbm4b:s6+s3], $0x80, v5, vm0, $0xb8;
	[tilespmem:$0x14680] =	vst v63  }
0x26: {  	s23 =	simm.s32 $0x1680  }
0x27: {  	[tilespmem:s23], [sflag:$0x2] =	stream.indirect_vreg.gather [hbm4b:s4+s3], $0x80, v4, vm0, $0xb8;
	[tilespmem:$0x14680] =	vst v63  }
0x28: {  	s24 =	simm.s32 $0x1E80  }
0x29: {  	[tilespmem:s24], [sflag:$0x2] =	stream.indirect_vreg.gather [hbm4b:s6+s3], $0x80, v4, vm0, $0xb8;
	[tilespmem:$0x14680] =	vst v63  }
0x2a: {  	v4 =	vld [tilespmem:$0x10];
	_ =	sdelay $0x4  }
0x2b: {  	v5 =	vshll.u32 v4, $0x2  }
0x2c: {  	v4 =	vand.u32 $0x7, v4;
	v5 =	vand.u32 $0xFFFFFFE0, v5  }
0x2d: {  	v4 =	vor.u32 v4, v5  }
0x2e: {  	v5 =	vperm.xlane v4, v0;
	_ =	sdelay $0x1  }
0x2f: {  	v5 =	vadd.s32 v1, v5;
	_ =	sdelay $0x1  }
0x30: {  	v4 =	vperm.xlane v4, v2;
	_ =	sdelay $0x1  }
0x31: {  	s25 =	simm.s32 $0x2680;
	v4 =	vadd.s32 v1, v4  }
0x32: {  	[tilespmem:s25], [sflag:$0x2] =	stream.indirect_vreg.gather [hbm4b:s4+s3], $0x80, v5, vm0, $0xb8;
	[tilespmem:$0x14680] =	vst v63  }
0x33: {  	s26 =	simm.s32 $0x2E80  }
0x34: {  	[tilespmem:s26], [sflag:$0x2] =	stream.indirect_vreg.gather [hbm4b:s6+s3], $0x80, v5, vm0, $0xb8;
	[tilespmem:$0x14680] =	vst v63  }
0x35: {  	s8 =	simm.s32 $0x3680  }
0x36: {  	[tilespmem:s8], [sflag:$0x2] =	stream.indirect_vreg.gather [hbm4b:s4+s3], $0x80, v4, vm0, $0xb8;
	[tilespmem:$0x14680] =	vst v63  }
0x37: {  	s9 =	simm.s32 $0x3E80  }
0x38: {  	[tilespmem:s9], [sflag:$0x2] =	stream.indirect_vreg.gather [hbm4b:s6+s3], $0x80, v4, vm0, $0xb8;
	[tilespmem:$0x14680] =	vst v63  }
0x39: {  	v4 =	vld [tilespmem:$0x20];
	_ =	sdelay $0x4  }
0x3a: {  	v5 =	vshll.u32 v4, $0x2  }
0x3b: {  	v4 =	vand.u32 $0x7, v4;
	v5 =	vand.u32 $0xFFFFFFE0, v5  }
0x3c: {  	v4 =	vor.u32 v4, v5  }
0x3d: {  	v5 =	vperm.xlane v4, v0;
	_ =	sdelay $0x1  }
0x3e: {  	v5 =	vadd.s32 v1, v5;
	_ =	sdelay $0x1  }
0x3f: {  	v4 =	vperm.xlane v4, v2;
	_ =	sdelay $0x1  }
0x40: {  	s14 =	simm.s32 $0x4680;
	v4 =	vadd.s32 v1, v4  }
0x41: {  	[tilespmem:s14], [sflag:$0x3] =	stream.indirect_vreg.gather [hbm4b:s4+s3], $0x80, v5, vm0, $0xb8;
	[tilespmem:$0x14680] =	vst v63  }
0x42: {  	s15 =	simm.s32 $0x4E80  }
0x43: {  	[tilespmem:s15], [sflag:$0x3] =	stream.indirect_vreg.gather [hbm4b:s6+s3], $0x80, v5, vm0, $0xb8;
	[tilespmem:$0x14680] =	vst v63  }
0x44: {  	s16 =	simm.s32 $0x5680  }
0x45: {  	[tilespmem:s16], [sflag:$0x3] =	stream.indirect_vreg.gather [hbm4b:s4+s3], $0x80, v4, vm0, $0xb8;
	[tilespmem:$0x14680] =	vst v63  }
0x46: {  	s19 =	simm.s32 $0x5E80  }
0x47: {  	[tilespmem:s19], [sflag:$0x3] =	stream.indirect_vreg.gather [hbm4b:s6+s3], $0x80, v4, vm0, $0xb8;
	[tilespmem:$0x14680] =	vst v63  }
0x48: {  	v4 =	vld [tilespmem:$0x30];
	_ =	sdelay $0x4  }
0x49: {  	v5 =	vshll.u32 v4, $0x2  }
0x4a: {  	v4 =	vand.u32 $0x7, v4;
	v5 =	vand.u32 $0xFFFFFFE0, v5  }
0x4b: {  	v4 =	vor.u32 v4, v5  }
0x4c: {  	v5 =	vperm.xlane v4, v0;
	_ =	sdelay $0x1  }
0x4d: {  	v5 =	vadd.s32 v1, v5;
	_ =	sdelay $0x1  }
0x4e: {  	v4 =	vperm.xlane v4, v2;
	_ =	sdelay $0x1  }
0x4f: {  	s20 =	simm.s32 $0x6680;
	v4 =	vadd.s32 v1, v4  }
0x50: {  	[tilespmem:s20], [sflag:$0x3] =	stream.indirect_vreg.gather [hbm4b:s4+s3], $0x80, v5, vm0, $0xb8;
	[tilespmem:$0x14680] =	vst v63  }
0x51: {  	s21 =	simm.s32 $0x6E80  }
0x52: {  	[tilespmem:s21], [sflag:$0x3] =	stream.indirect_vreg.gather [hbm4b:s6+s3], $0x80, v5, vm0, $0xb8;
	[tilespmem:$0x14680] =	vst v63  }
0x53: {  	s22 =	simm.s32 $0x7680  }
0x54: {  	[tilespmem:s22], [sflag:$0x3] =	stream.indirect_vreg.gather [hbm4b:s4+s3], $0x80, v4, vm0, $0xb8;
	[tilespmem:$0x14680] =	vst v63  }
0x55: {  	s23 =	simm.s32 $0x7E80  }
0x56: {  	[tilespmem:s23], [sflag:$0x3] =	stream.indirect_vreg.gather [hbm4b:s6+s3], $0x80, v4, vm0, $0xb8;
	[tilespmem:$0x14680] =	vst v63  }
0x57: {  	v4 =	vld [tilespmem:$0x40];
	_ =	sdelay $0x4  }
0x58: {  	v5 =	vshll.u32 v4, $0x2  }
0x59: {  	v4 =	vand.u32 $0x7, v4;
	v5 =	vand.u32 $0xFFFFFFE0, v5  }
0x5a: {  	v4 =	vor.u32 v4, v5  }
0x5b: {  	v5 =	vperm.xlane v4, v0;
	_ =	sdelay $0x1  }
0x5c: {  	v5 =	vadd.s32 v1, v5;
	_ =	sdelay $0x1  }
0x5d: {  	v4 =	vperm.xlane v4, v2;
	_ =	sdelay $0x1  }
0x5e: {  	s24 =	simm.s32 $0x8680;
	v4 =	vadd.s32 v1, v4  }
0x5f: {  	[tilespmem:s24], [sflag:$0x4] =	stream.indirect_vreg.gather [hbm4b:s4+s3], $0x80, v5, vm0, $0xb8;
	[tilespmem:$0x14680] =	vst v63  }
0x60: {  	s25 =	simm.s32 $0x8E80  }
0x61: {  	[tilespmem:s25], [sflag:$0x4] =	stream.indirect_vreg.gather [hbm4b:s6+s3], $0x80, v5, vm0, $0xb8;
	[tilespmem:$0x14680] =	vst v63  }
0x62: {  	s26 =	simm.s32 $0x9680  }
0x63: {  	[tilespmem:s26], [sflag:$0x4] =	stream.indirect_vreg.gather [hbm4b:s4+s3], $0x80, v4, vm0, $0xb8;
	[tilespmem:$0x14680] =	vst v63  }
0x64: {  	s8 =	simm.s32 $0x9E80  }
0x65: {  	[tilespmem:s8], [sflag:$0x4] =	stream.indirect_vreg.gather [hbm4b:s6+s3], $0x80, v4, vm0, $0xb8;
	[tilespmem:$0x14680] =	vst v63  }
0x66: {  	v4 =	vld [tilespmem:$0x50];
	_ =	sdelay $0x4  }
0x67: {  	v5 =	vshll.u32 v4, $0x2  }
0x68: {  	v4 =	vand.u32 $0x7, v4;
	v5 =	vand.u32 $0xFFFFFFE0, v5  }
0x69: {  	v4 =	vor.u32 v4, v5  }
0x6a: {  	v5 =	vperm.xlane v4, v0;
	_ =	sdelay $0x1  }
0x6b: {  	v5 =	vadd.s32 v1, v5;
	_ =	sdelay $0x1  }
0x6c: {  	v4 =	vperm.xlane v4, v2;
	_ =	sdelay $0x1  }
0x6d: {  	s9 =	simm.s32 $0xA680;
	v4 =	vadd.s32 v1, v4  }
0x6e: {  	[tilespmem:s9], [sflag:$0x4] =	stream.indirect_vreg.gather [hbm4b:s4+s3], $0x80, v5, vm0, $0xb8;
	[tilespmem:$0x14680] =	vst v63  }
0x6f: {  	s14 =	simm.s32 $0xAE80  }
0x70: {  	[tilespmem:s14], [sflag:$0x4] =	stream.indirect_vreg.gather [hbm4b:s6+s3], $0x80, v5, vm0, $0xb8;
	[tilespmem:$0x14680] =	vst v63  }
0x71: {  	s15 =	simm.s32 $0xB680  }
0x72: {  	[tilespmem:s15], [sflag:$0x4] =	stream.indirect_vreg.gather [hbm4b:s4+s3], $0x80, v4, vm0, $0xb8;
	[tilespmem:$0x14680] =	vst v63  }
0x73: {  	s16 =	simm.s32 $0xBE80  }
0x74: {  	[tilespmem:s16], [sflag:$0x4] =	stream.indirect_vreg.gather [hbm4b:s6+s3], $0x80, v4, vm0, $0xb8;
	[tilespmem:$0x14680] =	vst v63  }
0x75: {  	v4 =	vld [tilespmem:$0x60];
	_ =	sdelay $0x4  }
0x76: {  	v5 =	vshll.u32 v4, $0x2  }
0x77: {  	v4 =	vand.u32 $0x7, v4;
	v5 =	vand.u32 $0xFFFFFFE0, v5  }
0x78: {  	v4 =	vor.u32 v4, v5  }
0x79: {  	v5 =	vperm.xlane v4, v0;
	_ =	sdelay $0x1  }
0x7a: {  	v5 =	vadd.s32 v1, v5;
	_ =	sdelay $0x1  }
0x7b: {  	v4 =	vperm.xlane v4, v2;
	_ =	sdelay $0x1  }
0x7c: {  	s19 =	simm.s32 $0xC680;
	v4 =	vadd.s32 v1, v4  }
0x7d: {  	[tilespmem:s19], [sflag:$0x5] =	stream.indirect_vreg.gather [hbm4b:s4+s3], $0x80, v5, vm0, $0xb8;
	[tilespmem:$0x14680] =	vst v63  }
0x7e: {  	s20 =	simm.s32 $0xCE80  }
0x7f: {  	[tilespmem:s20], [sflag:$0x5] =	stream.indirect_vreg.gather [hbm4b:s6+s3], $0x80, v5, vm0, $0xb8;
	[tilespmem:$0x14680] =	vst v63  }
0x80: {  	s21 =	simm.s32 $0xD680  }
0x81: {  	[tilespmem:s21], [sflag:$0x5] =	stream.indirect_vreg.gather [hbm4b:s4+s3], $0x80, v4, vm0, $0xb8;
	[tilespmem:$0x14680] =	vst v63  }
0x82: {  	s22 =	simm.s32 $0xDE80  }
0x83: {  	[tilespmem:s22], [sflag:$0x5] =	stream.indirect_vreg.gather [hbm4b:s6+s3], $0x80, v4, vm0, $0xb8;
	[tilespmem:$0x14680] =	vst v63  }
0x84: {  	v4 =	vld [tilespmem:$0x70];
	_ =	sdelay $0x4  }
0x85: {  	v5 =	vshll.u32 v4, $0x2  }
0x86: {  	v4 =	vand.u32 $0x7, v4;
	v5 =	vand.u32 $0xFFFFFFE0, v5  }
0x87: {  	v4 =	vor.u32 v4, v5  }
0x88: {  	v5 =	vperm.xlane v4, v0;
	_ =	sdelay $0x1  }
0x89: {  	v5 =	vadd.s32 v1, v5;
	_ =	sdelay $0x1  }
0x8a: {  	v4 =	vperm.xlane v4, v2;
	_ =	sdelay $0x1  }
0x8b: {  	s23 =	simm.s32 $0xE680;
	v4 =	vadd.s32 v1, v4  }
0x8c: {  	[tilespmem:s23], [sflag:$0x5] =	stream.indirect_vreg.gather [hbm4b:s4+s3], $0x80, v5, vm0, $0xb8;
	[tilespmem:$0x14680] =	vst v63  }
0x8d: {  	s24 =	simm.s32 $0xEE80  }
0x8e: {  	[tilespmem:s24], [sflag:$0x5] =	stream.indirect_vreg.gather [hbm4b:s6+s3], $0x80, v5, vm0, $0xb8;
	[tilespmem:$0x14680] =	vst v63  }
0x8f: {  	s25 =	simm.s32 $0xF680  }
0x90: {  	[tilespmem:s25], [sflag:$0x5] =	stream.indirect_vreg.gather [hbm4b:s4+s3], $0x80, v4, vm0, $0xb8;
	[tilespmem:$0x14680] =	vst v63  }
0x91: {  	s26 =	simm.s32 $0xFE80  }
0x92: {  	[tilespmem:s26], [sflag:$0x5] =	stream.indirect_vreg.gather [hbm4b:s6+s3], $0x80, v4, vm0, $0xb8;
	[tilespmem:$0x14680] =	vst v63  }
0x93: {  	_ =	swait.ge [sflag:s28], $0x80  }
0x94: {  	[sflag:s28] =	ssyncset.done $0x0  }
0x95: {  	[sflag:s28] =	ssyncadd.s32 $0xFFFFFF80  }
0x96: {  	_ =	swait.ge [sflag:s28], $0x80  }
0x97: {  	[sflag:s28] =	ssyncset.done $0x0  }
0x98: {  	[sflag:s28] =	ssyncadd.s32 $0xFFFFFF80  }
0x99: {  	_ =	swait.ge [sflag:s28], $0x80  }
0x9a: {  	[sflag:s28] =	ssyncset.done $0x0  }
0x9b: {  	[sflag:s28] =	ssyncadd.s32 $0xFFFFFF80  }
0x9c: {  	_ =	swait.ge [sflag:s28], $0x80  }
0x9d: {  	[sflag:s28] =	ssyncset.done $0x0  }
0x9e: {  	[sflag:s28] =	ssyncadd.s32 $0xFFFFFF80  }
0x9f: {  	v4 =	vld [tilespmem:$0x200]  }
0xa0: {  	v5 =	vld [tilespmem:$0x210]  }
0xa1: {  	v6 =	vld [tilespmem:$0x220]  }
0xa2: {  	v7 =	vld [tilespmem:$0x230]  }
0xa3: {  	v8 =	vld [tilespmem:$0x240]  }
0xa4: {  	v9 =	vld [tilespmem:$0x250];
	v4 =	vcvt.s32.f32 v4  }
0xa5: {  	v10 =	vld [tilespmem:$0x260];
	v5 =	vcvt.s32.f32 v5  }
0xa6: {  	v11 =	vld [tilespmem:$0x270];
	v6 =	vcvt.s32.f32 v6;
	v4 =	vadd.f32 $9.999999740e-06, v4  }
0xa7: {  	v12 =	vld [tilespmem:$0x280];
	v7 =	vcvt.s32.f32 v7;
	v5 =	vadd.f32 $9.999999740e-06, v5  }
0xa8: {  	v41 =	vld [tilespmem:$0x290];
	v40 =	vcvt.s32.f32 v8;
	(erf) = vrcp.f32 v4;
	v4 =	vadd.f32 $9.999999740e-06, v6  }
0xa9: {  	v43 =	vld [tilespmem:$0x2A0];
	v42 =	vcvt.s32.f32 v9;
	(erf) = vrcp.f32 v5;
	v5 =	vadd.f32 $9.999999740e-06, v7  }
0xaa: {  	v45 =	vld [tilespmem:$0x2B0];
	v44 =	vcvt.s32.f32 v10;
	(erf) = vrcp.f32 v4;
	v4 =	vadd.f32 $9.999999740e-06, v40  }
0xab: {  	v47 =	vld [tilespmem:$0x2C0];
	v46 =	vcvt.s32.f32 v11;
	(erf) = vrcp.f32 v5;
	v5 =	vadd.f32 $9.999999740e-06, v42  }
0xac: {  	v49 =	vld [tilespmem:$0x2D0];
	v48 =	vcvt.s32.f32 v12;
	(erf) = vrcp.f32 v4;
	v4 =	vadd.f32 $9.999999740e-06, v44  }
0xad: {  	v51 =	vld [tilespmem:$0x2E0];
	v50 =	vcvt.s32.f32 v41;
	(erf) = vrcp.f32 v5;
	v5 =	vadd.f32 $9.999999740e-06, v46  }
0xae: {  	v53 =	vld [tilespmem:$0x2F0];
	v52 =	vcvt.s32.f32 v43;
	(erf) = vrcp.f32 v4;
	v4 =	vadd.f32 $9.999999740e-06, v48  }
0xaf: {  	v55 =	vld [tilespmem:$0x300];
	v54 =	vcvt.s32.f32 v45;
	(erf) = vrcp.f32 v5;
	v5 =	vadd.f32 $9.999999740e-06, v50  }
0xb0: {  	v57 =	vld [tilespmem:$0x310];
	v56 =	vcvt.s32.f32 v47;
	(erf) = vrcp.f32 v4;
	v4 =	vadd.f32 $9.999999740e-06, v52  }
0xb1: {  	v59 =	vld [tilespmem:$0x320];
	v58 =	vcvt.s32.f32 v49;
	v13 =	vpop (erf);
	(erf) = vrcp.f32 v5;
	v5 =	vadd.f32 $9.999999740e-06, v54  }
0xb2: {  	v62 =	vld [tilespmem:$0x330];
	v61 =	vcvt.s32.f32 v51;
	v60 =	vpop (erf);
	(erf) = vrcp.f32 v4;
	v4 =	vadd.f32 $9.999999740e-06, v56  }
0xb3: {  	v17 =	vld [tilespmem:$0x340];
	v16 =	vcvt.s32.f32 v53;
	[tilespmem:$0x400] =	vst v13;
	v63 =	vpop (erf);
	(erf) = vrcp.f32 v5;
	v5 =	vadd.f32 $9.999999740e-06, v58  }
0xb4: {  	v20 =	vld [tilespmem:$0x350];
	v19 =	vcvt.s32.f32 v55;
	[tilespmem:$0x410] =	vst v60;
	v18 =	vpop (erf);
	(erf) = vrcp.f32 v4;
	v4 =	vadd.f32 $9.999999740e-06, v61  }
0xb5: {  	v23 =	vld [tilespmem:$0x360];
	v22 =	vcvt.s32.f32 v57;
	[tilespmem:$0x420] =	vst v63;
	v21 =	vpop (erf);
	(erf) = vrcp.f32 v5;
	v5 =	vadd.f32 $9.999999740e-06, v16  }
0xb6: {  	v26 =	vld [tilespmem:$0x370];
	v25 =	vcvt.s32.f32 v59;
	[tilespmem:$0x430] =	vst v18;
	v24 =	vpop (erf);
	(erf) = vrcp.f32 v4;
	v4 =	vadd.f32 $9.999999740e-06, v19  }
0xb7: {  	v29 =	vld [tilespmem:$0x380];
	v28 =	vcvt.s32.f32 v62;
	[tilespmem:$0x440] =	vst v21;
	v27 =	vpop (erf);
	(erf) = vrcp.f32 v5;
	v5 =	vadd.f32 $9.999999740e-06, v22  }
0xb8: {  	v32 =	vld [tilespmem:$0x390];
	v31 =	vcvt.s32.f32 v17;
	[tilespmem:$0x450] =	vst v24;
	v30 =	vpop (erf);
	(erf) = vrcp.f32 v4;
	v4 =	vadd.f32 $9.999999740e-06, v25  }
0xb9: {  	v35 =	vld [tilespmem:$0x3A0];
	v34 =	vcvt.s32.f32 v20;
	[tilespmem:$0x460] =	vst v27;
	v33 =	vpop (erf);
	(erf) = vrcp.f32 v5;
	v5 =	vadd.f32 $9.999999740e-06, v28  }
0xba: {  	v38 =	vld [tilespmem:$0x3B0];
	v37 =	vcvt.s32.f32 v23;
	[tilespmem:$0x470] =	vst v30;
	v36 =	vpop (erf);
	(erf) = vrcp.f32 v4;
	v4 =	vadd.f32 $9.999999740e-06, v31  }
0xbb: {  	v41 =	vld [tilespmem:$0x3C0];
	v40 =	vcvt.s32.f32 v26;
	[tilespmem:$0x480] =	vst v33;
	v39 =	vpop (erf);
	(erf) = vrcp.f32 v5;
	v5 =	vadd.f32 $9.999999740e-06, v34  }
0xbc: {  	v43 =	vcvt.s32.f32 v29;
	v44 =	vld [tilespmem:$0x3D0];
	[tilespmem:$0x490] =	vst v36;
	v42 =	vpop (erf);
	(erf) = vrcp.f32 v4;
	v4 =	vadd.f32 $9.999999740e-06, v37  }
0xbd: {  	v47 =	vld [tilespmem:$0x3E0];
	v46 =	vcvt.s32.f32 v32;
	[tilespmem:$0x4A0] =	vst v39;
	v45 =	vpop (erf);
	(erf) = vrcp.f32 v5;
	v5 =	vadd.f32 $9.999999740e-06, v40  }
0xbe: {  	v49 =	vcvt.s32.f32 v35;
	v50 =	vld [tilespmem:$0x3F0];
	[tilespmem:$0x4B0] =	vst v42;
	v48 =	vpop (erf);
	(erf) = vrcp.f32 v4;
	v4 =	vadd.f32 $9.999999740e-06, v43  }
0xbf: {  	v52 =	vcvt.s32.f32 v38;
	[tilespmem:$0x4C0] =	vst v45;
	v51 =	vpop (erf);
	(erf) = vrcp.f32 v5;
	v5 =	vadd.f32 $9.999999740e-06, v46  }
0xc0: {  	v54 =	vcvt.s32.f32 v41;
	[tilespmem:$0x4D0] =	vst v48;
	v53 =	vpop (erf);
	(erf) = vrcp.f32 v4;
	v4 =	vadd.f32 $9.999999740e-06, v49  }
0xc1: {  	v56 =	vcvt.s32.f32 v44;
	[tilespmem:$0x4E0] =	vst v51;
	v55 =	vpop (erf);
	(erf) = vrcp.f32 v5;
	v5 =	vadd.f32 $9.999999740e-06, v52  }
0xc2: {  	v58 =	vcvt.s32.f32 v47;
	[tilespmem:$0x4F0] =	vst v53;
	v57 =	vpop (erf);
	(erf) = vrcp.f32 v4;
	v4 =	vadd.f32 $9.999999740e-06, v54  }
0xc3: {  	v60 =	vcvt.s32.f32 v50;
	[tilespmem:$0x500] =	vst v55;
	v59 =	vpop (erf);
	(erf) = vrcp.f32 v5;
	v5 =	vadd.f32 $9.999999740e-06, v56  }
0xc4: {  	[tilespmem:$0x510] =	vst v57;
	v61 =	vpop (erf);
	(erf) = vrcp.f32 v4;
	v4 =	vadd.f32 $9.999999740e-06, v58  }
0xc5: {  	[tilespmem:$0x520] =	vst v59;
	v62 =	vpop (erf);
	(erf) = vrcp.f32 v5;
	v5 =	vadd.f32 $9.999999740e-06, v60  }
0xc6: {  	[tilespmem:$0x530] =	vst v61  }
0xc7: {  	[tilespmem:$0x540] =	vst v62;
	v63 =	vpop (erf);
	(erf) = vrcp.f32 v4  }
0xc8: {  	[tilespmem:$0x550] =	vst v63;
	v4 =	vpop (erf);
	(erf) = vrcp.f32 v5  }
0xc9: {  	v5 =	vpop (erf);
	[tilespmem:$0x560] =	vst v4  }
0xca: {  	v4 =	vpop (erf);
	[tilespmem:$0x570] =	vst v5  }
0xcb: {  	v5 =	vpop (erf);
	[tilespmem:$0x580] =	vst v4  }
0xcc: {  	v4 =	vpop (erf);
	[tilespmem:$0x590] =	vst v5  }
0xcd: {  	v5 =	vpop (erf);
	[tilespmem:$0x5A0] =	vst v4  }
0xce: {  	v4 =	vpop (erf);
	[tilespmem:$0x5B0] =	vst v5  }
0xcf: {  	v5 =	vpop (erf);
	[tilespmem:$0x5C0] =	vst v4  }
0xd0: {  	v4 =	vpop (erf);
	[tilespmem:$0x5D0] =	vst v5  }
0xd1: {  	s14 =	simm.s32 $0x420;
	s19 =	simm.s32 $0x400;
	[tilespmem:$0x5E0] =	vst v4;
	v4 =	vpop (erf)  }
0xd2: {  	s21 =	simm.s32 $0x440;
	s22 =	simm.s32 $0x460;
	s23 =	simm.s32 $0x0;
	[tilespmem:$0x5F0] =	vst v4  }
.LBB2_2:
0xd3: {  	p1 =	seq.s32 s23, $0x0  }
0xd4: {  	s5 =	simm.s32 @!p1 $0x6  }
0xd5: {  	_ =	swait.ge @!p1 [sflag:s5], $0x1000  }
0xd6: {  	[sflag:s5] =	ssyncset.done @!p1 $0x0  }
0xd7: {  	[sflag:s5] =	ssyncadd.s32 @!p1 $0xFFFFF000  }
0xd8: {  	s24 =	simm.s32 $0x0;
	_ =	swait.ge [sflag:s29], $0x4000  }
0xd9: {  	s26 =	sand.u32 $0x3000, s24;
	s8 =	sand.u32 $0x380, s24;
	[sflag:s29] =	ssyncset.done $0x0  }
0xda: {  	s9 =	sor.u32 s8, s26;
	[sflag:s29] =	ssyncadd.s32 $0xFFFFC000  }
0xdb: {  	v4 =	vld [tilespmem:s9+$0x680]  }
0xdc: {  	v5 =	vld [tilespmem:s9+$0x6C0];
	_ =	sdelay $0x1  }
0xdd: {  	v6 =	vld [tilespmem:s9+$0xA80];
	_ =	sdelay $0x1  }
0xde: {  	v7 =	vld [tilespmem:s9+$0xAC0]  }
0xdf: {  	v4 =	vadd.f32 v5, v4  }
0xe0: {  	v5 =	vld [tilespmem:s9+$0xE80]  }
0xe1: {  	v4 =	vadd.f32 v6, v4  }
0xe2: {  	v6 =	vld [tilespmem:s9+$0xEC0]  }
0xe3: {  	v4 =	vadd.f32 v7, v4  }
0xe4: {  	v7 =	vld [tilespmem:s9+$0x1280]  }
0xe5: {  	v8 =	vld [tilespmem:s19+$0x0];
	v4 =	vadd.f32 v5, v4  }
0xe6: {  	v5 =	vld [tilespmem:s9+$0x12C0]  }
0xe7: {  	v4 =	vadd.f32 v6, v4;
	_ =	sdelay $0x1  }
0xe8: {  	v6 =	vadd.f32 v7, v4;
	_ =	sdelay $0x1  }
0xe9: {  	v4 =	vperm.xlane v8, v3;
	v5 =	vadd.f32 v5, v6;
	_ =	sdelay $0x1  }
0xea: {  	v5 =	vmul.f32 v5, v4  }
0xeb: {  	s5 =	simm.s32 $0x0  }
0xec: {  	[tilespmem:s5+$0x10680] =	vst v5  }
0xed: {  	v5 =	vld [tilespmem:s9+$0x690]  }
0xee: {  	v6 =	vld [tilespmem:s9+$0x6D0];
	_ =	sdelay $0x1  }
0xef: {  	v7 =	vld [tilespmem:s9+$0xA90];
	_ =	sdelay $0x1  }
0xf0: {  	v8 =	vld [tilespmem:s9+$0xAD0]  }
0xf1: {  	v5 =	vadd.f32 v6, v5  }
0xf2: {  	v6 =	vld [tilespmem:s9+$0xE90]  }
0xf3: {  	v5 =	vadd.f32 v7, v5  }
0xf4: {  	v7 =	vld [tilespmem:s9+$0xED0]  }
0xf5: {  	v5 =	vadd.f32 v8, v5  }
0xf6: {  	v8 =	vld [tilespmem:s9+$0x1290]  }
0xf7: {  	v5 =	vadd.f32 v6, v5  }
0xf8: {  	v6 =	vld [tilespmem:s9+$0x12D0]  }
0xf9: {  	v5 =	vadd.f32 v7, v5;
	_ =	sdelay $0x1  }
0xfa: {  	v5 =	vadd.f32 v8, v5;
	_ =	sdelay $0x1  }
0xfb: {  	v5 =	vadd.f32 v6, v5;
	_ =	sdelay $0x1  }
0xfc: {  	v5 =	vmul.f32 v5, v4;
	_ =	sdelay $0x1  }
0xfd: {  	[tilespmem:s5+$0x10690] =	vst v5  }
0xfe: {  	v5 =	vld [tilespmem:s9+$0x6A0]  }
0xff: {  	v6 =	vld [tilespmem:s9+$0x6E0];
	_ =	sdelay $0x1  }
0x100: {  	v7 =	vld [tilespmem:s9+$0xAA0];
	_ =	sdelay $0x1  }
0x101: {  	v8 =	vld [tilespmem:s9+$0xAE0]  }
0x102: {  	v5 =	vadd.f32 v6, v5  }
0x103: {  	v6 =	vld [tilespmem:s9+$0xEA0]  }
0x104: {  	v5 =	vadd.f32 v7, v5  }
0x105: {  	v7 =	vld [tilespmem:s9+$0xEE0]  }
0x106: {  	v5 =	vadd.f32 v8, v5  }
0x107: {  	v8 =	vld [tilespmem:s9+$0x12A0]  }
0x108: {  	v5 =	vadd.f32 v6, v5  }
0x109: {  	v6 =	vld [tilespmem:s9+$0x12E0]  }
0x10a: {  	v5 =	vadd.f32 v7, v5;
	_ =	sdelay $0x1  }
0x10b: {  	v5 =	vadd.f32 v8, v5;
	_ =	sdelay $0x1  }
0x10c: {  	v5 =	vadd.f32 v6, v5;
	_ =	sdelay $0x1  }
0x10d: {  	v5 =	vmul.f32 v5, v4;
	_ =	sdelay $0x1  }
0x10e: {  	[tilespmem:s5+$0x106A0] =	vst v5  }
0x10f: {  	v5 =	vld [tilespmem:s9+$0x6B0]  }
0x110: {  	v6 =	vld [tilespmem:s9+$0x6F0];
	_ =	sdelay $0x1  }
0x111: {  	v7 =	vld [tilespmem:s9+$0xAB0];
	_ =	sdelay $0x1  }
0x112: {  	v8 =	vld [tilespmem:s9+$0xAF0]  }
0x113: {  	v5 =	vadd.f32 v6, v5  }
0x114: {  	v6 =	vld [tilespmem:s9+$0xEB0]  }
0x115: {  	v5 =	vadd.f32 v7, v5  }
0x116: {  	v7 =	vld [tilespmem:s9+$0xEF0]  }
0x117: {  	v5 =	vadd.f32 v8, v5;
	_ =	sdelay $0x1  }
0x118: {  	v8 =	vld [tilespmem:s9+$0x12B0];
	v5 =	vadd.f32 v6, v5;
	_ =	sdelay $0x1  }
0x119: {  	v6 =	vadd.f32 v7, v5;
	v5 =	vld [tilespmem:s9+$0x12F0];
	_ =	sdelay $0x1  }
0x11a: {  	s25 =	sshll.u32 s23, $0x2  }
0x11b: {  	s8 =	sshll.u32 s23, $0x9;
	s26 =	simm.s32 $0x80;
	s9 =	smov.u32 s19;
	v6 =	vadd.f32 v8, v6  }
.LBB2_3:
0x11c: {  	p0 =	sne.s32 s26, $0xF80;
	s9 =	sadd.s32 $0x1, s9;
	s24 =	sadd.s32 $0x200, s24  }
0x11d: {  	s15 =	smov.u32 s26;
	s26 =	sadd.s32 $0x80, s26;
	v5 =	vadd.f32 v5, v6;
	_ =	sdelay $0x1  }
0x11e: {  	s20 =	sand.u32 $0x3000, s24;
	s15 =	sand.u32 $0x380, s15;
	v4 =	vmul.f32 v5, v4  }
0x11f: {  	s20 =	sor.u32 s15, s20  }
0x120: {  	[tilespmem:s5+$0x106B0] =	vst v4  }
0x121: {  	v4 =	vld [tilespmem:s20+$0x680]  }
0x122: {  	v5 =	vld [tilespmem:s20+$0x6C0];
	_ =	sdelay $0x1  }
0x123: {  	v6 =	vld [tilespmem:s20+$0xA80];
	_ =	sdelay $0x1  }
0x124: {  	v7 =	vld [tilespmem:s20+$0xAC0]  }
0x125: {  	v4 =	vadd.f32 v5, v4  }
0x126: {  	v5 =	vld [tilespmem:s20+$0xE80]  }
0x127: {  	v4 =	vadd.f32 v6, v4  }
0x128: {  	v6 =	vld [tilespmem:s20+$0xEC0]  }
0x129: {  	v4 =	vadd.f32 v7, v4  }
0x12a: {  	v7 =	vld [tilespmem:s20+$0x1280]  }
0x12b: {  	v8 =	vld [tilespmem:s9+$0x0];
	v4 =	vadd.f32 v5, v4  }
0x12c: {  	v5 =	vld [tilespmem:s20+$0x12C0]  }
0x12d: {  	v4 =	vadd.f32 v6, v4;
	_ =	sdelay $0x1  }
0x12e: {  	v6 =	vadd.f32 v7, v4;
	_ =	sdelay $0x1  }
0x12f: {  	v4 =	vperm.xlane v8, v3;
	v5 =	vadd.f32 v5, v6;
	_ =	sdelay $0x1  }
0x130: {  	v5 =	vmul.f32 v5, v4  }
0x131: {  	s5 =	sshra.s32 s24, $0x2  }
0x132: {  	[tilespmem:s5+$0x10680] =	vst v5  }
0x133: {  	v5 =	vld [tilespmem:s20+$0x690]  }
0x134: {  	v6 =	vld [tilespmem:s20+$0x6D0];
	_ =	sdelay $0x1  }
0x135: {  	v7 =	vld [tilespmem:s20+$0xA90];
	_ =	sdelay $0x1  }
0x136: {  	v8 =	vld [tilespmem:s20+$0xAD0]  }
0x137: {  	v5 =	vadd.f32 v6, v5  }
0x138: {  	v6 =	vld [tilespmem:s20+$0xE90]  }
0x139: {  	v5 =	vadd.f32 v7, v5  }
0x13a: {  	v7 =	vld [tilespmem:s20+$0xED0]  }
0x13b: {  	v5 =	vadd.f32 v8, v5  }
0x13c: {  	v8 =	vld [tilespmem:s20+$0x1290]  }
0x13d: {  	v5 =	vadd.f32 v6, v5  }
0x13e: {  	v6 =	vld [tilespmem:s20+$0x12D0]  }
0x13f: {  	v5 =	vadd.f32 v7, v5;
	_ =	sdelay $0x1  }
0x140: {  	v5 =	vadd.f32 v8, v5;
	_ =	sdelay $0x1  }
0x141: {  	v5 =	vadd.f32 v6, v5;
	_ =	sdelay $0x1  }
0x142: {  	v5 =	vmul.f32 v5, v4;
	_ =	sdelay $0x1  }
0x143: {  	[tilespmem:s5+$0x10690] =	vst v5  }
0x144: {  	v5 =	vld [tilespmem:s20+$0x6A0]  }
0x145: {  	v6 =	vld [tilespmem:s20+$0x6E0];
	_ =	sdelay $0x1  }
0x146: {  	v7 =	vld [tilespmem:s20+$0xAA0];
	_ =	sdelay $0x1  }
0x147: {  	v8 =	vld [tilespmem:s20+$0xAE0]  }
0x148: {  	v5 =	vadd.f32 v6, v5  }
0x149: {  	v6 =	vld [tilespmem:s20+$0xEA0]  }
0x14a: {  	v5 =	vadd.f32 v7, v5  }
0x14b: {  	v7 =	vld [tilespmem:s20+$0xEE0]  }
0x14c: {  	v5 =	vadd.f32 v8, v5  }
0x14d: {  	v8 =	vld [tilespmem:s20+$0x12A0]  }
0x14e: {  	v5 =	vadd.f32 v6, v5  }
0x14f: {  	v6 =	vld [tilespmem:s20+$0x12E0]  }
0x150: {  	v5 =	vadd.f32 v7, v5;
	_ =	sdelay $0x1  }
0x151: {  	v5 =	vadd.f32 v8, v5;
	_ =	sdelay $0x1  }
0x152: {  	v5 =	vadd.f32 v6, v5;
	_ =	sdelay $0x1  }
0x153: {  	v5 =	vmul.f32 v5, v4;
	_ =	sdelay $0x1  }
0x154: {  	[tilespmem:s5+$0x106A0] =	vst v5  }
0x155: {  	v5 =	vld [tilespmem:s20+$0x6B0]  }
0x156: {  	v6 =	vld [tilespmem:s20+$0x6F0]  }
0x157: {  	v7 =	vld [tilespmem:s20+$0xAB0]  }
0x158: {  	v8 =	vld [tilespmem:s20+$0xAF0]  }
0x159: {  	v9 =	vld [tilespmem:s20+$0xEB0]  }
0x15a: {  	v10 =	vld [tilespmem:s20+$0xEF0]  }
0x15b: {  	v6 =	vadd.f32 v6, v5;
	v11 =	vld [tilespmem:s20+$0x12B0]  }
0x15c: {  	v5 =	vld [tilespmem:s20+$0x12F0]  }
0x15d: {  	v6 =	vadd.f32 v7, v6;
	_ =	sdelay $0x1  }
0x15e: {  	v6 =	vadd.f32 v8, v6;
	_ =	sdelay $0x1  }
.Ltmp0:
0x15f: {  	v6 =	vadd.f32 v9, v6;
	(pc) =	sbr.rel @p0 .LBB2_3-.Ltmp0, $3  }
0x160: {  	_ = 	snop  }
0x161: {  	v6 =	vadd.f32 v10, v6;
	_ =	sdelay $0x1  }
0x162: {  	v6 =	vadd.f32 v11, v6  }
0x163: {  	_ = 	snop  }
0x164: {  	v5 =	vadd.f32 v5, v6;
	_ =	sdelay $0x1  }
0x165: {  	v4 =	vmul.f32 v5, v4  }
0x166: {  	p0 =	seq.s32 s23, $0x3  }
0x167: {  	s24 =	sshrl.u32 @!p0 s8, $0x2;
	[tilespmem:s5+$0x106B0] =	vst v4  }
0x168: {  	v4 =	vld @!p0 [tilespmem:s24+$0x80];
	_ =	sdelay $0x4  }
0x169: {  	v5 =	vshll.u32 @!p0 v4, $0x2  }
0x16a: {  	v6 =	vlaneseq.u32 @!p0;
	v4 =	vand.u32 @!p0 $0x7, v4;
	v5 =	vand.u32 @!p0 $0xFFFFFFE0, v5  }
0x16b: {  	v7 =	vshrl.u32 @!p0 v6, $0x3;
	v4 =	vor.u32 @!p0 v4, v5;
	v5 =	vand.u32 @!p0 $0x7, v6  }
0x16c: {  	v7 =	vmul.u32 @!p0 $0x8, v7;
	v8 =	vperm.xlane @!p0 v4, v5;
	_ =	sdelay $0x1  }
0x16d: {  	v8 =	vadd.s32 @!p0 v7, v8  }
0x16e: {  	v6 =	vor.u32 @!p0 $0x8, v6  }
0x16f: {  	v4 =	vperm.xlane @!p0 v4, v6;
	_ =	sdelay $0x1  }
0x170: {  	vm1 =	vmmov @!p0 $0xffff;
	s8 =	simm.s32 @!p0 $0x680;
	s5 =	simm.s32 @!p0 $0x0;
	v4 =	vadd.s32 @!p0 v7, v4  }
0x171: {  	[tilespmem:s8], [sflag:$0x2] =	stream.indirect_vreg.gather @!p0 [hbm4b:s4+s5], $0x80, v8, vm1, $0xb8;
	[tilespmem:$0x14680] =	vst v63  }
0x172: {  	s8 =	simm.s32 @!p0 $0xE80  }
0x173: {  	[tilespmem:s8], [sflag:$0x2] =	stream.indirect_vreg.gather @!p0 [hbm4b:s6+s5], $0x80, v8, vm1, $0xb8;
	[tilespmem:$0x14680] =	vst v63  }
0x174: {  	s8 =	simm.s32 @!p0 $0x1680  }
0x175: {  	[tilespmem:s8], [sflag:$0x2] =	stream.indirect_vreg.gather @!p0 [hbm4b:s4+s5], $0x80, v4, vm1, $0xb8;
	[tilespmem:$0x14680] =	vst v63  }
0x176: {  	s8 =	simm.s32 @!p0 $0x1E80  }
0x177: {  	[tilespmem:s8], [sflag:$0x2] =	stream.indirect_vreg.gather @!p0 [hbm4b:s6+s5], $0x80, v4, vm1, $0xb8;
	[tilespmem:$0x14680] =	vst v63  }
0x178: {  	v4 =	vld @!p0 [tilespmem:s24+$0x90];
	_ =	sdelay $0x4  }
0x179: {  	v8 =	vshll.u32 @!p0 v4, $0x2  }
0x17a: {  	v4 =	vand.u32 @!p0 $0x7, v4;
	v8 =	vand.u32 @!p0 $0xFFFFFFE0, v8  }
0x17b: {  	v4 =	vor.u32 @!p0 v4, v8  }
0x17c: {  	v5 =	vperm.xlane @!p0 v4, v5;
	_ =	sdelay $0x1  }
0x17d: {  	v5 =	vadd.s32 @!p0 v7, v5;
	_ =	sdelay $0x1  }
0x17e: {  	v4 =	vperm.xlane @!p0 v4, v6;
	_ =	sdelay $0x1  }
0x17f: {  	s8 =	simm.s32 @!p0 $0x2680;
	v4 =	vadd.s32 @!p0 v7, v4  }
0x180: {  	[tilespmem:s8], [sflag:$0x2] =	stream.indirect_vreg.gather @!p0 [hbm4b:s4+s5], $0x80, v5, vm1, $0xb8;
	[tilespmem:$0x14680] =	vst v63  }
0x181: {  	s8 =	simm.s32 @!p0 $0x2E80  }
0x182: {  	[tilespmem:s8], [sflag:$0x2] =	stream.indirect_vreg.gather @!p0 [hbm4b:s6+s5], $0x80, v5, vm1, $0xb8;
	[tilespmem:$0x14680] =	vst v63  }
0x183: {  	s8 =	simm.s32 @!p0 $0x3680  }
0x184: {  	[tilespmem:s8], [sflag:$0x2] =	stream.indirect_vreg.gather @!p0 [hbm4b:s4+s5], $0x80, v4, vm1, $0xb8;
	[tilespmem:$0x14680] =	vst v63  }
0x185: {  	s15 =	sshll.u32 s23, $0xB;
	s8 =	simm.s32 @!p0 $0x3E80  }
0x186: {  	[tilespmem:s8], [sflag:$0x2] =	stream.indirect_vreg.gather @!p0 [hbm4b:s6+s5], $0x80, v4, vm1, $0xb8;
	[tilespmem:$0x14680] =	vst v63  }
0x187: {  	s5 =	sadd.s32 s15, s7  }
0x188: {  	[hbm4b:s5+s3] =	stream.linear.scatter [tilespmem:s30], [sflag:$0x6], $0x1000, $0x38;
	[tilespmem:$0x14680] =	vst v63  }
0x189: {  	s5 =	simm.s32 @!p1 $0x7  }
0x18a: {  	_ =	swait.ge @!p1 [sflag:s5], $0x1000  }
0x18b: {  	[sflag:s5] =	ssyncset.done @!p1 $0x0  }
0x18c: {  	[sflag:s5] =	ssyncadd.s32 @!p1 $0xFFFFF000  }
0x18d: {  	s26 =	simm.s32 $0x0;
	_ =	swait.ge [sflag:s31], $0x4000  }
0x18e: {  	s16 =	sand.u32 $0x3000, s26;
	s20 =	sand.u32 $0x380, s26;
	[sflag:s31] =	ssyncset.done $0x0  }
0x18f: {  	s15 =	sor.u32 s20, s16;
	[sflag:s31] =	ssyncadd.s32 $0xFFFFC000  }
0x190: {  	v4 =	vld [tilespmem:s15+$0x4680]  }
0x191: {  	v5 =	vld [tilespmem:s15+$0x46C0];
	_ =	sdelay $0x1  }
0x192: {  	v6 =	vld [tilespmem:s15+$0x4A80];
	_ =	sdelay $0x1  }
0x193: {  	v7 =	vld [tilespmem:s15+$0x4AC0]  }
0x194: {  	v4 =	vadd.f32 v5, v4  }
0x195: {  	v5 =	vld [tilespmem:s15+$0x4E80]  }
0x196: {  	v4 =	vadd.f32 v6, v4  }
0x197: {  	v6 =	vld [tilespmem:s15+$0x4EC0]  }
0x198: {  	v4 =	vadd.f32 v7, v4  }
0x199: {  	v7 =	vld [tilespmem:s15+$0x5280]  }
0x19a: {  	v8 =	vld [tilespmem:s14+$0x0];
	v4 =	vadd.f32 v5, v4  }
0x19b: {  	v5 =	vld [tilespmem:s15+$0x52C0]  }
0x19c: {  	v4 =	vadd.f32 v6, v4;
	_ =	sdelay $0x1  }
0x19d: {  	v6 =	vadd.f32 v7, v4;
	_ =	sdelay $0x1  }
0x19e: {  	v4 =	vperm.xlane v8, v3;
	v5 =	vadd.f32 v5, v6;
	_ =	sdelay $0x1  }
0x19f: {  	v5 =	vmul.f32 v5, v4  }
0x1a0: {  	s8 =	simm.s32 $0x0  }
0x1a1: {  	[tilespmem:s8+$0x11680] =	vst v5  }
0x1a2: {  	v5 =	vld [tilespmem:s15+$0x4690]  }
0x1a3: {  	v6 =	vld [tilespmem:s15+$0x46D0];
	_ =	sdelay $0x1  }
0x1a4: {  	v7 =	vld [tilespmem:s15+$0x4A90];
	_ =	sdelay $0x1  }
0x1a5: {  	v8 =	vld [tilespmem:s15+$0x4AD0]  }
0x1a6: {  	v5 =	vadd.f32 v6, v5  }
0x1a7: {  	v6 =	vld [tilespmem:s15+$0x4E90]  }
0x1a8: {  	v5 =	vadd.f32 v7, v5  }
0x1a9: {  	v7 =	vld [tilespmem:s15+$0x4ED0]  }
0x1aa: {  	v5 =	vadd.f32 v8, v5  }
0x1ab: {  	v8 =	vld [tilespmem:s15+$0x5290]  }
0x1ac: {  	v5 =	vadd.f32 v6, v5  }
0x1ad: {  	v6 =	vld [tilespmem:s15+$0x52D0]  }
0x1ae: {  	v5 =	vadd.f32 v7, v5;
	_ =	sdelay $0x1  }
0x1af: {  	v5 =	vadd.f32 v8, v5;
	_ =	sdelay $0x1  }
0x1b0: {  	v5 =	vadd.f32 v6, v5;
	_ =	sdelay $0x1  }
0x1b1: {  	v5 =	vmul.f32 v5, v4;
	_ =	sdelay $0x1  }
0x1b2: {  	[tilespmem:s8+$0x11690] =	vst v5  }
0x1b3: {  	v5 =	vld [tilespmem:s15+$0x46A0]  }
0x1b4: {  	v6 =	vld [tilespmem:s15+$0x46E0];
	_ =	sdelay $0x1  }
0x1b5: {  	v7 =	vld [tilespmem:s15+$0x4AA0];
	_ =	sdelay $0x1  }
0x1b6: {  	v8 =	vld [tilespmem:s15+$0x4AE0]  }
0x1b7: {  	v5 =	vadd.f32 v6, v5  }
0x1b8: {  	v6 =	vld [tilespmem:s15+$0x4EA0]  }
0x1b9: {  	v5 =	vadd.f32 v7, v5  }
0x1ba: {  	v7 =	vld [tilespmem:s15+$0x4EE0]  }
0x1bb: {  	v5 =	vadd.f32 v8, v5  }
0x1bc: {  	v8 =	vld [tilespmem:s15+$0x52A0]  }
0x1bd: {  	v5 =	vadd.f32 v6, v5  }
0x1be: {  	v6 =	vld [tilespmem:s15+$0x52E0]  }
0x1bf: {  	v5 =	vadd.f32 v7, v5;
	_ =	sdelay $0x1  }
0x1c0: {  	v5 =	vadd.f32 v8, v5;
	_ =	sdelay $0x1  }
0x1c1: {  	v5 =	vadd.f32 v6, v5;
	_ =	sdelay $0x1  }
0x1c2: {  	v5 =	vmul.f32 v5, v4;
	_ =	sdelay $0x1  }
0x1c3: {  	[tilespmem:s8+$0x116A0] =	vst v5  }
0x1c4: {  	v5 =	vld [tilespmem:s15+$0x46B0]  }
0x1c5: {  	v6 =	vld [tilespmem:s15+$0x46F0];
	_ =	sdelay $0x1  }
0x1c6: {  	v7 =	vld [tilespmem:s15+$0x4AB0];
	_ =	sdelay $0x1  }
0x1c7: {  	v8 =	vld [tilespmem:s15+$0x4AF0]  }
0x1c8: {  	v5 =	vadd.f32 v6, v5  }
0x1c9: {  	v6 =	vld [tilespmem:s15+$0x4EB0]  }
0x1ca: {  	v5 =	vadd.f32 v7, v5  }
0x1cb: {  	v7 =	vld [tilespmem:s15+$0x4EF0]  }
0x1cc: {  	v5 =	vadd.f32 v8, v5;
	_ =	sdelay $0x1  }
0x1cd: {  	v8 =	vld [tilespmem:s15+$0x52B0];
	v5 =	vadd.f32 v6, v5;
	_ =	sdelay $0x1  }
0x1ce: {  	v6 =	vadd.f32 v7, v5;
	v5 =	vld [tilespmem:s15+$0x52F0];
	_ =	sdelay $0x2  }
0x1cf: {  	s9 =	simm.s32 $0x80;
	s20 =	smov.u32 s14;
	s5 =	sor.u32 $0x1, s25;
	v6 =	vadd.f32 v8, v6  }
.LBB2_5:
0x1d0: {  	p2 =	sne.s32 s9, $0xF80;
	s20 =	sadd.s32 $0x1, s20;
	s26 =	sadd.s32 $0x200, s26  }
0x1d1: {  	s15 =	smov.u32 s9;
	s9 =	sadd.s32 $0x80, s9;
	v5 =	vadd.f32 v5, v6;
	_ =	sdelay $0x1  }
0x1d2: {  	s16 =	sand.u32 $0x3000, s26;
	s15 =	sand.u32 $0x380, s15;
	v4 =	vmul.f32 v5, v4  }
0x1d3: {  	s15 =	sor.u32 s15, s16  }
0x1d4: {  	[tilespmem:s8+$0x116B0] =	vst v4  }
0x1d5: {  	v4 =	vld [tilespmem:s15+$0x4680]  }
0x1d6: {  	v5 =	vld [tilespmem:s15+$0x46C0];
	_ =	sdelay $0x1  }
0x1d7: {  	v6 =	vld [tilespmem:s15+$0x4A80];
	_ =	sdelay $0x1  }
0x1d8: {  	v7 =	vld [tilespmem:s15+$0x4AC0]  }
0x1d9: {  	v4 =	vadd.f32 v5, v4  }
0x1da: {  	v5 =	vld [tilespmem:s15+$0x4E80]  }
0x1db: {  	v4 =	vadd.f32 v6, v4  }
0x1dc: {  	v6 =	vld [tilespmem:s15+$0x4EC0]  }
0x1dd: {  	v4 =	vadd.f32 v7, v4  }
0x1de: {  	v7 =	vld [tilespmem:s15+$0x5280]  }
0x1df: {  	v8 =	vld [tilespmem:s20+$0x0];
	v4 =	vadd.f32 v5, v4  }
0x1e0: {  	v5 =	vld [tilespmem:s15+$0x52C0]  }
0x1e1: {  	v4 =	vadd.f32 v6, v4;
	_ =	sdelay $0x1  }
0x1e2: {  	v6 =	vadd.f32 v7, v4;
	_ =	sdelay $0x1  }
0x1e3: {  	v4 =	vperm.xlane v8, v3;
	v5 =	vadd.f32 v5, v6;
	_ =	sdelay $0x1  }
0x1e4: {  	v5 =	vmul.f32 v5, v4  }
0x1e5: {  	s8 =	sshra.s32 s26, $0x2  }
0x1e6: {  	[tilespmem:s8+$0x11680] =	vst v5  }
0x1e7: {  	v5 =	vld [tilespmem:s15+$0x4690]  }
0x1e8: {  	v6 =	vld [tilespmem:s15+$0x46D0];
	_ =	sdelay $0x1  }
0x1e9: {  	v7 =	vld [tilespmem:s15+$0x4A90];
	_ =	sdelay $0x1  }
0x1ea: {  	v8 =	vld [tilespmem:s15+$0x4AD0]  }
0x1eb: {  	v5 =	vadd.f32 v6, v5  }
0x1ec: {  	v6 =	vld [tilespmem:s15+$0x4E90]  }
0x1ed: {  	v5 =	vadd.f32 v7, v5  }
0x1ee: {  	v7 =	vld [tilespmem:s15+$0x4ED0]  }
0x1ef: {  	v5 =	vadd.f32 v8, v5  }
0x1f0: {  	v8 =	vld [tilespmem:s15+$0x5290]  }
0x1f1: {  	v5 =	vadd.f32 v6, v5  }
0x1f2: {  	v6 =	vld [tilespmem:s15+$0x52D0]  }
0x1f3: {  	v5 =	vadd.f32 v7, v5;
	_ =	sdelay $0x1  }
0x1f4: {  	v5 =	vadd.f32 v8, v5;
	_ =	sdelay $0x1  }
0x1f5: {  	v5 =	vadd.f32 v6, v5;
	_ =	sdelay $0x1  }
0x1f6: {  	v5 =	vmul.f32 v5, v4;
	_ =	sdelay $0x1  }
0x1f7: {  	[tilespmem:s8+$0x11690] =	vst v5  }
0x1f8: {  	v5 =	vld [tilespmem:s15+$0x46A0]  }
0x1f9: {  	v6 =	vld [tilespmem:s15+$0x46E0];
	_ =	sdelay $0x1  }
0x1fa: {  	v7 =	vld [tilespmem:s15+$0x4AA0];
	_ =	sdelay $0x1  }
0x1fb: {  	v8 =	vld [tilespmem:s15+$0x4AE0]  }
0x1fc: {  	v5 =	vadd.f32 v6, v5  }
0x1fd: {  	v6 =	vld [tilespmem:s15+$0x4EA0]  }
0x1fe: {  	v5 =	vadd.f32 v7, v5  }
0x1ff: {  	v7 =	vld [tilespmem:s15+$0x4EE0]  }
0x200: {  	v5 =	vadd.f32 v8, v5  }
0x201: {  	v8 =	vld [tilespmem:s15+$0x52A0]  }
0x202: {  	v5 =	vadd.f32 v6, v5  }
0x203: {  	v6 =	vld [tilespmem:s15+$0x52E0]  }
0x204: {  	v5 =	vadd.f32 v7, v5;
	_ =	sdelay $0x1  }
0x205: {  	v5 =	vadd.f32 v8, v5;
	_ =	sdelay $0x1  }
0x206: {  	v5 =	vadd.f32 v6, v5;
	_ =	sdelay $0x1  }
0x207: {  	v5 =	vmul.f32 v5, v4;
	_ =	sdelay $0x1  }
0x208: {  	[tilespmem:s8+$0x116A0] =	vst v5  }
0x209: {  	v5 =	vld [tilespmem:s15+$0x46B0]  }
0x20a: {  	v6 =	vld [tilespmem:s15+$0x46F0]  }
0x20b: {  	v7 =	vld [tilespmem:s15+$0x4AB0]  }
0x20c: {  	v8 =	vld [tilespmem:s15+$0x4AF0]  }
0x20d: {  	v9 =	vld [tilespmem:s15+$0x4EB0]  }
0x20e: {  	v10 =	vld [tilespmem:s15+$0x4EF0]  }
0x20f: {  	v6 =	vadd.f32 v6, v5;
	v11 =	vld [tilespmem:s15+$0x52B0]  }
0x210: {  	v5 =	vld [tilespmem:s15+$0x52F0]  }
0x211: {  	v6 =	vadd.f32 v7, v6;
	_ =	sdelay $0x1  }
0x212: {  	v6 =	vadd.f32 v8, v6;
	_ =	sdelay $0x1  }
.Ltmp1:
0x213: {  	v6 =	vadd.f32 v9, v6;
	(pc) =	sbr.rel @p2 .LBB2_5-.Ltmp1, $3  }
0x214: {  	_ = 	snop  }
0x215: {  	v6 =	vadd.f32 v10, v6;
	_ =	sdelay $0x1  }
0x216: {  	v6 =	vadd.f32 v11, v6  }
0x217: {  	_ = 	snop  }
0x218: {  	v5 =	vadd.f32 v5, v6;
	_ =	sdelay $0x1  }
0x219: {  	v4 =	vmul.f32 v5, v4;
	_ =	sdelay $0x1  }
0x21a: {  	[tilespmem:s8+$0x116B0] =	vst v4  }
0x21b: {  	v4 =	vld @!p0 [tilespmem:s24+$0xA0];
	_ =	sdelay $0x4  }
0x21c: {  	v5 =	vshll.u32 @!p0 v4, $0x2  }
0x21d: {  	v6 =	vlaneseq.u32 @!p0;
	v4 =	vand.u32 @!p0 $0x7, v4;
	v5 =	vand.u32 @!p0 $0xFFFFFFE0, v5  }
0x21e: {  	v7 =	vshrl.u32 @!p0 v6, $0x3;
	v4 =	vor.u32 @!p0 v4, v5;
	v5 =	vand.u32 @!p0 $0x7, v6  }
0x21f: {  	v7 =	vmul.u32 @!p0 $0x8, v7;
	v8 =	vperm.xlane @!p0 v4, v5;
	_ =	sdelay $0x1  }
0x220: {  	v8 =	vadd.s32 @!p0 v7, v8  }
0x221: {  	v6 =	vor.u32 @!p0 $0x8, v6  }
0x222: {  	v4 =	vperm.xlane @!p0 v4, v6;
	_ =	sdelay $0x1  }
0x223: {  	s9 =	simm.s32 @!p0 $0x4680;
	s8 =	simm.s32 @!p0 $0x0;
	v4 =	vadd.s32 @!p0 v7, v4  }
0x224: {  	[tilespmem:s9], [sflag:$0x3] =	stream.indirect_vreg.gather @!p0 [hbm4b:s4+s8], $0x80, v8, vm1, $0xb8;
	[tilespmem:$0x14680] =	vst v63  }
0x225: {  	s9 =	simm.s32 @!p0 $0x4E80  }
0x226: {  	[tilespmem:s9], [sflag:$0x3] =	stream.indirect_vreg.gather @!p0 [hbm4b:s6+s8], $0x80, v8, vm1, $0xb8;
	[tilespmem:$0x14680] =	vst v63  }
0x227: {  	s9 =	simm.s32 @!p0 $0x5680  }
0x228: {  	[tilespmem:s9], [sflag:$0x3] =	stream.indirect_vreg.gather @!p0 [hbm4b:s4+s8], $0x80, v4, vm1, $0xb8;
	[tilespmem:$0x14680] =	vst v63  }
0x229: {  	s9 =	simm.s32 @!p0 $0x5E80  }
0x22a: {  	[tilespmem:s9], [sflag:$0x3] =	stream.indirect_vreg.gather @!p0 [hbm4b:s6+s8], $0x80, v4, vm1, $0xb8;
	[tilespmem:$0x14680] =	vst v63  }
0x22b: {  	v4 =	vld @!p0 [tilespmem:s24+$0xB0];
	_ =	sdelay $0x4  }
0x22c: {  	v8 =	vshll.u32 @!p0 v4, $0x2  }
0x22d: {  	v4 =	vand.u32 @!p0 $0x7, v4;
	v8 =	vand.u32 @!p0 $0xFFFFFFE0, v8  }
0x22e: {  	v4 =	vor.u32 @!p0 v4, v8  }
0x22f: {  	v5 =	vperm.xlane @!p0 v4, v5;
	_ =	sdelay $0x1  }
0x230: {  	v5 =	vadd.s32 @!p0 v7, v5;
	_ =	sdelay $0x1  }
0x231: {  	v4 =	vperm.xlane @!p0 v4, v6;
	_ =	sdelay $0x1  }
0x232: {  	s9 =	simm.s32 @!p0 $0x6680;
	v4 =	vadd.s32 @!p0 v7, v4  }
0x233: {  	[tilespmem:s9], [sflag:$0x3] =	stream.indirect_vreg.gather @!p0 [hbm4b:s4+s8], $0x80, v5, vm1, $0xb8;
	[tilespmem:$0x14680] =	vst v63  }
0x234: {  	s9 =	simm.s32 @!p0 $0x6E80  }
0x235: {  	[tilespmem:s9], [sflag:$0x3] =	stream.indirect_vreg.gather @!p0 [hbm4b:s6+s8], $0x80, v5, vm1, $0xb8;
	[tilespmem:$0x14680] =	vst v63  }
0x236: {  	s9 =	simm.s32 @!p0 $0x7680  }
0x237: {  	[tilespmem:s9], [sflag:$0x3] =	stream.indirect_vreg.gather @!p0 [hbm4b:s4+s8], $0x80, v4, vm1, $0xb8;
	[tilespmem:$0x14680] =	vst v63  }
0x238: {  	s5 =	sshll.u32 s5, $0x9;
	s9 =	simm.s32 @!p0 $0x7E80  }
0x239: {  	[tilespmem:s9], [sflag:$0x3] =	stream.indirect_vreg.gather @!p0 [hbm4b:s6+s8], $0x80, v4, vm1, $0xb8;
	[tilespmem:$0x14680] =	vst v63  }
0x23a: {  	s5 =	sadd.s32 s5, s7  }
0x23b: {  	[hbm4b:s5+s3] =	stream.linear.scatter [tilespmem:s0], [sflag:$0x7], $0x1000, $0x38;
	[tilespmem:$0x14680] =	vst v63  }
0x23c: {  	s5 =	simm.s32 @!p1 $0x8  }
0x23d: {  	_ =	swait.ge @!p1 [sflag:s5], $0x1000  }
0x23e: {  	[sflag:s5] =	ssyncset.done @!p1 $0x0  }
0x23f: {  	[sflag:s5] =	ssyncadd.s32 @!p1 $0xFFFFF000  }
0x240: {  	s26 =	simm.s32 $0x0;
	_ =	swait.ge [sflag:s2], $0x4000  }
0x241: {  	s16 =	sand.u32 $0x3000, s26;
	s20 =	sand.u32 $0x380, s26;
	[sflag:s2] =	ssyncset.done $0x0  }
0x242: {  	s15 =	sor.u32 s20, s16;
	[sflag:s2] =	ssyncadd.s32 $0xFFFFC000  }
0x243: {  	v4 =	vld [tilespmem:s15+$0x8680]  }
0x244: {  	v5 =	vld [tilespmem:s15+$0x86C0];
	_ =	sdelay $0x1  }
0x245: {  	v6 =	vld [tilespmem:s15+$0x8A80];
	_ =	sdelay $0x1  }
0x246: {  	v7 =	vld [tilespmem:s15+$0x8AC0]  }
0x247: {  	v4 =	vadd.f32 v5, v4  }
0x248: {  	v5 =	vld [tilespmem:s15+$0x8E80]  }
0x249: {  	v4 =	vadd.f32 v6, v4  }
0x24a: {  	v6 =	vld [tilespmem:s15+$0x8EC0]  }
0x24b: {  	v4 =	vadd.f32 v7, v4  }
0x24c: {  	v7 =	vld [tilespmem:s15+$0x9280]  }
0x24d: {  	v8 =	vld [tilespmem:s21+$0x0];
	v4 =	vadd.f32 v5, v4  }
0x24e: {  	v5 =	vld [tilespmem:s15+$0x92C0]  }
0x24f: {  	v4 =	vadd.f32 v6, v4;
	_ =	sdelay $0x1  }
0x250: {  	v6 =	vadd.f32 v7, v4;
	_ =	sdelay $0x1  }
0x251: {  	v4 =	vperm.xlane v8, v3;
	v5 =	vadd.f32 v5, v6;
	_ =	sdelay $0x1  }
0x252: {  	v5 =	vmul.f32 v5, v4  }
0x253: {  	s8 =	simm.s32 $0x0  }
0x254: {  	[tilespmem:s8+$0x12680] =	vst v5  }
0x255: {  	v5 =	vld [tilespmem:s15+$0x8690]  }
0x256: {  	v6 =	vld [tilespmem:s15+$0x86D0];
	_ =	sdelay $0x1  }
0x257: {  	v7 =	vld [tilespmem:s15+$0x8A90];
	_ =	sdelay $0x1  }
0x258: {  	v8 =	vld [tilespmem:s15+$0x8AD0]  }
0x259: {  	v5 =	vadd.f32 v6, v5  }
0x25a: {  	v6 =	vld [tilespmem:s15+$0x8E90]  }
0x25b: {  	v5 =	vadd.f32 v7, v5  }
0x25c: {  	v7 =	vld [tilespmem:s15+$0x8ED0]  }
0x25d: {  	v5 =	vadd.f32 v8, v5  }
0x25e: {  	v8 =	vld [tilespmem:s15+$0x9290]  }
0x25f: {  	v5 =	vadd.f32 v6, v5  }
0x260: {  	v6 =	vld [tilespmem:s15+$0x92D0]  }
0x261: {  	v5 =	vadd.f32 v7, v5;
	_ =	sdelay $0x1  }
0x262: {  	v5 =	vadd.f32 v8, v5;
	_ =	sdelay $0x1  }
0x263: {  	v5 =	vadd.f32 v6, v5;
	_ =	sdelay $0x1  }
0x264: {  	v5 =	vmul.f32 v5, v4;
	_ =	sdelay $0x1  }
0x265: {  	[tilespmem:s8+$0x12690] =	vst v5  }
0x266: {  	v5 =	vld [tilespmem:s15+$0x86A0]  }
0x267: {  	v6 =	vld [tilespmem:s15+$0x86E0];
	_ =	sdelay $0x1  }
0x268: {  	v7 =	vld [tilespmem:s15+$0x8AA0];
	_ =	sdelay $0x1  }
0x269: {  	v8 =	vld [tilespmem:s15+$0x8AE0]  }
0x26a: {  	v5 =	vadd.f32 v6, v5  }
0x26b: {  	v6 =	vld [tilespmem:s15+$0x8EA0]  }
0x26c: {  	v5 =	vadd.f32 v7, v5  }
0x26d: {  	v7 =	vld [tilespmem:s15+$0x8EE0]  }
0x26e: {  	v5 =	vadd.f32 v8, v5  }
0x26f: {  	v8 =	vld [tilespmem:s15+$0x92A0]  }
0x270: {  	v5 =	vadd.f32 v6, v5  }
0x271: {  	v6 =	vld [tilespmem:s15+$0x92E0]  }
0x272: {  	v5 =	vadd.f32 v7, v5;
	_ =	sdelay $0x1  }
0x273: {  	v5 =	vadd.f32 v8, v5;
	_ =	sdelay $0x1  }
0x274: {  	v5 =	vadd.f32 v6, v5;
	_ =	sdelay $0x1  }
0x275: {  	v5 =	vmul.f32 v5, v4;
	_ =	sdelay $0x1  }
0x276: {  	[tilespmem:s8+$0x126A0] =	vst v5  }
0x277: {  	v5 =	vld [tilespmem:s15+$0x86B0]  }
0x278: {  	v6 =	vld [tilespmem:s15+$0x86F0];
	_ =	sdelay $0x1  }
0x279: {  	v7 =	vld [tilespmem:s15+$0x8AB0];
	_ =	sdelay $0x1  }
0x27a: {  	v8 =	vld [tilespmem:s15+$0x8AF0]  }
0x27b: {  	v5 =	vadd.f32 v6, v5  }
0x27c: {  	v6 =	vld [tilespmem:s15+$0x8EB0]  }
0x27d: {  	v5 =	vadd.f32 v7, v5  }
0x27e: {  	v7 =	vld [tilespmem:s15+$0x8EF0]  }
0x27f: {  	v5 =	vadd.f32 v8, v5;
	_ =	sdelay $0x1  }
0x280: {  	v8 =	vld [tilespmem:s15+$0x92B0];
	v5 =	vadd.f32 v6, v5;
	_ =	sdelay $0x1  }
0x281: {  	v6 =	vadd.f32 v7, v5;
	v5 =	vld [tilespmem:s15+$0x92F0];
	_ =	sdelay $0x2  }
0x282: {  	s20 =	smov.u32 s21;
	s9 =	simm.s32 $0x80;
	s5 =	sor.u32 $0x2, s25;
	v6 =	vadd.f32 v8, v6  }
.LBB2_7:
0x283: {  	p2 =	sne.s32 s9, $0xF80;
	s20 =	sadd.s32 $0x1, s20;
	s26 =	sadd.s32 $0x200, s26  }
0x284: {  	s15 =	smov.u32 s9;
	s9 =	sadd.s32 $0x80, s9;
	v5 =	vadd.f32 v5, v6;
	_ =	sdelay $0x1  }
0x285: {  	s16 =	sand.u32 $0x3000, s26;
	s15 =	sand.u32 $0x380, s15;
	v4 =	vmul.f32 v5, v4  }
0x286: {  	s15 =	sor.u32 s15, s16  }
0x287: {  	[tilespmem:s8+$0x126B0] =	vst v4  }
0x288: {  	v4 =	vld [tilespmem:s15+$0x8680]  }
0x289: {  	v5 =	vld [tilespmem:s15+$0x86C0];
	_ =	sdelay $0x1  }
0x28a: {  	v6 =	vld [tilespmem:s15+$0x8A80];
	_ =	sdelay $0x1  }
0x28b: {  	v7 =	vld [tilespmem:s15+$0x8AC0]  }
0x28c: {  	v4 =	vadd.f32 v5, v4  }
0x28d: {  	v5 =	vld [tilespmem:s15+$0x8E80]  }
0x28e: {  	v4 =	vadd.f32 v6, v4  }
0x28f: {  	v6 =	vld [tilespmem:s15+$0x8EC0]  }
0x290: {  	v4 =	vadd.f32 v7, v4  }
0x291: {  	v7 =	vld [tilespmem:s15+$0x9280]  }
0x292: {  	v8 =	vld [tilespmem:s20+$0x0];
	v4 =	vadd.f32 v5, v4  }
0x293: {  	v5 =	vld [tilespmem:s15+$0x92C0]  }
0x294: {  	v4 =	vadd.f32 v6, v4;
	_ =	sdelay $0x1  }
0x295: {  	v6 =	vadd.f32 v7, v4;
	_ =	sdelay $0x1  }
0x296: {  	v4 =	vperm.xlane v8, v3;
	v5 =	vadd.f32 v5, v6;
	_ =	sdelay $0x1  }
0x297: {  	v5 =	vmul.f32 v5, v4  }
0x298: {  	s8 =	sshra.s32 s26, $0x2  }
0x299: {  	[tilespmem:s8+$0x12680] =	vst v5  }
0x29a: {  	v5 =	vld [tilespmem:s15+$0x8690]  }
0x29b: {  	v6 =	vld [tilespmem:s15+$0x86D0];
	_ =	sdelay $0x1  }
0x29c: {  	v7 =	vld [tilespmem:s15+$0x8A90];
	_ =	sdelay $0x1  }
0x29d: {  	v8 =	vld [tilespmem:s15+$0x8AD0]  }
0x29e: {  	v5 =	vadd.f32 v6, v5  }
0x29f: {  	v6 =	vld [tilespmem:s15+$0x8E90]  }
0x2a0: {  	v5 =	vadd.f32 v7, v5  }
0x2a1: {  	v7 =	vld [tilespmem:s15+$0x8ED0]  }
0x2a2: {  	v5 =	vadd.f32 v8, v5  }
0x2a3: {  	v8 =	vld [tilespmem:s15+$0x9290]  }
0x2a4: {  	v5 =	vadd.f32 v6, v5  }
0x2a5: {  	v6 =	vld [tilespmem:s15+$0x92D0]  }
0x2a6: {  	v5 =	vadd.f32 v7, v5;
	_ =	sdelay $0x1  }
0x2a7: {  	v5 =	vadd.f32 v8, v5;
	_ =	sdelay $0x1  }
0x2a8: {  	v5 =	vadd.f32 v6, v5;
	_ =	sdelay $0x1  }
0x2a9: {  	v5 =	vmul.f32 v5, v4;
	_ =	sdelay $0x1  }
0x2aa: {  	[tilespmem:s8+$0x12690] =	vst v5  }
0x2ab: {  	v5 =	vld [tilespmem:s15+$0x86A0]  }
0x2ac: {  	v6 =	vld [tilespmem:s15+$0x86E0];
	_ =	sdelay $0x1  }
0x2ad: {  	v7 =	vld [tilespmem:s15+$0x8AA0];
	_ =	sdelay $0x1  }
0x2ae: {  	v8 =	vld [tilespmem:s15+$0x8AE0]  }
0x2af: {  	v5 =	vadd.f32 v6, v5  }
0x2b0: {  	v6 =	vld [tilespmem:s15+$0x8EA0]  }
0x2b1: {  	v5 =	vadd.f32 v7, v5  }
0x2b2: {  	v7 =	vld [tilespmem:s15+$0x8EE0]  }
0x2b3: {  	v5 =	vadd.f32 v8, v5  }
0x2b4: {  	v8 =	vld [tilespmem:s15+$0x92A0]  }
0x2b5: {  	v5 =	vadd.f32 v6, v5  }
0x2b6: {  	v6 =	vld [tilespmem:s15+$0x92E0]  }
0x2b7: {  	v5 =	vadd.f32 v7, v5;
	_ =	sdelay $0x1  }
0x2b8: {  	v5 =	vadd.f32 v8, v5;
	_ =	sdelay $0x1  }
0x2b9: {  	v5 =	vadd.f32 v6, v5;
	_ =	sdelay $0x1  }
0x2ba: {  	v5 =	vmul.f32 v5, v4;
	_ =	sdelay $0x1  }
0x2bb: {  	[tilespmem:s8+$0x126A0] =	vst v5  }
0x2bc: {  	v5 =	vld [tilespmem:s15+$0x86B0]  }
0x2bd: {  	v6 =	vld [tilespmem:s15+$0x86F0]  }
0x2be: {  	v7 =	vld [tilespmem:s15+$0x8AB0]  }
0x2bf: {  	v8 =	vld [tilespmem:s15+$0x8AF0]  }
0x2c0: {  	v9 =	vld [tilespmem:s15+$0x8EB0]  }
0x2c1: {  	v10 =	vld [tilespmem:s15+$0x8EF0]  }
0x2c2: {  	v6 =	vadd.f32 v6, v5;
	v11 =	vld [tilespmem:s15+$0x92B0]  }
0x2c3: {  	v5 =	vld [tilespmem:s15+$0x92F0]  }
0x2c4: {  	v6 =	vadd.f32 v7, v6;
	_ =	sdelay $0x1  }
0x2c5: {  	v6 =	vadd.f32 v8, v6;
	_ =	sdelay $0x1  }
.Ltmp2:
0x2c6: {  	v6 =	vadd.f32 v9, v6;
	(pc) =	sbr.rel @p2 .LBB2_7-.Ltmp2, $3  }
0x2c7: {  	_ = 	snop  }
0x2c8: {  	v6 =	vadd.f32 v10, v6;
	_ =	sdelay $0x1  }
0x2c9: {  	v6 =	vadd.f32 v11, v6  }
0x2ca: {  	_ = 	snop  }
0x2cb: {  	v5 =	vadd.f32 v5, v6;
	_ =	sdelay $0x1  }
0x2cc: {  	v4 =	vmul.f32 v5, v4;
	_ =	sdelay $0x1  }
0x2cd: {  	[tilespmem:s8+$0x126B0] =	vst v4  }
0x2ce: {  	v4 =	vld @!p0 [tilespmem:s24+$0xC0];
	_ =	sdelay $0x4  }
0x2cf: {  	v5 =	vshll.u32 @!p0 v4, $0x2  }
0x2d0: {  	v6 =	vlaneseq.u32 @!p0;
	v4 =	vand.u32 @!p0 $0x7, v4;
	v5 =	vand.u32 @!p0 $0xFFFFFFE0, v5  }
0x2d1: {  	v7 =	vshrl.u32 @!p0 v6, $0x3;
	v4 =	vor.u32 @!p0 v4, v5;
	v5 =	vand.u32 @!p0 $0x7, v6  }
0x2d2: {  	v7 =	vmul.u32 @!p0 $0x8, v7;
	v8 =	vperm.xlane @!p0 v4, v5;
	_ =	sdelay $0x1  }
0x2d3: {  	v8 =	vadd.s32 @!p0 v7, v8  }
0x2d4: {  	v6 =	vor.u32 @!p0 $0x8, v6  }
0x2d5: {  	v4 =	vperm.xlane @!p0 v4, v6;
	_ =	sdelay $0x1  }
0x2d6: {  	s9 =	simm.s32 @!p0 $0x8680;
	s8 =	simm.s32 @!p0 $0x0;
	v4 =	vadd.s32 @!p0 v7, v4  }
0x2d7: {  	[tilespmem:s9], [sflag:$0x4] =	stream.indirect_vreg.gather @!p0 [hbm4b:s4+s8], $0x80, v8, vm1, $0xb8;
	[tilespmem:$0x14680] =	vst v63  }
0x2d8: {  	s9 =	simm.s32 @!p0 $0x8E80  }
0x2d9: {  	[tilespmem:s9], [sflag:$0x4] =	stream.indirect_vreg.gather @!p0 [hbm4b:s6+s8], $0x80, v8, vm1, $0xb8;
	[tilespmem:$0x14680] =	vst v63  }
0x2da: {  	s9 =	simm.s32 @!p0 $0x9680  }
0x2db: {  	[tilespmem:s9], [sflag:$0x4] =	stream.indirect_vreg.gather @!p0 [hbm4b:s4+s8], $0x80, v4, vm1, $0xb8;
	[tilespmem:$0x14680] =	vst v63  }
0x2dc: {  	s9 =	simm.s32 @!p0 $0x9E80  }
0x2dd: {  	[tilespmem:s9], [sflag:$0x4] =	stream.indirect_vreg.gather @!p0 [hbm4b:s6+s8], $0x80, v4, vm1, $0xb8;
	[tilespmem:$0x14680] =	vst v63  }
0x2de: {  	v4 =	vld @!p0 [tilespmem:s24+$0xD0];
	_ =	sdelay $0x4  }
0x2df: {  	v8 =	vshll.u32 @!p0 v4, $0x2  }
0x2e0: {  	v4 =	vand.u32 @!p0 $0x7, v4;
	v8 =	vand.u32 @!p0 $0xFFFFFFE0, v8  }
0x2e1: {  	v4 =	vor.u32 @!p0 v4, v8  }
0x2e2: {  	v5 =	vperm.xlane @!p0 v4, v5;
	_ =	sdelay $0x1  }
0x2e3: {  	v5 =	vadd.s32 @!p0 v7, v5;
	_ =	sdelay $0x1  }
0x2e4: {  	v4 =	vperm.xlane @!p0 v4, v6;
	_ =	sdelay $0x1  }
0x2e5: {  	s9 =	simm.s32 @!p0 $0xA680;
	v4 =	vadd.s32 @!p0 v7, v4  }
0x2e6: {  	[tilespmem:s9], [sflag:$0x4] =	stream.indirect_vreg.gather @!p0 [hbm4b:s4+s8], $0x80, v5, vm1, $0xb8;
	[tilespmem:$0x14680] =	vst v63  }
0x2e7: {  	s9 =	simm.s32 @!p0 $0xAE80  }
0x2e8: {  	[tilespmem:s9], [sflag:$0x4] =	stream.indirect_vreg.gather @!p0 [hbm4b:s6+s8], $0x80, v5, vm1, $0xb8;
	[tilespmem:$0x14680] =	vst v63  }
0x2e9: {  	s9 =	simm.s32 @!p0 $0xB680  }
0x2ea: {  	[tilespmem:s9], [sflag:$0x4] =	stream.indirect_vreg.gather @!p0 [hbm4b:s4+s8], $0x80, v4, vm1, $0xb8;
	[tilespmem:$0x14680] =	vst v63  }
0x2eb: {  	s5 =	sshll.u32 s5, $0x9;
	s9 =	simm.s32 @!p0 $0xBE80  }
0x2ec: {  	[tilespmem:s9], [sflag:$0x4] =	stream.indirect_vreg.gather @!p0 [hbm4b:s6+s8], $0x80, v4, vm1, $0xb8;
	[tilespmem:$0x14680] =	vst v63  }
0x2ed: {  	s5 =	sadd.s32 s5, s7  }
0x2ee: {  	[hbm4b:s5+s3] =	stream.linear.scatter [tilespmem:s11], [sflag:$0x8], $0x1000, $0x38;
	[tilespmem:$0x14680] =	vst v63  }
0x2ef: {  	s5 =	simm.s32 @!p1 $0x9  }
0x2f0: {  	_ =	swait.ge @!p1 [sflag:s5], $0x1000  }
0x2f1: {  	[sflag:s5] =	ssyncset.done @!p1 $0x0  }
0x2f2: {  	[sflag:s5] =	ssyncadd.s32 @!p1 $0xFFFFF000  }
0x2f3: {  	s26 =	simm.s32 $0x0;
	_ =	swait.ge [sflag:s12], $0x4000  }
0x2f4: {  	s16 =	sand.u32 $0x3000, s26;
	s20 =	sand.u32 $0x380, s26;
	[sflag:s12] =	ssyncset.done $0x0  }
0x2f5: {  	s15 =	sor.u32 s20, s16;
	[sflag:s12] =	ssyncadd.s32 $0xFFFFC000  }
0x2f6: {  	v4 =	vld [tilespmem:s15+$0xC680]  }
0x2f7: {  	v5 =	vld [tilespmem:s15+$0xC6C0];
	_ =	sdelay $0x1  }
0x2f8: {  	v6 =	vld [tilespmem:s15+$0xCA80];
	_ =	sdelay $0x1  }
0x2f9: {  	v7 =	vld [tilespmem:s15+$0xCAC0]  }
0x2fa: {  	v4 =	vadd.f32 v5, v4  }
0x2fb: {  	v5 =	vld [tilespmem:s15+$0xCE80]  }
0x2fc: {  	v4 =	vadd.f32 v6, v4  }
0x2fd: {  	v6 =	vld [tilespmem:s15+$0xCEC0]  }
0x2fe: {  	v4 =	vadd.f32 v7, v4  }
0x2ff: {  	v7 =	vld [tilespmem:s15+$0xD280]  }
0x300: {  	v8 =	vld [tilespmem:s22+$0x0];
	v4 =	vadd.f32 v5, v4  }
0x301: {  	v5 =	vld [tilespmem:s15+$0xD2C0]  }
0x302: {  	v4 =	vadd.f32 v6, v4;
	_ =	sdelay $0x1  }
0x303: {  	v6 =	vadd.f32 v7, v4;
	_ =	sdelay $0x1  }
0x304: {  	v4 =	vperm.xlane v8, v3;
	v5 =	vadd.f32 v5, v6;
	_ =	sdelay $0x1  }
0x305: {  	v5 =	vmul.f32 v5, v4  }
0x306: {  	s8 =	simm.s32 $0x0  }
0x307: {  	[tilespmem:s8+$0x13680] =	vst v5  }
0x308: {  	v5 =	vld [tilespmem:s15+$0xC690]  }
0x309: {  	v6 =	vld [tilespmem:s15+$0xC6D0];
	_ =	sdelay $0x1  }
0x30a: {  	v7 =	vld [tilespmem:s15+$0xCA90];
	_ =	sdelay $0x1  }
0x30b: {  	v8 =	vld [tilespmem:s15+$0xCAD0]  }
0x30c: {  	v5 =	vadd.f32 v6, v5  }
0x30d: {  	v6 =	vld [tilespmem:s15+$0xCE90]  }
0x30e: {  	v5 =	vadd.f32 v7, v5  }
0x30f: {  	v7 =	vld [tilespmem:s15+$0xCED0]  }
0x310: {  	v5 =	vadd.f32 v8, v5  }
0x311: {  	v8 =	vld [tilespmem:s15+$0xD290]  }
0x312: {  	v5 =	vadd.f32 v6, v5  }
0x313: {  	v6 =	vld [tilespmem:s15+$0xD2D0]  }
0x314: {  	v5 =	vadd.f32 v7, v5;
	_ =	sdelay $0x1  }
0x315: {  	v5 =	vadd.f32 v8, v5;
	_ =	sdelay $0x1  }
0x316: {  	v5 =	vadd.f32 v6, v5;
	_ =	sdelay $0x1  }
0x317: {  	v5 =	vmul.f32 v5, v4;
	_ =	sdelay $0x1  }
0x318: {  	[tilespmem:s8+$0x13690] =	vst v5  }
0x319: {  	v5 =	vld [tilespmem:s15+$0xC6A0]  }
0x31a: {  	v6 =	vld [tilespmem:s15+$0xC6E0];
	_ =	sdelay $0x1  }
0x31b: {  	v7 =	vld [tilespmem:s15+$0xCAA0];
	_ =	sdelay $0x1  }
0x31c: {  	v8 =	vld [tilespmem:s15+$0xCAE0]  }
0x31d: {  	v5 =	vadd.f32 v6, v5  }
0x31e: {  	v6 =	vld [tilespmem:s15+$0xCEA0]  }
0x31f: {  	v5 =	vadd.f32 v7, v5  }
0x320: {  	v7 =	vld [tilespmem:s15+$0xCEE0]  }
0x321: {  	v5 =	vadd.f32 v8, v5  }
0x322: {  	v8 =	vld [tilespmem:s15+$0xD2A0]  }
0x323: {  	v5 =	vadd.f32 v6, v5  }
0x324: {  	v6 =	vld [tilespmem:s15+$0xD2E0]  }
0x325: {  	v5 =	vadd.f32 v7, v5;
	_ =	sdelay $0x1  }
0x326: {  	v5 =	vadd.f32 v8, v5;
	_ =	sdelay $0x1  }
0x327: {  	v5 =	vadd.f32 v6, v5;
	_ =	sdelay $0x1  }
0x328: {  	v5 =	vmul.f32 v5, v4;
	_ =	sdelay $0x1  }
0x329: {  	[tilespmem:s8+$0x136A0] =	vst v5  }
0x32a: {  	v5 =	vld [tilespmem:s15+$0xC6B0]  }
0x32b: {  	v6 =	vld [tilespmem:s15+$0xC6F0];
	_ =	sdelay $0x1  }
0x32c: {  	v7 =	vld [tilespmem:s15+$0xCAB0];
	_ =	sdelay $0x1  }
0x32d: {  	v8 =	vld [tilespmem:s15+$0xCAF0]  }
0x32e: {  	v5 =	vadd.f32 v6, v5  }
0x32f: {  	v6 =	vld [tilespmem:s15+$0xCEB0]  }
0x330: {  	v5 =	vadd.f32 v7, v5  }
0x331: {  	v7 =	vld [tilespmem:s15+$0xCEF0]  }
0x332: {  	v5 =	vadd.f32 v8, v5;
	_ =	sdelay $0x1  }
0x333: {  	v8 =	vld [tilespmem:s15+$0xD2B0];
	v5 =	vadd.f32 v6, v5;
	_ =	sdelay $0x1  }
0x334: {  	v6 =	vadd.f32 v7, v5;
	v5 =	vld [tilespmem:s15+$0xD2F0];
	_ =	sdelay $0x2  }
0x335: {  	s20 =	smov.u32 s22;
	s9 =	simm.s32 $0x80;
	s5 =	sor.u32 $0x3, s25;
	v6 =	vadd.f32 v8, v6  }
.LBB2_9:
0x336: {  	p1 =	sne.s32 s9, $0xF80;
	s20 =	sadd.s32 $0x1, s20;
	s26 =	sadd.s32 $0x200, s26  }
0x337: {  	s15 =	smov.u32 s9;
	s9 =	sadd.s32 $0x80, s9;
	v5 =	vadd.f32 v5, v6;
	_ =	sdelay $0x1  }
0x338: {  	s16 =	sand.u32 $0x3000, s26;
	s15 =	sand.u32 $0x380, s15;
	v4 =	vmul.f32 v5, v4  }
0x339: {  	s15 =	sor.u32 s15, s16  }
0x33a: {  	[tilespmem:s8+$0x136B0] =	vst v4  }
0x33b: {  	v4 =	vld [tilespmem:s15+$0xC680]  }
0x33c: {  	v5 =	vld [tilespmem:s15+$0xC6C0];
	_ =	sdelay $0x1  }
0x33d: {  	v6 =	vld [tilespmem:s15+$0xCA80];
	_ =	sdelay $0x1  }
0x33e: {  	v7 =	vld [tilespmem:s15+$0xCAC0]  }
0x33f: {  	v4 =	vadd.f32 v5, v4  }
0x340: {  	v5 =	vld [tilespmem:s15+$0xCE80]  }
0x341: {  	v4 =	vadd.f32 v6, v4  }
0x342: {  	v6 =	vld [tilespmem:s15+$0xCEC0]  }
0x343: {  	v4 =	vadd.f32 v7, v4  }
0x344: {  	v7 =	vld [tilespmem:s15+$0xD280]  }
0x345: {  	v8 =	vld [tilespmem:s20+$0x0];
	v4 =	vadd.f32 v5, v4  }
0x346: {  	v5 =	vld [tilespmem:s15+$0xD2C0]  }
0x347: {  	v4 =	vadd.f32 v6, v4;
	_ =	sdelay $0x1  }
0x348: {  	v6 =	vadd.f32 v7, v4;
	_ =	sdelay $0x1  }
0x349: {  	v4 =	vperm.xlane v8, v3;
	v5 =	vadd.f32 v5, v6;
	_ =	sdelay $0x1  }
0x34a: {  	v5 =	vmul.f32 v5, v4  }
0x34b: {  	s8 =	sshra.s32 s26, $0x2  }
0x34c: {  	[tilespmem:s8+$0x13680] =	vst v5  }
0x34d: {  	v5 =	vld [tilespmem:s15+$0xC690]  }
0x34e: {  	v6 =	vld [tilespmem:s15+$0xC6D0];
	_ =	sdelay $0x1  }
0x34f: {  	v7 =	vld [tilespmem:s15+$0xCA90];
	_ =	sdelay $0x1  }
0x350: {  	v8 =	vld [tilespmem:s15+$0xCAD0]  }
0x351: {  	v5 =	vadd.f32 v6, v5  }
0x352: {  	v6 =	vld [tilespmem:s15+$0xCE90]  }
0x353: {  	v5 =	vadd.f32 v7, v5  }
0x354: {  	v7 =	vld [tilespmem:s15+$0xCED0]  }
0x355: {  	v5 =	vadd.f32 v8, v5  }
0x356: {  	v8 =	vld [tilespmem:s15+$0xD290]  }
0x357: {  	v5 =	vadd.f32 v6, v5  }
0x358: {  	v6 =	vld [tilespmem:s15+$0xD2D0]  }
0x359: {  	v5 =	vadd.f32 v7, v5;
	_ =	sdelay $0x1  }
0x35a: {  	v5 =	vadd.f32 v8, v5;
	_ =	sdelay $0x1  }
0x35b: {  	v5 =	vadd.f32 v6, v5;
	_ =	sdelay $0x1  }
0x35c: {  	v5 =	vmul.f32 v5, v4;
	_ =	sdelay $0x1  }
0x35d: {  	[tilespmem:s8+$0x13690] =	vst v5  }
0x35e: {  	v5 =	vld [tilespmem:s15+$0xC6A0]  }
0x35f: {  	v6 =	vld [tilespmem:s15+$0xC6E0];
	_ =	sdelay $0x1  }
0x360: {  	v7 =	vld [tilespmem:s15+$0xCAA0];
	_ =	sdelay $0x1  }
0x361: {  	v8 =	vld [tilespmem:s15+$0xCAE0]  }
0x362: {  	v5 =	vadd.f32 v6, v5  }
0x363: {  	v6 =	vld [tilespmem:s15+$0xCEA0]  }
0x364: {  	v5 =	vadd.f32 v7, v5  }
0x365: {  	v7 =	vld [tilespmem:s15+$0xCEE0]  }
0x366: {  	v5 =	vadd.f32 v8, v5  }
0x367: {  	v8 =	vld [tilespmem:s15+$0xD2A0]  }
0x368: {  	v5 =	vadd.f32 v6, v5  }
0x369: {  	v6 =	vld [tilespmem:s15+$0xD2E0]  }
0x36a: {  	v5 =	vadd.f32 v7, v5;
	_ =	sdelay $0x1  }
0x36b: {  	v5 =	vadd.f32 v8, v5;
	_ =	sdelay $0x1  }
0x36c: {  	v5 =	vadd.f32 v6, v5;
	_ =	sdelay $0x1  }
0x36d: {  	v5 =	vmul.f32 v5, v4;
	_ =	sdelay $0x1  }
0x36e: {  	[tilespmem:s8+$0x136A0] =	vst v5  }
0x36f: {  	v5 =	vld [tilespmem:s15+$0xC6B0]  }
0x370: {  	v6 =	vld [tilespmem:s15+$0xC6F0]  }
0x371: {  	v7 =	vld [tilespmem:s15+$0xCAB0]  }
0x372: {  	v8 =	vld [tilespmem:s15+$0xCAF0]  }
0x373: {  	v9 =	vld [tilespmem:s15+$0xCEB0]  }
0x374: {  	v10 =	vld [tilespmem:s15+$0xCEF0]  }
0x375: {  	v6 =	vadd.f32 v6, v5;
	v11 =	vld [tilespmem:s15+$0xD2B0]  }
0x376: {  	v5 =	vld [tilespmem:s15+$0xD2F0]  }
0x377: {  	v6 =	vadd.f32 v7, v6;
	_ =	sdelay $0x1  }
0x378: {  	v6 =	vadd.f32 v8, v6;
	_ =	sdelay $0x1  }
.Ltmp3:
0x379: {  	v6 =	vadd.f32 v9, v6;
	(pc) =	sbr.rel @p1 .LBB2_9-.Ltmp3, $3  }
0x37a: {  	_ = 	snop  }
0x37b: {  	v6 =	vadd.f32 v10, v6;
	_ =	sdelay $0x1  }
0x37c: {  	v6 =	vadd.f32 v11, v6  }
0x37d: {  	_ = 	snop  }
0x37e: {  	v5 =	vadd.f32 v5, v6;
	_ =	sdelay $0x1  }
0x37f: {  	v4 =	vmul.f32 v5, v4;
	_ =	sdelay $0x1  }
0x380: {  	[tilespmem:s8+$0x136B0] =	vst v4  }
0x381: {  	v4 =	vld @!p0 [tilespmem:s24+$0xE0];
	_ =	sdelay $0x4  }
0x382: {  	v5 =	vshll.u32 @!p0 v4, $0x2  }
0x383: {  	v6 =	vlaneseq.u32 @!p0;
	v4 =	vand.u32 @!p0 $0x7, v4;
	v5 =	vand.u32 @!p0 $0xFFFFFFE0, v5  }
0x384: {  	v7 =	vshrl.u32 @!p0 v6, $0x3;
	v4 =	vor.u32 @!p0 v4, v5;
	v5 =	vand.u32 @!p0 $0x7, v6  }
0x385: {  	v7 =	vmul.u32 @!p0 $0x8, v7;
	v8 =	vperm.xlane @!p0 v4, v5;
	_ =	sdelay $0x1  }
0x386: {  	v8 =	vadd.s32 @!p0 v7, v8  }
0x387: {  	v6 =	vor.u32 @!p0 $0x8, v6  }
0x388: {  	v4 =	vperm.xlane @!p0 v4, v6;
	_ =	sdelay $0x1  }
0x389: {  	s9 =	simm.s32 @!p0 $0xC680;
	s8 =	simm.s32 @!p0 $0x0;
	v4 =	vadd.s32 @!p0 v7, v4  }
0x38a: {  	[tilespmem:s9], [sflag:$0x5] =	stream.indirect_vreg.gather @!p0 [hbm4b:s4+s8], $0x80, v8, vm1, $0xb8;
	[tilespmem:$0x14680] =	vst v63  }
0x38b: {  	s9 =	simm.s32 @!p0 $0xCE80  }
0x38c: {  	[tilespmem:s9], [sflag:$0x5] =	stream.indirect_vreg.gather @!p0 [hbm4b:s6+s8], $0x80, v8, vm1, $0xb8;
	[tilespmem:$0x14680] =	vst v63  }
0x38d: {  	s9 =	simm.s32 @!p0 $0xD680  }
0x38e: {  	[tilespmem:s9], [sflag:$0x5] =	stream.indirect_vreg.gather @!p0 [hbm4b:s4+s8], $0x80, v4, vm1, $0xb8;
	[tilespmem:$0x14680] =	vst v63  }
0x38f: {  	s9 =	simm.s32 @!p0 $0xDE80  }
0x390: {  	[tilespmem:s9], [sflag:$0x5] =	stream.indirect_vreg.gather @!p0 [hbm4b:s6+s8], $0x80, v4, vm1, $0xb8;
	[tilespmem:$0x14680] =	vst v63  }
0x391: {  	v4 =	vld @!p0 [tilespmem:s24+$0xF0];
	_ =	sdelay $0x4  }
0x392: {  	v8 =	vshll.u32 @!p0 v4, $0x2  }
0x393: {  	v4 =	vand.u32 @!p0 $0x7, v4;
	v8 =	vand.u32 @!p0 $0xFFFFFFE0, v8  }
0x394: {  	v4 =	vor.u32 @!p0 v4, v8  }
0x395: {  	v5 =	vperm.xlane @!p0 v4, v5;
	_ =	sdelay $0x1  }
0x396: {  	v5 =	vadd.s32 @!p0 v7, v5;
	_ =	sdelay $0x1  }
0x397: {  	v4 =	vperm.xlane @!p0 v4, v6;
	_ =	sdelay $0x1  }
0x398: {  	s9 =	simm.s32 @!p0 $0xE680;
	v4 =	vadd.s32 @!p0 v7, v4  }
0x399: {  	[tilespmem:s9], [sflag:$0x5] =	stream.indirect_vreg.gather @!p0 [hbm4b:s4+s8], $0x80, v5, vm1, $0xb8;
	[tilespmem:$0x14680] =	vst v63  }
0x39a: {  	s9 =	simm.s32 @!p0 $0xEE80  }
0x39b: {  	[tilespmem:s9], [sflag:$0x5] =	stream.indirect_vreg.gather @!p0 [hbm4b:s6+s8], $0x80, v5, vm1, $0xb8;
	[tilespmem:$0x14680] =	vst v63  }
0x39c: {  	s9 =	simm.s32 @!p0 $0xF680  }
0x39d: {  	[tilespmem:s9], [sflag:$0x5] =	stream.indirect_vreg.gather @!p0 [hbm4b:s4+s8], $0x80, v4, vm1, $0xb8;
	[tilespmem:$0x14680] =	vst v63  }
0x39e: {  	s23 =	sadd.s32 $0x1, s23;
	s9 =	simm.s32 @!p0 $0xFE80  }
0x39f: {  	[tilespmem:s9], [sflag:$0x5] =	stream.indirect_vreg.gather @!p0 [hbm4b:s6+s8], $0x80, v4, vm1, $0xb8;
	[tilespmem:$0x14680] =	vst v63  }
0x3a0: {  	p0 =	sne.s32 s23, $0x4  }
.Ltmp4:
0x3a1: {  	_ = 	snop;
	(pc) =	sbr.rel @p0 .LBB2_2-.Ltmp4, $4  }
0x3a2: {  	_ = 	snop  }
0x3a3: {  	s5 =	sshll.u32 s5, $0x9;
	s19 =	sadd.s32 $0x80, s19;
	s14 =	sadd.s32 $0x80, s14  }
0x3a4: {  	s21 =	sadd.s32 $0x80, s21;
	s22 =	sadd.s32 $0x80, s22;
	s5 =	sadd.s32 s5, s7  }
0x3a5: {  	[hbm4b:s5+s3] =	stream.linear.scatter [tilespmem:s13], [sflag:$0x9], $0x1000, $0x38;
	[tilespmem:$0x14680] =	vst v63  }
0x3a6: {  	s5 =	simm.s32 $0x6  }
0x3a7: {  	_ =	swait.ge [sflag:s5], $0x1000  }
0x3a8: {  	[sflag:s5] =	ssyncset.done $0x0  }
0x3a9: {  	s24 =	simm.s32 $0x7;
	[sflag:s5] =	ssyncadd.s32 $0xFFFFF000  }
0x3aa: {  	_ =	swait.ge [sflag:s24], $0x1000  }
0x3ab: {  	[sflag:s24] =	ssyncset.done $0x0  }
0x3ac: {  	s25 =	simm.s32 $0x8;
	[sflag:s24] =	ssyncadd.s32 $0xFFFFF000  }
0x3ad: {  	_ =	swait.ge [sflag:s25], $0x1000  }
0x3ae: {  	[sflag:s25] =	ssyncset.done $0x0  }
0x3af: {  	[sflag:s25] =	ssyncadd.s32 $0xFFFFF000  }
0x3b0: {  	_ =	swait.ge [sflag:s17], $0x1000  }
0x3b1: {  	s18 =	sadd.s32 $0x1, s18;
	s26 =	rddreg [dreg:$0x5]  }
0x3b2: {  	p0 =	sne.s32 s18, s26  }
.Ltmp5:
0x3b3: {  	_ = 	snop;
	(pc) =	sbr.rel @p0 .LBB2_1-.Ltmp5, $3  }
0x3b4: {  	_ =	sdelay $0x1  }
0x3b5: {  	[sflag:s17] =	ssyncset.done $0x0  }
0x3b6: {  	[sflag:s17] =	ssyncadd.s32 $0xFFFFF000  }
0x3b7: {  	_ =	sfence.sel $0x180000  }
0x3b8: {  	[bflag:$0x0] =	sbarrier.arrive $0xFFFF  }
0x3b9: {  	_ =	strace $0x90000047  }
0x3ba: {  	s0 =	stileid.u32;
	[bflag:$0x2] =	sbarrier.arrive $0xFFFF  }
0x3bb: {  	p0 =	sne.s32 s0, $0x0;
	s0 =	rddreg [dreg:$0x3]  }
0x3bc: {  	s0 =	sadd.s32 @!p0 $0x100000, s0  }
0x3bd: {  	[sflag:s0] =	ssyncadd.tile.s32 @!p0 $0x1;
	_ =	shalt  }
.Lfunc_end2:
_tile_overlayer_lowered:
.L_overlay_start_2:
0x3be: {  	(tag) =	ssettag $0x2  }
0x3bf: {  	s0 =	rddreg [dreg:$0x0];
	s2 =	stileid.u32  }
0x3c0: {  	s1 =	rddreg [dreg:$0x1];
	p0 =	sne.s32 s2, $0x0  }
0x3c1: {  	s3 =	rddreg [dreg:$0x2];
	[bflag:$0x3] =	sbarrier.arrive $0xFFFF;
	s2 =	simm.s32 @!p0 $0x1C0A  }
0x3c2: {  	[timem:s3], [sflag:s2] =	dma.local @!p0 [hbm:s0], s1  }
0x3c3: {  	s0 =	simm.s32 @!p0 $0xA  }
0x3c4: {  	_ =	swait.ge @!p0 [sflag:s0], s1  }
0x3c5: {  	s1 =	ssub.s32 @!p0 $0x0, s1;
	[sflag:s0] =	ssyncset.done @!p0 $0x0  }
0x3c6: {  	[sflag:s0] =	ssyncadd.s32 @!p0 s1  }
0x3c7: {  	[bflag:$0x3] =	sbarrier.arrive $0xFFFF  }
0x3c8: {  	_ =	shalt  }

</sc_bundles>
